<compile_context>
chip_gen: v7x
topology: tpu7x:2x2x1
jax: 0.10.2.dev20260603
libtpu: 0.0.44.dev20260713+nightly
codegen_flags: <defaults>
</compile_context>

<pallas_src>
import functools

import jax
import jax.numpy as jnp
from jax import lax
from jax.experimental import pallas as pl
from jax.experimental.pallas import tpu as pltpu
from jax.experimental.pallas import tpu_sc as plsc

D_MODEL = 768
D_HID = 1536
NE = 8
TB = 512
BLK = 256
T = 2048
CAP = T
SPB = CAP // BLK
NB = NE * SPB
R = NE * CAP
NEG = -1e30

NW = 32
L = 16
TPW = T // NW
NCK = 4
CK = TPW // NCK


def _router_body(x_ref, gw_ref, p1_ref, p2_ref, wa_ref, wb_ref,
                 val_ref, xmap_ref, offs_ref):
    logits = jnp.dot(x_ref[...], gw_ref[...], preferred_element_type=jnp.float32)
    lane = lax.broadcasted_iota(jnp.int32, (TB, NE), 1)
    m1 = jnp.max(logits, axis=1, keepdims=True)
    i1 = jnp.min(jnp.where(logits == m1, lane, NE), axis=1, keepdims=True)
    l2 = jnp.where(lane == i1, NEG, logits)
    m2 = jnp.max(l2, axis=1, keepdims=True)
    i2 = jnp.min(jnp.where(l2 == m2, lane, NE), axis=1, keepdims=True)
    e2 = jnp.exp(m2 - m1)
    s = 1.0 + e2

    @pl.when(pl.program_id(0) == 0)
    def _():
        offs_ref[...] = jnp.zeros_like(offs_ref)

    pairmask = jnp.where((lane == i1) | (lane == i2), 1.0, 0.0)
    row = lax.broadcasted_iota(jnp.int32, (TB, TB), 0)
    col = lax.broadcasted_iota(jnp.int32, (TB, TB), 1)
    ltri = jnp.where(col < row, 1.0, 0.0)
    rank = jnp.dot(ltri, pairmask, preferred_element_type=jnp.float32)
    rank = rank + offs_ref[...]
    r1 = jnp.sum(jnp.where(lane == i1, rank, 0.0), axis=1,
                 keepdims=True).astype(jnp.int32)
    r2 = jnp.sum(jnp.where(lane == i2, rank, 0.0), axis=1,
                 keepdims=True).astype(jnp.int32)
    p1_ref[...] = i1 * CAP + r1
    p2_ref[...] = i2 * CAP + r2
    wa_ref[...] = jnp.broadcast_to(1.0 / s, (TB, L))
    wb_ref[...] = jnp.broadcast_to(e2 / s, (TB, L))
    offs = offs_ref[...] + jnp.sum(pairmask, axis=0, keepdims=True)
    offs_ref[...] = offs

    @pl.when(pl.program_id(0) == pl.num_programs(0) - 1)
    def _():
        nblk = jnp.floor((offs + (BLK - 1)) * (1.0 / BLK))
        siota = lax.broadcasted_iota(jnp.int32, (SPB, NE), 0).astype(jnp.float32)
        valid_c = jnp.where(siota * BLK < jnp.broadcast_to(offs, (SPB, NE)),
                            1.0, 0.0)
        smax = jnp.maximum(nblk - 1.0, 0.0)
        xmap_c = jnp.minimum(siota, jnp.broadcast_to(smax, (SPB, NE)))
        r8 = lax.broadcasted_iota(jnp.int32, (NE, NE), 0)
        c8 = lax.broadcasted_iota(jnp.int32, (NE, NE), 1)
        eye = jnp.where(r8 == c8, 1.0, 0.0)
        tdims = (((0,), (0,)), ((), ()))
        valid_r = lax.dot_general(valid_c, eye, tdims,
                                  preferred_element_type=jnp.float32)
        xmap_r = lax.dot_general(xmap_c, eye, tdims,
                                 preferred_element_type=jnp.float32)
        val_ref[...] = valid_r.astype(jnp.int32)
        xmap_ref[...] = (xmap_r + (r8 * SPB).astype(jnp.float32)).astype(jnp.int32)


def _make_dispatch():
    @functools.partial(
        pl.kernel,
        mesh=plsc.VectorSubcoreMesh(core_axis_name="c", subcore_axis_name="s"),
        out_type=jax.ShapeDtypeStruct((R, D_MODEL), jnp.float32),
        scratch_types=[
            pltpu.VMEM((TPW,), jnp.int32),
            pltpu.VMEM((TPW,), jnp.int32),
            pltpu.VMEM((TPW, D_MODEL), jnp.float32),
            pltpu.SemaphoreType.DMA,
            pltpu.SemaphoreType.DMA,
        ],
    )
    def dispatch(x_hbm, pos1_hbm, pos2_hbm, sx_hbm, idx1_v, idx2_v, rows_v,
                 sem1, sem2):
        wid = lax.axis_index("s") * 2 + lax.axis_index("c")
        base = wid * TPW
        pltpu.sync_copy(pos1_hbm.at[pl.ds(base, TPW)], idx1_v)
        pltpu.sync_copy(pos2_hbm.at[pl.ds(base, TPW)], idx2_v)
        pltpu.sync_copy(x_hbm.at[pl.ds(base, TPW)], rows_v)
        cp1 = pltpu.async_copy(rows_v, sx_hbm.at[idx1_v], sem1)
        cp2 = pltpu.async_copy(rows_v, sx_hbm.at[idx2_v], sem2)
        cp1.wait()
        cp2.wait()

    return dispatch


def _gemm_body(xmap_ref, val_ref, xs_ref, w1_ref, b1_ref, w2_ref, b2_ref, o_ref):
    b = pl.program_id(0)

    @pl.when(val_ref[b] != 0)
    def _():
        h = jnp.dot(xs_ref[...], w1_ref[0], preferred_element_type=jnp.float32)
        h = h + b1_ref[0]
        h = 0.5 * h * (1.0 + lax.erf(h * 0.7071067811865476))
        o_ref[...] = jnp.dot(h, w2_ref[0],
                             preferred_element_type=jnp.float32) + b2_ref[0]


def _make_combine():
    @functools.partial(
        pl.kernel,
        mesh=plsc.VectorSubcoreMesh(core_axis_name="c", subcore_axis_name="s"),
        out_type=jax.ShapeDtypeStruct((T, D_MODEL), jnp.float32),
        scratch_types=[
            pltpu.VMEM((TPW,), jnp.int32),
            pltpu.VMEM((TPW,), jnp.int32),
            pltpu.VMEM((TPW, L), jnp.float32),
            pltpu.VMEM((TPW, L), jnp.float32),
            pltpu.VMEM((TPW, D_MODEL), jnp.float32),
            pltpu.VMEM((TPW, D_MODEL), jnp.float32),
            pltpu.SemaphoreType.DMA,
            pltpu.SemaphoreType.DMA,
        ],
    )
    def combine(y_hbm, pos1_hbm, pos2_hbm, wa_hbm, wb_hbm, out_hbm,
                idx1_v, idx2_v, wa_v, wb_v, buf1, buf2, sem1, sem2):
        wid = lax.axis_index("s") * 2 + lax.axis_index("c")
        base = wid * TPW
        pltpu.sync_copy(pos1_hbm.at[pl.ds(base, TPW)], idx1_v)
        pltpu.sync_copy(pos2_hbm.at[pl.ds(base, TPW)], idx2_v)
        pltpu.sync_copy(wa_hbm.at[pl.ds(base, TPW)], wa_v)
        pltpu.sync_copy(wb_hbm.at[pl.ds(base, TPW)], wb_v)
        cp1 = pltpu.async_copy(y_hbm.at[idx1_v], buf1, sem1)
        cp2 = pltpu.async_copy(y_hbm.at[idx2_v], buf2, sem2)
        cp1.wait()
        cp2.wait()

        def body(t, carry):
            wa = wa_v[t, :]
            wb = wb_v[t, :]
            for j in range(D_MODEL // L):
                sl = pl.ds(j * L, L)
                buf1[t, sl] = wa * buf1[t, sl] + wb * buf2[t, sl]
            return carry

        lax.fori_loop(0, TPW, body, 0)
        pltpu.sync_copy(buf1, out_hbm.at[pl.ds(base, TPW)])

    return combine


def kernel(x, gate_w, w1, b1, w2, b2):
    B = x.shape[0]
    xf = x.reshape(T, D_MODEL)
    ntb = T // TB
    shp = jax.ShapeDtypeStruct

    p1o, p2o, wao, wbo, valo, xmapo = pl.pallas_call(
        _router_body,
        grid=(ntb,),
        in_specs=[
            pl.BlockSpec((TB, D_MODEL), lambda t: (t, 0)),
            pl.BlockSpec((D_MODEL, NE), lambda t: (0, 0)),
        ],
        out_specs=[
            pl.BlockSpec((TB, 1), lambda t: (t, 0)),
            pl.BlockSpec((TB, 1), lambda t: (t, 0)),
            pl.BlockSpec((TB, L), lambda t: (t, 0)),
            pl.BlockSpec((TB, L), lambda t: (t, 0)),
            pl.BlockSpec((NE, SPB), lambda t: (0, 0)),
            pl.BlockSpec((NE, SPB), lambda t: (0, 0)),
        ],
        out_shape=[
            shp((T, 1), jnp.int32), shp((T, 1), jnp.int32),
            shp((T, L), jnp.float32), shp((T, L), jnp.float32),
            shp((NE, SPB), jnp.int32), shp((NE, SPB), jnp.int32),
        ],
        scratch_shapes=[pltpu.VMEM((1, NE), jnp.float32)],
    )(xf, gate_w)

    pos1 = p1o.reshape(T)
    pos2 = p2o.reshape(T)
    sorted_x = _make_dispatch()(xf, pos1, pos2)

    grid_spec = pltpu.PrefetchScalarGridSpec(
        num_scalar_prefetch=2,
        grid=(NB,),
        in_specs=[
            pl.BlockSpec((BLK, D_MODEL), lambda b, xm, val: (xm[b], 0)),
            pl.BlockSpec((1, D_MODEL, D_HID), lambda b, xm, val: (b // SPB, 0, 0)),
            pl.BlockSpec((1, 1, D_HID), lambda b, xm, val: (b // SPB, 0, 0)),
            pl.BlockSpec((1, D_HID, D_MODEL), lambda b, xm, val: (b // SPB, 0, 0)),
            pl.BlockSpec((1, 1, D_MODEL), lambda b, xm, val: (b // SPB, 0, 0)),
        ],
        out_specs=pl.BlockSpec((BLK, D_MODEL), lambda b, xm, val: (xm[b], 0)),
    )
    y_sorted = pl.pallas_call(
        _gemm_body,
        grid_spec=grid_spec,
        out_shape=shp((R, D_MODEL), jnp.float32),
    )(xmapo.reshape(NB), valo.reshape(NB), sorted_x, w1, b1, w2, b2)

    out = _make_combine()(y_sorted, pos1, pos2, wao, wbo)
    return out.reshape(B, T, D_MODEL)

# --- scband reference (transcript-rebuilt; emitter-appended) ---
"""Pipeline reference for scband-mo-effn-38165079392265 (READ-ONLY COPY).

The authoritative reference and input builder live on the scoring server;
editing this copy changes nothing except your own understanding.
"""

import jax, jax.numpy as jnp
import numpy as np

D_MODEL = 768
D_HID = 1536
NUM_EXPERTS = 8
TOP_K = 2


def setup_inputs(seed: int = 0) -> dict:
    key = jax.random.key(seed)
    k_x, k_gate, k_w1, k_w2 = jax.random.split(key, 4)
    x = jax.random.normal(k_x, (1, 2048, D_MODEL), dtype=jnp.float32)
    # router gate: nn.Linear(d_model, num_experts, bias=False); store as [D, E] so logits = x @ gate_w
    bound_g = 1.0 / np.sqrt(D_MODEL)
    gate_w = jax.random.uniform(k_gate, (D_MODEL, NUM_EXPERTS), minval=-bound_g, maxval=bound_g, dtype=jnp.float32)
    # expert weights: kaiming_uniform over each [d_model, d_hid] slice -> bound = sqrt(6/fan_in) with a=sqrt(5) => sqrt(6/(1+5))/sqrt(fan_in) = 1/sqrt(fan_in)... use kaiming_uniform default (a=sqrt(5)) bound = sqrt(6/((1+5)*fan_in)) = 1/sqrt(fan_in)
    bound1 = 1.0 / np.sqrt(D_MODEL)
    w1 = jax.random.uniform(k_w1, (NUM_EXPERTS, D_MODEL, D_HID), minval=-bound1, maxval=bound1, dtype=jnp.float32)
    b1 = jnp.zeros((NUM_EXPERTS, 1, D_HID), dtype=jnp.float32)
    bound2 = 1.0 / np.sqrt(D_HID)
    w2 = jax.random.uniform(k_w2, (NUM_EXPERTS, D_HID, D_MODEL), minval=-bound2, maxval=bound2, dtype=jnp.float32)
    b2 = jnp.zeros((NUM_EXPERTS, 1, D_MODEL), dtype=jnp.float32)
    return {"x": x, "gate_w": gate_w, "w1": w1, "b1": b1, "w2": w2, "b2": b2}


def reference(x, gate_w, w1, b1, w2, b2):
    B, T, D = x.shape
    x_flat = x.reshape(-1, D)  # [N, D]
    # Router (TopKRouter)
    router_logits = x_flat @ gate_w  # [N, E]
    scores = jax.nn.softmax(router_logits, axis=-1)
    top_k_weights, top_k_indices = jax.lax.top_k(scores, TOP_K)  # [N, K]
    top_k_weights = top_k_weights / jnp.sum(top_k_weights, axis=-1, keepdims=True)
    # Dropless MoE FFN (bmm backend): compute every expert on every token, then combine top-k
    h = jnp.einsum('nd,edh->enh', x_flat, w1) + b1  # [E, N, H]
    h = jax.nn.gelu(h, approximate=False)
    y = jnp.einsum('enh,ehd->end', h, w2) + b2  # [E, N, D]
    y_t = jnp.transpose(y, (1, 0, 2))  # [N, E, D]
    y_k = jnp.take_along_axis(y_t, top_k_indices[..., None], axis=1)  # [N, K, D]
    out = jnp.sum(y_k * top_k_weights[..., None], axis=1)  # [N, D]
    return out.reshape(B, T, D)

if __name__ == "__main__":
    import jax
    _d = setup_inputs()
    print(jax.jit(kernel)(*tuple(_d.values())))

</pallas_src>

<mosaic_0001>
#map = affine_map<(d0, d1) -> (0, 0)>
#map1 = affine_map<(d0, d1) -> (0)>
module attributes {stable_mosaic.version = 14 : i64} {
  func.func @combine(%arg0: i32, %arg1: i32, %arg2: memref<16384x768xf32, #tpu.memory_space<hbm>>, %arg3: memref<2048xi32, #tpu.memory_space<hbm>>, %arg4: memref<2048xi32, #tpu.memory_space<hbm>>, %arg5: memref<2048x16xf32, #tpu.memory_space<hbm>>, %arg6: memref<2048x16xf32, #tpu.memory_space<hbm>>, %arg7: memref<2048x768xf32, #tpu.memory_space<hbm>>, %arg8: memref<64xi32, #tpu.memory_space<vmem>>, %arg9: memref<64xi32, #tpu.memory_space<vmem>>, %arg10: memref<64x16xf32, #tpu.memory_space<vmem>>, %arg11: memref<64x16xf32, #tpu.memory_space<vmem>>, %arg12: memref<64x768xf32, #tpu.memory_space<vmem>>, %arg13: memref<64x768xf32, #tpu.memory_space<vmem>>, %arg14: memref<!tpu.dma_semaphore, #tpu.memory_space<semaphore_mem>>, %arg15: memref<!tpu.dma_semaphore, #tpu.memory_space<semaphore_mem>>) attributes {dimension_semantics = [#tpu.dimension_semantics<core_parallel>, #tpu.dimension_semantics<subcore_parallel>], iteration_bounds = array<i64: 2, 16>, scalar_prefetch = 0 : i64, scratch_operands = 8 : i64, tpu.core_type = #tpu.core_type<sc_vector_subcore>, window_params = [{transform_indices = #map}, {transform_indices = #map1}, {transform_indices = #map1}, {transform_indices = #map}, {transform_indices = #map}, {transform_indices = #map}]} {
    %mul3A = arith.constant 2 : i32
    %mul3A_0 = arith.muli %arg1, %mul3A : i32
    %add3A = arith.addi %mul3A_0, %arg0 : i32
    %mul3A_1 = arith.constant 64 : i32
    %mul3A_2 = arith.muli %add3A, %mul3A_1 : i32
    "tpu.region"() ({
      %run_scoped3A = tpu.sem_alloc : memref<!tpu.dma_semaphore, #tpu.memory_space<semaphore_mem>>
      %dma_start3A_18 = tpu.memref_slice %arg3[%mul3A_2] : memref<2048xi32, #tpu.memory_space<hbm>> -> memref<64xi32, #tpu.memory_space<hbm>>
      %dma_start3A_19 = tpu.memref_slice %arg3[%mul3A_2] : memref<2048xi32, #tpu.memory_space<hbm>> -> memref<64xi32, #tpu.memory_space<hbm>>
      tpu.enqueue_dma source(%dma_start3A_19 : memref<64xi32, #tpu.memory_space<hbm>>) target(%arg8 : memref<64xi32, #tpu.memory_space<vmem>>) target_semaphore(%run_scoped3A : memref<!tpu.dma_semaphore, #tpu.memory_space<semaphore_mem>>)
      %dma_wait3A_20 = tpu.memref_slice %arg3[%mul3A_2] : memref<2048xi32, #tpu.memory_space<hbm>> -> memref<64xi32, #tpu.memory_space<hbm>>
      %dma_wait3A_21 = tpu.memref_slice %arg3[%mul3A_2] : memref<2048xi32, #tpu.memory_space<hbm>> -> memref<64xi32, #tpu.memory_space<hbm>>
      tpu.wait_dma2 semaphore(%run_scoped3A : memref<!tpu.dma_semaphore, #tpu.memory_space<semaphore_mem>>) src(%dma_wait3A_21 : memref<64xi32, #tpu.memory_space<hbm>>) dst(%arg8 : memref<64xi32, #tpu.memory_space<vmem>>)
      tpu.yield
    }) : () -> ()
    "tpu.region"() ({
      %run_scoped3A = tpu.sem_alloc : memref<!tpu.dma_semaphore, #tpu.memory_space<semaphore_mem>>
      %dma_start3A_18 = tpu.memref_slice %arg4[%mul3A_2] : memref<2048xi32, #tpu.memory_space<hbm>> -> memref<64xi32, #tpu.memory_space<hbm>>
      %dma_start3A_19 = tpu.memref_slice %arg4[%mul3A_2] : memref<2048xi32, #tpu.memory_space<hbm>> -> memref<64xi32, #tpu.memory_space<hbm>>
      tpu.enqueue_dma source(%dma_start3A_19 : memref<64xi32, #tpu.memory_space<hbm>>) target(%arg9 : memref<64xi32, #tpu.memory_space<vmem>>) target_semaphore(%run_scoped3A : memref<!tpu.dma_semaphore, #tpu.memory_space<semaphore_mem>>)
      %dma_wait3A_20 = tpu.memref_slice %arg4[%mul3A_2] : memref<2048xi32, #tpu.memory_space<hbm>> -> memref<64xi32, #tpu.memory_space<hbm>>
      %dma_wait3A_21 = tpu.memref_slice %arg4[%mul3A_2] : memref<2048xi32, #tpu.memory_space<hbm>> -> memref<64xi32, #tpu.memory_space<hbm>>
      tpu.wait_dma2 semaphore(%run_scoped3A : memref<!tpu.dma_semaphore, #tpu.memory_space<semaphore_mem>>) src(%dma_wait3A_21 : memref<64xi32, #tpu.memory_space<hbm>>) dst(%arg9 : memref<64xi32, #tpu.memory_space<vmem>>)
      tpu.yield
    }) : () -> ()
    "tpu.region"() ({
      %run_scoped3A = tpu.sem_alloc : memref<!tpu.dma_semaphore, #tpu.memory_space<semaphore_mem>>
      %dma_start3A_18 = arith.constant 0 : i32
      %dma_start3A_19 = tpu.memref_slice %arg5[%mul3A_2, %dma_start3A_18] : memref<2048x16xf32, #tpu.memory_space<hbm>> -> memref<64x16xf32, #tpu.memory_space<hbm>>
      %dma_start3A_20 = arith.constant 0 : i32
      %dma_start3A_21 = tpu.memref_slice %arg5[%mul3A_2, %dma_start3A_20] : memref<2048x16xf32, #tpu.memory_space<hbm>> -> memref<64x16xf32, #tpu.memory_space<hbm>>
      tpu.enqueue_dma source(%dma_start3A_21 : memref<64x16xf32, #tpu.memory_space<hbm>>) target(%arg10 : memref<64x16xf32, #tpu.memory_space<vmem>>) target_semaphore(%run_scoped3A : memref<!tpu.dma_semaphore, #tpu.memory_space<semaphore_mem>>)
      %dma_wait3A_22 = arith.constant 0 : i32
      %dma_wait3A_23 = tpu.memref_slice %arg5[%mul3A_2, %dma_wait3A_22] : memref<2048x16xf32, #tpu.memory_space<hbm>> -> memref<64x16xf32, #tpu.memory_space<hbm>>
      %dma_wait3A_24 = arith.constant 0 : i32
      %dma_wait3A_25 = tpu.memref_slice %arg5[%mul3A_2, %dma_wait3A_24] : memref<2048x16xf32, #tpu.memory_space<hbm>> -> memref<64x16xf32, #tpu.memory_space<hbm>>
      tpu.wait_dma2 semaphore(%run_scoped3A : memref<!tpu.dma_semaphore, #tpu.memory_space<semaphore_mem>>) src(%dma_wait3A_25 : memref<64x16xf32, #tpu.memory_space<hbm>>) dst(%arg10 : memref<64x16xf32, #tpu.memory_space<vmem>>)
      tpu.yield
    }) : () -> ()
    "tpu.region"() ({
      %run_scoped3A = tpu.sem_alloc : memref<!tpu.dma_semaphore, #tpu.memory_space<semaphore_mem>>
      %dma_start3A_18 = arith.constant 0 : i32
      %dma_start3A_19 = tpu.memref_slice %arg6[%mul3A_2, %dma_start3A_18] : memref<2048x16xf32, #tpu.memory_space<hbm>> -> memref<64x16xf32, #tpu.memory_space<hbm>>
      %dma_start3A_20 = arith.constant 0 : i32
      %dma_start3A_21 = tpu.memref_slice %arg6[%mul3A_2, %dma_start3A_20] : memref<2048x16xf32, #tpu.memory_space<hbm>> -> memref<64x16xf32, #tpu.memory_space<hbm>>
      tpu.enqueue_dma source(%dma_start3A_21 : memref<64x16xf32, #tpu.memory_space<hbm>>) target(%arg11 : memref<64x16xf32, #tpu.memory_space<vmem>>) target_semaphore(%run_scoped3A : memref<!tpu.dma_semaphore, #tpu.memory_space<semaphore_mem>>)
      %dma_wait3A_22 = arith.constant 0 : i32
      %dma_wait3A_23 = tpu.memref_slice %arg6[%mul3A_2, %dma_wait3A_22] : memref<2048x16xf32, #tpu.memory_space<hbm>> -> memref<64x16xf32, #tpu.memory_space<hbm>>
      %dma_wait3A_24 = arith.constant 0 : i32
      %dma_wait3A_25 = tpu.memref_slice %arg6[%mul3A_2, %dma_wait3A_24] : memref<2048x16xf32, #tpu.memory_space<hbm>> -> memref<64x16xf32, #tpu.memory_space<hbm>>
      tpu.wait_dma2 semaphore(%run_scoped3A : memref<!tpu.dma_semaphore, #tpu.memory_space<semaphore_mem>>) src(%dma_wait3A_25 : memref<64x16xf32, #tpu.memory_space<hbm>>) dst(%arg11 : memref<64x16xf32, #tpu.memory_space<vmem>>)
      tpu.yield
    }) : () -> ()
    %dma_start3A = arith.constant 0 : i32
    %dma_start3A_3 = arith.constant 0 : i32
    %dma_start3A_4 = tpu.memref_slice %arg2[%dma_start3A, %dma_start3A_3] : memref<16384x768xf32, #tpu.memory_space<hbm>> -> memref<16384x768xf32, #tpu.memory_space<hbm>>
    tpu.enqueue_indirect_dma source(%dma_start3A_4 : memref<16384x768xf32, #tpu.memory_space<hbm>>) target(%arg12 : memref<64x768xf32, #tpu.memory_space<vmem>>) offsets(%arg8 : memref<64xi32, #tpu.memory_space<vmem>>) semaphore(%arg14 : memref<!tpu.dma_semaphore, #tpu.memory_space<semaphore_mem>>)
    %dma_start3A_5 = arith.constant 0 : i32
    %dma_start3A_6 = arith.constant 0 : i32
    %dma_start3A_7 = tpu.memref_slice %arg2[%dma_start3A_5, %dma_start3A_6] : memref<16384x768xf32, #tpu.memory_space<hbm>> -> memref<16384x768xf32, #tpu.memory_space<hbm>>
    tpu.enqueue_indirect_dma source(%dma_start3A_7 : memref<16384x768xf32, #tpu.memory_space<hbm>>) target(%arg13 : memref<64x768xf32, #tpu.memory_space<vmem>>) offsets(%arg9 : memref<64xi32, #tpu.memory_space<vmem>>) semaphore(%arg15 : memref<!tpu.dma_semaphore, #tpu.memory_space<semaphore_mem>>)
    %dma_wait3A = arith.constant 0 : i32
    %dma_wait3A_8 = arith.constant 0 : i32
    %dma_wait3A_9 = tpu.memref_slice %arg2[%dma_wait3A, %dma_wait3A_8] : memref<16384x768xf32, #tpu.memory_space<hbm>> -> memref<16384x768xf32, #tpu.memory_space<hbm>>
    tpu.wait_indirect_dma semaphore(%arg14 : memref<!tpu.dma_semaphore, #tpu.memory_space<semaphore_mem>>) src(%dma_wait3A_9 : memref<16384x768xf32, #tpu.memory_space<hbm>>) dst(%arg12 : memref<64x768xf32, #tpu.memory_space<vmem>>)
    %dma_wait3A_10 = arith.constant 0 : i32
    %dma_wait3A_11 = arith.constant 0 : i32
    %dma_wait3A_12 = tpu.memref_slice %arg2[%dma_wait3A_10, %dma_wait3A_11] : memref<16384x768xf32, #tpu.memory_space<hbm>> -> memref<16384x768xf32, #tpu.memory_space<hbm>>
    tpu.wait_indirect_dma semaphore(%arg15 : memref<!tpu.dma_semaphore, #tpu.memory_space<semaphore_mem>>) src(%dma_wait3A_12 : memref<16384x768xf32, #tpu.memory_space<hbm>>) dst(%arg13 : memref<64x768xf32, #tpu.memory_space<vmem>>)
    %scan3A = arith.constant 0 : i32
    %scan3A_13 = arith.constant 0 : i32
    %scan3A_14 = arith.constant 64 : i32
    %scan3A_15 = arith.addi %scan3A_13, %scan3A_14 : i32
    %scan3A_16 = arith.constant 1 : i32
    scf.for %scan3A_18 = %scan3A_13 to %scan3A_15 step %scan3A_16  : i32 {
      %get3A = arith.index_cast %scan3A_18 : i32 to index
      %get3A_19 = arith.constant 0 : index
      %get3A_20 = tpu.vector_load %arg10[%get3A, %get3A_19] {strides = array<i32>} : memref<64x16xf32, #tpu.memory_space<vmem>>, vector<1x16xf32>,
      %get3A_21 = vector.shape_cast %get3A_20 : vector<1x16xf32> to vector<16xf32>
      %get3A_22 = arith.index_cast %scan3A_18 : i32 to index
      %get3A_23 = arith.constant 0 : index
      %get3A_24 = tpu.vector_load %arg11[%get3A_22, %get3A_23] {strides = array<i32>} : memref<64x16xf32, #tpu.memory_space<vmem>>, vector<1x16xf32>,
      %get3A_25 = vector.shape_cast %get3A_24 : vector<1x16xf32> to vector<16xf32>
      %get3A_26 = arith.index_cast %scan3A_18 : i32 to index
      %get3A_27 = arith.constant 0 : index
      %get3A_28 = tpu.vector_load %arg12[%get3A_26, %get3A_27] {strides = array<i32>} : memref<64x768xf32, #tpu.memory_space<vmem>>, vector<1x16xf32>,
      %get3A_29 = vector.shape_cast %get3A_28 : vector<1x16xf32> to vector<16xf32>
      %mul3A_30 = arith.mulf %get3A_21, %get3A_29 : vector<16xf32>
      %get3A_31 = arith.index_cast %scan3A_18 : i32 to index
      %get3A_32 = arith.constant 0 : index
      %get3A_33 = tpu.vector_load %arg13[%get3A_31, %get3A_32] {strides = array<i32>} : memref<64x768xf32, #tpu.memory_space<vmem>>, vector<1x16xf32>,
      %get3A_34 = vector.shape_cast %get3A_33 : vector<1x16xf32> to vector<16xf32>
      %mul3A_35 = arith.mulf %get3A_25, %get3A_34 : vector<16xf32>
      %add3A_36 = arith.addf %mul3A_30, %mul3A_35 : vector<16xf32>
      %swap3A = arith.index_cast %scan3A_18 : i32 to index
      %swap3A_37 = arith.constant 0 : index
      %swap3A_38 = tpu.vector_load %arg12[%swap3A, %swap3A_37] {strides = array<i32>} : memref<64x768xf32, #tpu.memory_space<vmem>>, vector<1x16xf32>,
      %swap3A_39 = vector.shape_cast %swap3A_38 : vector<1x16xf32> to vector<16xf32>
      %swap3A_40 = vector.shape_cast %add3A_36 : vector<16xf32> to vector<1x16xf32>
      tpu.vector_store %arg12[%swap3A, %swap3A_37], %swap3A_40 {strides = array<i32>} : memref<64x768xf32, #tpu.memory_space<vmem>>, vector<1x16xf32>,
      %get3A_41 = arith.index_cast %scan3A_18 : i32 to index
      %get3A_42 = arith.constant 16 : index
      %get3A_43 = tpu.vector_load %arg12[%get3A_41, %get3A_42] {strides = array<i32>} : memref<64x768xf32, #tpu.memory_space<vmem>>, vector<1x16xf32>,
      %get3A_44 = vector.shape_cast %get3A_43 : vector<1x16xf32> to vector<16xf32>
      %mul3A_45 = arith.mulf %get3A_21, %get3A_44 : vector<16xf32>
      %get3A_46 = arith.index_cast %scan3A_18 : i32 to index
      %get3A_47 = arith.constant 16 : index
      %get3A_48 = tpu.vector_load %arg13[%get3A_46, %get3A_47] {strides = array<i32>} : memref<64x768xf32, #tpu.memory_space<vmem>>, vector<1x16xf32>,
      %get3A_49 = vector.shape_cast %get3A_48 : vector<1x16xf32> to vector<16xf32>
      %mul3A_50 = arith.mulf %get3A_25, %get3A_49 : vector<16xf32>
      %add3A_51 = arith.addf %mul3A_45, %mul3A_50 : vector<16xf32>
      %swap3A_52 = arith.index_cast %scan3A_18 : i32 to index
      %swap3A_53 = arith.constant 16 : index
      %swap3A_54 = tpu.vector_load %arg12[%swap3A_52, %swap3A_53] {strides = array<i32>} : memref<64x768xf32, #tpu.memory_space<vmem>>, vector<1x16xf32>,
      %swap3A_55 = vector.shape_cast %swap3A_54 : vector<1x16xf32> to vector<16xf32>
      %swap3A_56 = vector.shape_cast %add3A_51 : vector<16xf32> to vector<1x16xf32>
      tpu.vector_store %arg12[%swap3A_52, %swap3A_53], %swap3A_56 {strides = array<i32>} : memref<64x768xf32, #tpu.memory_space<vmem>>, vector<1x16xf32>,
      %get3A_57 = arith.index_cast %scan3A_18 : i32 to index
      %get3A_58 = arith.constant 32 : index
      %get3A_59 = tpu.vector_load %arg12[%get3A_57, %get3A_58] {strides = array<i32>} : memref<64x768xf32, #tpu.memory_space<vmem>>, vector<1x16xf32>,
      %get3A_60 = vector.shape_cast %get3A_59 : vector<1x16xf32> to vector<16xf32>
      %mul3A_61 = arith.mulf %get3A_21, %get3A_60 : vector<16xf32>
      %get3A_62 = arith.index_cast %scan3A_18 : i32 to index
      %get3A_63 = arith.constant 32 : index
      %get3A_64 = tpu.vector_load %arg13[%get3A_62, %get3A_63] {strides = array<i32>} : memref<64x768xf32, #tpu.memory_space<vmem>>, vector<1x16xf32>,
      %get3A_65 = vector.shape_cast %get3A_64 : vector<1x16xf32> to vector<16xf32>
      %mul3A_66 = arith.mulf %get3A_25, %get3A_65 : vector<16xf32>
      %add3A_67 = arith.addf %mul3A_61, %mul3A_66 : vector<16xf32>
      %swap3A_68 = arith.index_cast %scan3A_18 : i32 to index
      %swap3A_69 = arith.constant 32 : index
      %swap3A_70 = tpu.vector_load %arg12[%swap3A_68, %swap3A_69] {strides = array<i32>} : memref<64x768xf32, #tpu.memory_space<vmem>>, vector<1x16xf32>,
      %swap3A_71 = vector.shape_cast %swap3A_70 : vector<1x16xf32> to vector<16xf32>
      %swap3A_72 = vector.shape_cast %add3A_67 : vector<16xf32> to vector<1x16xf32>
      tpu.vector_store %arg12[%swap3A_68, %swap3A_69], %swap3A_72 {strides = array<i32>} : memref<64x768xf32, #tpu.memory_space<vmem>>, vector<1x16xf32>,
      %get3A_73 = arith.index_cast %scan3A_18 : i32 to index
      %get3A_74 = arith.constant 48 : index
      %get3A_75 = tpu.vector_load %arg12[%get3A_73, %get3A_74] {strides = array<i32>} : memref<64x768xf32, #tpu.memory_space<vmem>>, vector<1x16xf32>,
      %get3A_76 = vector.shape_cast %get3A_75 : vector<1x16xf32> to vector<16xf32>
      %mul3A_77 = arith.mulf %get3A_21, %get3A_76 : vector<16xf32>
      %get3A_78 = arith.index_cast %scan3A_18 : i32 to index
      %get3A_79 = arith.constant 48 : index
      %get3A_80 = tpu.vector_load %arg13[%get3A_78, %get3A_79] {strides = array<i32>} : memref<64x768xf32, #tpu.memory_space<vmem>>, vector<1x16xf32>,
      %get3A_81 = vector.shape_cast %get3A_80 : vector<1x16xf32> to vector<16xf32>
      %mul3A_82 = arith.mulf %get3A_25, %get3A_81 : vector<16xf32>
      %add3A_83 = arith.addf %mul3A_77, %mul3A_82 : vector<16xf32>
      %swap3A_84 = arith.index_cast %scan3A_18 : i32 to index
      %swap3A_85 = arith.constant 48 : index
      %swap3A_86 = tpu.vector_load %arg12[%swap3A_84, %swap3A_85] {strides = array<i32>} : memref<64x768xf32, #tpu.memory_space<vmem>>, vector<1x16xf32>,
      %swap3A_87 = vector.shape_cast %swap3A_86 : vector<1x16xf32> to vector<16xf32>
      %swap3A_88 = vector.shape_cast %add3A_83 : vector<16xf32> to vector<1x16xf32>
      tpu.vector_store %arg12[%swap3A_84, %swap3A_85], %swap3A_88 {strides = array<i32>} : memref<64x768xf32, #tpu.memory_space<vmem>>, vector<1x16xf32>,
      %get3A_89 = arith.index_cast %scan3A_18 : i32 to index
      %get3A_90 = arith.constant 64 : index
      %get3A_91 = tpu.vector_load %arg12[%get3A_89, %get3A_90] {strides = array<i32>} : memref<64x768xf32, #tpu.memory_space<vmem>>, vector<1x16xf32>,
      %get3A_92 = vector.shape_cast %get3A_91 : vector<1x16xf32> to vector<16xf32>
      %mul3A_93 = arith.mulf %get3A_21, %get3A_92 : vector<16xf32>
      %get3A_94 = arith.index_cast %scan3A_18 : i32 to index
      %get3A_95 = arith.constant 64 : index
      %get3A_96 = tpu.vector_load %arg13[%get3A_94, %get3A_95] {strides = array<i32>} : memref<64x768xf32, #tpu.memory_space<vmem>>, vector<1x16xf32>,
      %get3A_97 = vector.shape_cast %get3A_96 : vector<1x16xf32> to vector<16xf32>
      %mul3A_98 = arith.mulf %get3A_25, %get3A_97 : vector<16xf32>
      %add3A_99 = arith.addf %mul3A_93, %mul3A_98 : vector<16xf32>
      %swap3A_100 = arith.index_cast %scan3A_18 : i32 to index
      %swap3A_101 = arith.constant 64 : index
      %swap3A_102 = tpu.vector_load %arg12[%swap3A_100, %swap3A_101] {strides = array<i32>} : memref<64x768xf32, #tpu.memory_space<vmem>>, vector<1x16xf32>,
      %swap3A_103 = vector.shape_cast %swap3A_102 : vector<1x16xf32> to vector<16xf32>
      %swap3A_104 = vector.shape_cast %add3A_99 : vector<16xf32> to vector<1x16xf32>
      tpu.vector_store %arg12[%swap3A_100, %swap3A_101], %swap3A_104 {strides = array<i32>} : memref<64x768xf32, #tpu.memory_space<vmem>>, vector<1x16xf32>,
      %get3A_105 = arith.index_cast %scan3A_18 : i32 to index
      %get3A_106 = arith.constant 80 : index
      %get3A_107 = tpu.vector_load %arg12[%get3A_105, %get3A_106] {strides = array<i32>} : memref<64x768xf32, #tpu.memory_space<vmem>>, vector<1x16xf32>,
      %get3A_108 = vector.shape_cast %get3A_107 : vector<1x16xf32> to vector<16xf32>
      %mul3A_109 = arith.mulf %get3A_21, %get3A_108 : vector<16xf32>
      %get3A_110 = arith.index_cast %scan3A_18 : i32 to index
      %get3A_111 = arith.constant 80 : index
      %get3A_112 = tpu.vector_load %arg13[%get3A_110, %get3A_111] {strides = array<i32>} : memref<64x768xf32, #tpu.memory_space<vmem>>, vector<1x16xf32>,
      %get3A_113 = vector.shape_cast %get3A_112 : vector<1x16xf32> to vector<16xf32>
      %mul3A_114 = arith.mulf %get3A_25, %get3A_113 : vector<16xf32>
      %add3A_115 = arith.addf %mul3A_109, %mul3A_114 : vector<16xf32>
      %swap3A_116 = arith.index_cast %scan3A_18 : i32 to index
      %swap3A_117 = arith.constant 80 : index
      %swap3A_118 = tpu.vector_load %arg12[%swap3A_116, %swap3A_117] {strides = array<i32>} : memref<64x768xf32, #tpu.memory_space<vmem>>, vector<1x16xf32>,
      %swap3A_119 = vector.shape_cast %swap3A_118 : vector<1x16xf32> to vector<16xf32>
      %swap3A_120 = vector.shape_cast %add3A_115 : vector<16xf32> to vector<1x16xf32>
      tpu.vector_store %arg12[%swap3A_116, %swap3A_117], %swap3A_120 {strides = array<i32>} : memref<64x768xf32, #tpu.memory_space<vmem>>, vector<1x16xf32>,
      %get3A_121 = arith.index_cast %scan3A_18 : i32 to index
      %get3A_122 = arith.constant 96 : index
      %get3A_123 = tpu.vector_load %arg12[%get3A_121, %get3A_122] {strides = array<i32>} : memref<64x768xf32, #tpu.memory_space<vmem>>, vector<1x16xf32>,
      %get3A_124 = vector.shape_cast %get3A_123 : vector<1x16xf32> to vector<16xf32>
      %mul3A_125 = arith.mulf %get3A_21, %get3A_124 : vector<16xf32>
      %get3A_126 = arith.index_cast %scan3A_18 : i32 to index
      %get3A_127 = arith.constant 96 : index
      %get3A_128 = tpu.vector_load %arg13[%get3A_126, %get3A_127] {strides = array<i32>} : memref<64x768xf32, #tpu.memory_space<vmem>>, vector<1x16xf32>,
      %get3A_129 = vector.shape_cast %get3A_128 : vector<1x16xf32> to vector<16xf32>
      %mul3A_130 = arith.mulf %get3A_25, %get3A_129 : vector<16xf32>
      %add3A_131 = arith.addf %mul3A_125, %mul3A_130 : vector<16xf32>
      %swap3A_132 = arith.index_cast %scan3A_18 : i32 to index
      %swap3A_133 = arith.constant 96 : index
      %swap3A_134 = tpu.vector_load %arg12[%swap3A_132, %swap3A_133] {strides = array<i32>} : memref<64x768xf32, #tpu.memory_space<vmem>>, vector<1x16xf32>,
      %swap3A_135 = vector.shape_cast %swap3A_134 : vector<1x16xf32> to vector<16xf32>
      %swap3A_136 = vector.shape_cast %add3A_131 : vector<16xf32> to vector<1x16xf32>
      tpu.vector_store %arg12[%swap3A_132, %swap3A_133], %swap3A_136 {strides = array<i32>} : memref<64x768xf32, #tpu.memory_space<vmem>>, vector<1x16xf32>,
      %get3A_137 = arith.index_cast %scan3A_18 : i32 to index
      %get3A_138 = arith.constant 112 : index
      %get3A_139 = tpu.vector_load %arg12[%get3A_137, %get3A_138] {strides = array<i32>} : memref<64x768xf32, #tpu.memory_space<vmem>>, vector<1x16xf32>,
      %get3A_140 = vector.shape_cast %get3A_139 : vector<1x16xf32> to vector<16xf32>
      %mul3A_141 = arith.mulf %get3A_21, %get3A_140 : vector<16xf32>
      %get3A_142 = arith.index_cast %scan3A_18 : i32 to index
      %get3A_143 = arith.constant 112 : index
      %get3A_144 = tpu.vector_load %arg13[%get3A_142, %get3A_143] {strides = array<i32>} : memref<64x768xf32, #tpu.memory_space<vmem>>, vector<1x16xf32>,
      %get3A_145 = vector.shape_cast %get3A_144 : vector<1x16xf32> to vector<16xf32>
      %mul3A_146 = arith.mulf %get3A_25, %get3A_145 : vector<16xf32>
      %add3A_147 = arith.addf %mul3A_141, %mul3A_146 : vector<16xf32>
      %swap3A_148 = arith.index_cast %scan3A_18 : i32 to index
      %swap3A_149 = arith.constant 112 : index
      %swap3A_150 = tpu.vector_load %arg12[%swap3A_148, %swap3A_149] {strides = array<i32>} : memref<64x768xf32, #tpu.memory_space<vmem>>, vector<1x16xf32>,
      %swap3A_151 = vector.shape_cast %swap3A_150 : vector<1x16xf32> to vector<16xf32>
      %swap3A_152 = vector.shape_cast %add3A_147 : vector<16xf32> to vector<1x16xf32>
      tpu.vector_store %arg12[%swap3A_148, %swap3A_149], %swap3A_152 {strides = array<i32>} : memref<64x768xf32, #tpu.memory_space<vmem>>, vector<1x16xf32>,
      %get3A_153 = arith.index_cast %scan3A_18 : i32 to index
      %get3A_154 = arith.constant 128 : index
      %get3A_155 = tpu.vector_load %arg12[%get3A_153, %get3A_154] {strides = array<i32>} : memref<64x768xf32, #tpu.memory_space<vmem>>, vector<1x16xf32>,
      %get3A_156 = vector.shape_cast %get3A_155 : vector<1x16xf32> to vector<16xf32>
      %mul3A_157 = arith.mulf %get3A_21, %get3A_156 : vector<16xf32>
      %get3A_158 = arith.index_cast %scan3A_18 : i32 to index
      %get3A_159 = arith.constant 128 : index
      %get3A_160 = tpu.vector_load %arg13[%get3A_158, %get3A_159] {strides = array<i32>} : memref<64x768xf32, #tpu.memory_space<vmem>>, vector<1x16xf32>,
      %get3A_161 = vector.shape_cast %get3A_160 : vector<1x16xf32> to vector<16xf32>
      %mul3A_162 = arith.mulf %get3A_25, %get3A_161 : vector<16xf32>
      %add3A_163 = arith.addf %mul3A_157, %mul3A_162 : vector<16xf32>
      %swap3A_164 = arith.index_cast %scan3A_18 : i32 to index
      %swap3A_165 = arith.constant 128 : index
      %swap3A_166 = tpu.vector_load %arg12[%swap3A_164, %swap3A_165] {strides = array<i32>} : memref<64x768xf32, #tpu.memory_space<vmem>>, vector<1x16xf32>,
      %swap3A_167 = vector.shape_cast %swap3A_166 : vector<1x16xf32> to vector<16xf32>
      %swap3A_168 = vector.shape_cast %add3A_163 : vector<16xf32> to vector<1x16xf32>
      tpu.vector_store %arg12[%swap3A_164, %swap3A_165], %swap3A_168 {strides = array<i32>} : memref<64x768xf32, #tpu.memory_space<vmem>>, vector<1x16xf32>,
      %get3A_169 = arith.index_cast %scan3A_18 : i32 to index
      %get3A_170 = arith.constant 144 : index
      %get3A_171 = tpu.vector_load %arg12[%get3A_169, %get3A_170] {strides = array<i32>} : memref<64x768xf32, #tpu.memory_space<vmem>>, vector<1x16xf32>,
      %get3A_172 = vector.shape_cast %get3A_171 : vector<1x16xf32> to vector<16xf32>
      %mul3A_173 = arith.mulf %get3A_21, %get3A_172 : vector<16xf32>
      %get3A_174 = arith.index_cast %scan3A_18 : i32 to index
      %get3A_175 = arith.constant 144 : index
      %get3A_176 = tpu.vector_load %arg13[%get3A_174, %get3A_175] {strides = array<i32>} : memref<64x768xf32, #tpu.memory_space<vmem>>, vector<1x16xf32>,
      %get3A_177 = vector.shape_cast %get3A_176 : vector<1x16xf32> to vector<16xf32>
      %mul3A_178 = arith.mulf %get3A_25, %get3A_177 : vector<16xf32>
      %add3A_179 = arith.addf %mul3A_173, %mul3A_178 : vector<16xf32>
      %swap3A_180 = arith.index_cast %scan3A_18 : i32 to index
      %swap3A_181 = arith.constant 144 : index
      %swap3A_182 = tpu.vector_load %arg12[%swap3A_180, %swap3A_181] {strides = array<i32>} : memref<64x768xf32, #tpu.memory_space<vmem>>, vector<1x16xf32>,
      %swap3A_183 = vector.shape_cast %swap3A_182 : vector<1x16xf32> to vector<16xf32>
      %swap3A_184 = vector.shape_cast %add3A_179 : vector<16xf32> to vector<1x16xf32>
      tpu.vector_store %arg12[%swap3A_180, %swap3A_181], %swap3A_184 {strides = array<i32>} : memref<64x768xf32, #tpu.memory_space<vmem>>, vector<1x16xf32>,
      %get3A_185 = arith.index_cast %scan3A_18 : i32 to index
      %get3A_186 = arith.constant 160 : index
      %get3A_187 = tpu.vector_load %arg12[%get3A_185, %get3A_186] {strides = array<i32>} : memref<64x768xf32, #tpu.memory_space<vmem>>, vector<1x16xf32>,
      %get3A_188 = vector.shape_cast %get3A_187 : vector<1x16xf32> to vector<16xf32>
      %mul3A_189 = arith.mulf %get3A_21, %get3A_188 : vector<16xf32>
      %get3A_190 = arith.index_cast %scan3A_18 : i32 to index
      %get3A_191 = arith.constant 160 : index
      %get3A_192 = tpu.vector_load %arg13[%get3A_190, %get3A_191] {strides = array<i32>} : memref<64x768xf32, #tpu.memory_space<vmem>>, vector<1x16xf32>,
      %get3A_193 = vector.shape_cast %get3A_192 : vector<1x16xf32> to vector<16xf32>
      %mul3A_194 = arith.mulf %get3A_25, %get3A_193 : vector<16xf32>
      %add3A_195 = arith.addf %mul3A_189, %mul3A_194 : vector<16xf32>
      %swap3A_196 = arith.index_cast %scan3A_18 : i32 to index
      %swap3A_197 = arith.constant 160 : index
      %swap3A_198 = tpu.vector_load %arg12[%swap3A_196, %swap3A_197] {strides = array<i32>} : memref<64x768xf32, #tpu.memory_space<vmem>>, vector<1x16xf32>,
      %swap3A_199 = vector.shape_cast %swap3A_198 : vector<1x16xf32> to vector<16xf32>
      %swap3A_200 = vector.shape_cast %add3A_195 : vector<16xf32> to vector<1x16xf32>
      tpu.vector_store %arg12[%swap3A_196, %swap3A_197], %swap3A_200 {strides = array<i32>} : memref<64x768xf32, #tpu.memory_space<vmem>>, vector<1x16xf32>,
      %get3A_201 = arith.index_cast %scan3A_18 : i32 to index
      %get3A_202 = arith.constant 176 : index
      %get3A_203 = tpu.vector_load %arg12[%get3A_201, %get3A_202] {strides = array<i32>} : memref<64x768xf32, #tpu.memory_space<vmem>>, vector<1x16xf32>,
      %get3A_204 = vector.shape_cast %get3A_203 : vector<1x16xf32> to vector<16xf32>
      %mul3A_205 = arith.mulf %get3A_21, %get3A_204 : vector<16xf32>
      %get3A_206 = arith.index_cast %scan3A_18 : i32 to index
      %get3A_207 = arith.constant 176 : index
      %get3A_208 = tpu.vector_load %arg13[%get3A_206, %get3A_207] {strides = array<i32>} : memref<64x768xf32, #tpu.memory_space<vmem>>, vector<1x16xf32>,
      %get3A_209 = vector.shape_cast %get3A_208 : vector<1x16xf32> to vector<16xf32>
      %mul3A_210 = arith.mulf %get3A_25, %get3A_209 : vector<16xf32>
      %add3A_211 = arith.addf %mul3A_205, %mul3A_210 : vector<16xf32>
      %swap3A_212 = arith.index_cast %scan3A_18 : i32 to index
      %swap3A_213 = arith.constant 176 : index
      %swap3A_214 = tpu.vector_load %arg12[%swap3A_212, %swap3A_213] {strides = array<i32>} : memref<64x768xf32, #tpu.memory_space<vmem>>, vector<1x16xf32>,
      %swap3A_215 = vector.shape_cast %swap3A_214 : vector<1x16xf32> to vector<16xf32>
      %swap3A_216 = vector.shape_cast %add3A_211 : vector<16xf32> to vector<1x16xf32>
      tpu.vector_store %arg12[%swap3A_212, %swap3A_213], %swap3A_216 {strides = array<i32>} : memref<64x768xf32, #tpu.memory_space<vmem>>, vector<1x16xf32>,
      %get3A_217 = arith.index_cast %scan3A_18 : i32 to index
      %get3A_218 = arith.constant 192 : index
      %get3A_219 = tpu.vector_load %arg12[%get3A_217, %get3A_218] {strides = array<i32>} : memref<64x768xf32, #tpu.memory_space<vmem>>, vector<1x16xf32>,
      %get3A_220 = vector.shape_cast %get3A_219 : vector<1x16xf32> to vector<16xf32>
      %mul3A_221 = arith.mulf %get3A_21, %get3A_220 : vector<16xf32>
      %get3A_222 = arith.index_cast %scan3A_18 : i32 to index
      %get3A_223 = arith.constant 192 : index
      %get3A_224 = tpu.vector_load %arg13[%get3A_222, %get3A_223] {strides = array<i32>} : memref<64x768xf32, #tpu.memory_space<vmem>>, vector<1x16xf32>,
      %get3A_225 = vector.shape_cast %get3A_224 : vector<1x16xf32> to vector<16xf32>
      %mul3A_226 = arith.mulf %get3A_25, %get3A_225 : vector<16xf32>
      %add3A_227 = arith.addf %mul3A_221, %mul3A_226 : vector<16xf32>
      %swap3A_228 = arith.index_cast %scan3A_18 : i32 to index
      %swap3A_229 = arith.constant 192 : index
      %swap3A_230 = tpu.vector_load %arg12[%swap3A_228, %swap3A_229] {strides = array<i32>} : memref<64x768xf32, #tpu.memory_space<vmem>>, vector<1x16xf32>,
      %swap3A_231 = vector.shape_cast %swap3A_230 : vector<1x16xf32> to vector<16xf32>
      %swap3A_232 = vector.shape_cast %add3A_227 : vector<16xf32> to vector<1x16xf32>
      tpu.vector_store %arg12[%swap3A_228, %swap3A_229], %swap3A_232 {strides = array<i32>} : memref<64x768xf32, #tpu.memory_space<vmem>>, vector<1x16xf32>,
      %get3A_233 = arith.index_cast %scan3A_18 : i32 to index
      %get3A_234 = arith.constant 208 : index
      %get3A_235 = tpu.vector_load %arg12[%get3A_233, %get3A_234] {strides = array<i32>} : memref<64x768xf32, #tpu.memory_space<vmem>>, vector<1x16xf32>,
      %get3A_236 = vector.shape_cast %get3A_235 : vector<1x16xf32> to vector<16xf32>
      %mul3A_237 = arith.mulf %get3A_21, %get3A_236 : vector<16xf32>
      %get3A_238 = arith.index_cast %scan3A_18 : i32 to index
      %get3A_239 = arith.constant 208 : index
      %get3A_240 = tpu.vector_load %arg13[%get3A_238, %get3A_239] {strides = array<i32>} : memref<64x768xf32, #tpu.memory_space<vmem>>, vector<1x16xf32>,
      %get3A_241 = vector.shape_cast %get3A_240 : vector<1x16xf32> to vector<16xf32>
      %mul3A_242 = arith.mulf %get3A_25, %get3A_241 : vector<16xf32>
      %add3A_243 = arith.addf %mul3A_237, %mul3A_242 : vector<16xf32>
      %swap3A_244 = arith.index_cast %scan3A_18 : i32 to index
      %swap3A_245 = arith.constant 208 : index
      %swap3A_246 = tpu.vector_load %arg12[%swap3A_244, %swap3A_245] {strides = array<i32>} : memref<64x768xf32, #tpu.memory_space<vmem>>, vector<1x16xf32>,
      %swap3A_247 = vector.shape_cast %swap3A_246 : vector<1x16xf32> to vector<16xf32>
      %swap3A_248 = vector.shape_cast %add3A_243 : vector<16xf32> to vector<1x16xf32>
      tpu.vector_store %arg12[%swap3A_244, %swap3A_245], %swap3A_248 {strides = array<i32>} : memref<64x768xf32, #tpu.memory_space<vmem>>, vector<1x16xf32>,
      %get3A_249 = arith.index_cast %scan3A_18 : i32 to index
      %get3A_250 = arith.constant 224 : index
      %get3A_251 = tpu.vector_load %arg12[%get3A_249, %get3A_250] {strides = array<i32>} : memref<64x768xf32, #tpu.memory_space<vmem>>, vector<1x16xf32>,
      %get3A_252 = vector.shape_cast %get3A_251 : vector<1x16xf32> to vector<16xf32>
      %mul3A_253 = arith.mulf %get3A_21, %get3A_252 : vector<16xf32>
      %get3A_254 = arith.index_cast %scan3A_18 : i32 to index
      %get3A_255 = arith.constant 224 : index
      %get3A_256 = tpu.vector_load %arg13[%get3A_254, %get3A_255] {strides = array<i32>} : memref<64x768xf32, #tpu.memory_space<vmem>>, vector<1x16xf32>,
      %get3A_257 = vector.shape_cast %get3A_256 : vector<1x16xf32> to vector<16xf32>
      %mul3A_258 = arith.mulf %get3A_25, %get3A_257 : vector<16xf32>
      %add3A_259 = arith.addf %mul3A_253, %mul3A_258 : vector<16xf32>
      %swap3A_260 = arith.index_cast %scan3A_18 : i32 to index
      %swap3A_261 = arith.constant 224 : index
      %swap3A_262 = tpu.vector_load %arg12[%swap3A_260, %swap3A_261] {strides = array<i32>} : memref<64x768xf32, #tpu.memory_space<vmem>>, vector<1x16xf32>,
      %swap3A_263 = vector.shape_cast %swap3A_262 : vector<1x16xf32> to vector<16xf32>
      %swap3A_264 = vector.shape_cast %add3A_259 : vector<16xf32> to vector<1x16xf32>
      tpu.vector_store %arg12[%swap3A_260, %swap3A_261], %swap3A_264 {strides = array<i32>} : memref<64x768xf32, #tpu.memory_space<vmem>>, vector<1x16xf32>,
      %get3A_265 = arith.index_cast %scan3A_18 : i32 to index
      %get3A_266 = arith.constant 240 : index
      %get3A_267 = tpu.vector_load %arg12[%get3A_265, %get3A_266] {strides = array<i32>} : memref<64x768xf32, #tpu.memory_space<vmem>>, vector<1x16xf32>,
      %get3A_268 = vector.shape_cast %get3A_267 : vector<1x16xf32> to vector<16xf32>
      %mul3A_269 = arith.mulf %get3A_21, %get3A_268 : vector<16xf32>
      %get3A_270 = arith.index_cast %scan3A_18 : i32 to index
      %get3A_271 = arith.constant 240 : index
      %get3A_272 = tpu.vector_load %arg13[%get3A_270, %get3A_271] {strides = array<i32>} : memref<64x768xf32, #tpu.memory_space<vmem>>, vector<1x16xf32>,
      %get3A_273 = vector.shape_cast %get3A_272 : vector<1x16xf32> to vector<16xf32>
      %mul3A_274 = arith.mulf %get3A_25, %get3A_273 : vector<16xf32>
      %add3A_275 = arith.addf %mul3A_269, %mul3A_274 : vector<16xf32>
      %swap3A_276 = arith.index_cast %scan3A_18 : i32 to index
      %swap3A_277 = arith.constant 240 : index
      %swap3A_278 = tpu.vector_load %arg12[%swap3A_276, %swap3A_277] {strides = array<i32>} : memref<64x768xf32, #tpu.memory_space<vmem>>, vector<1x16xf32>,
      %swap3A_279 = vector.shape_cast %swap3A_278 : vector<1x16xf32> to vector<16xf32>
      %swap3A_280 = vector.shape_cast %add3A_275 : vector<16xf32> to vector<1x16xf32>
      tpu.vector_store %arg12[%swap3A_276, %swap3A_277], %swap3A_280 {strides = array<i32>} : memref<64x768xf32, #tpu.memory_space<vmem>>, vector<1x16xf32>,
      %get3A_281 = arith.index_cast %scan3A_18 : i32 to index
      %get3A_282 = arith.constant 256 : index
      %get3A_283 = tpu.vector_load %arg12[%get3A_281, %get3A_282] {strides = array<i32>} : memref<64x768xf32, #tpu.memory_space<vmem>>, vector<1x16xf32>,
      %get3A_284 = vector.shape_cast %get3A_283 : vector<1x16xf32> to vector<16xf32>
      %mul3A_285 = arith.mulf %get3A_21, %get3A_284 : vector<16xf32>
      %get3A_286 = arith.index_cast %scan3A_18 : i32 to index
      %get3A_287 = arith.constant 256 : index
      %get3A_288 = tpu.vector_load %arg13[%get3A_286, %get3A_287] {strides = array<i32>} : memref<64x768xf32, #tpu.memory_space<vmem>>, vector<1x16xf32>,
      %get3A_289 = vector.shape_cast %get3A_288 : vector<1x16xf32> to vector<16xf32>
      %mul3A_290 = arith.mulf %get3A_25, %get3A_289 : vector<16xf32>
      %add3A_291 = arith.addf %mul3A_285, %mul3A_290 : vector<16xf32>
      %swap3A_292 = arith.index_cast %scan3A_18 : i32 to index
      %swap3A_293 = arith.constant 256 : index
      %swap3A_294 = tpu.vector_load %arg12[%swap3A_292, %swap3A_293] {strides = array<i32>} : memref<64x768xf32, #tpu.memory_space<vmem>>, vector<1x16xf32>,
      %swap3A_295 = vector.shape_cast %swap3A_294 : vector<1x16xf32> to vector<16xf32>
      %swap3A_296 = vector.shape_cast %add3A_291 : vector<16xf32> to vector<1x16xf32>
      tpu.vector_store %arg12[%swap3A_292, %swap3A_293], %swap3A_296 {strides = array<i32>} : memref<64x768xf32, #tpu.memory_space<vmem>>, vector<1x16xf32>,
      %get3A_297 = arith.index_cast %scan3A_18 : i32 to index
      %get3A_298 = arith.constant 272 : index
      %get3A_299 = tpu.vector_load %arg12[%get3A_297, %get3A_298] {strides = array<i32>} : memref<64x768xf32, #tpu.memory_space<vmem>>, vector<1x16xf32>,
      %get3A_300 = vector.shape_cast %get3A_299 : vector<1x16xf32> to vector<16xf32>
      %mul3A_301 = arith.mulf %get3A_21, %get3A_300 : vector<16xf32>
      %get3A_302 = arith.index_cast %scan3A_18 : i32 to index
      %get3A_303 = arith.constant 272 : index
      %get3A_304 = tpu.vector_load %arg13[%get3A_302, %get3A_303] {strides = array<i32>} : memref<64x768xf32, #tpu.memory_space<vmem>>, vector<1x16xf32>,
      %get3A_305 = vector.shape_cast %get3A_304 : vector<1x16xf32> to vector<16xf32>
      %mul3A_306 = arith.mulf %get3A_25, %get3A_305 : vector<16xf32>
      %add3A_307 = arith.addf %mul3A_301, %mul3A_306 : vector<16xf32>
      %swap3A_308 = arith.index_cast %scan3A_18 : i32 to index
      %swap3A_309 = arith.constant 272 : index
      %swap3A_310 = tpu.vector_load %arg12[%swap3A_308, %swap3A_309] {strides = array<i32>} : memref<64x768xf32, #tpu.memory_space<vmem>>, vector<1x16xf32>,
      %swap3A_311 = vector.shape_cast %swap3A_310 : vector<1x16xf32> to vector<16xf32>
      %swap3A_312 = vector.shape_cast %add3A_307 : vector<16xf32> to vector<1x16xf32>
      tpu.vector_store %arg12[%swap3A_308, %swap3A_309], %swap3A_312 {strides = array<i32>} : memref<64x768xf32, #tpu.memory_space<vmem>>, vector<1x16xf32>,
      %get3A_313 = arith.index_cast %scan3A_18 : i32 to index
      %get3A_314 = arith.constant 288 : index
      %get3A_315 = tpu.vector_load %arg12[%get3A_313, %get3A_314] {strides = array<i32>} : memref<64x768xf32, #tpu.memory_space<vmem>>, vector<1x16xf32>,
      %get3A_316 = vector.shape_cast %get3A_315 : vector<1x16xf32> to vector<16xf32>
      %mul3A_317 = arith.mulf %get3A_21, %get3A_316 : vector<16xf32>
      %get3A_318 = arith.index_cast %scan3A_18 : i32 to index
      %get3A_319 = arith.constant 288 : index
      %get3A_320 = tpu.vector_load %arg13[%get3A_318, %get3A_319] {strides = array<i32>} : memref<64x768xf32, #tpu.memory_space<vmem>>, vector<1x16xf32>,
      %get3A_321 = vector.shape_cast %get3A_320 : vector<1x16xf32> to vector<16xf32>
      %mul3A_322 = arith.mulf %get3A_25, %get3A_321 : vector<16xf32>
      %add3A_323 = arith.addf %mul3A_317, %mul3A_322 : vector<16xf32>
      %swap3A_324 = arith.index_cast %scan3A_18 : i32 to index
      %swap3A_325 = arith.constant 288 : index
      %swap3A_326 = tpu.vector_load %arg12[%swap3A_324, %swap3A_325] {strides = array<i32>} : memref<64x768xf32, #tpu.memory_space<vmem>>, vector<1x16xf32>,
      %swap3A_327 = vector.shape_cast %swap3A_326 : vector<1x16xf32> to vector<16xf32>
      %swap3A_328 = vector.shape_cast %add3A_323 : vector<16xf32> to vector<1x16xf32>
      tpu.vector_store %arg12[%swap3A_324, %swap3A_325], %swap3A_328 {strides = array<i32>} : memref<64x768xf32, #tpu.memory_space<vmem>>, vector<1x16xf32>,
      %get3A_329 = arith.index_cast %scan3A_18 : i32 to index
      %get3A_330 = arith.constant 304 : index
      %get3A_331 = tpu.vector_load %arg12[%get3A_329, %get3A_330] {strides = array<i32>} : memref<64x768xf32, #tpu.memory_space<vmem>>, vector<1x16xf32>,
      %get3A_332 = vector.shape_cast %get3A_331 : vector<1x16xf32> to vector<16xf32>
      %mul3A_333 = arith.mulf %get3A_21, %get3A_332 : vector<16xf32>
      %get3A_334 = arith.index_cast %scan3A_18 : i32 to index
      %get3A_335 = arith.constant 304 : index
      %get3A_336 = tpu.vector_load %arg13[%get3A_334, %get3A_335] {strides = array<i32>} : memref<64x768xf32, #tpu.memory_space<vmem>>, vector<1x16xf32>,
      %get3A_337 = vector.shape_cast %get3A_336 : vector<1x16xf32> to vector<16xf32>
      %mul3A_338 = arith.mulf %get3A_25, %get3A_337 : vector<16xf32>
      %add3A_339 = arith.addf %mul3A_333, %mul3A_338 : vector<16xf32>
      %swap3A_340 = arith.index_cast %scan3A_18 : i32 to index
      %swap3A_341 = arith.constant 304 : index
      %swap3A_342 = tpu.vector_load %arg12[%swap3A_340, %swap3A_341] {strides = array<i32>} : memref<64x768xf32, #tpu.memory_space<vmem>>, vector<1x16xf32>,
      %swap3A_343 = vector.shape_cast %swap3A_342 : vector<1x16xf32> to vector<16xf32>
      %swap3A_344 = vector.shape_cast %add3A_339 : vector<16xf32> to vector<1x16xf32>
      tpu.vector_store %arg12[%swap3A_340, %swap3A_341], %swap3A_344 {strides = array<i32>} : memref<64x768xf32, #tpu.memory_space<vmem>>, vector<1x16xf32>,
      %get3A_345 = arith.index_cast %scan3A_18 : i32 to index
      %get3A_346 = arith.constant 320 : index
      %get3A_347 = tpu.vector_load %arg12[%get3A_345, %get3A_346] {strides = array<i32>} : memref<64x768xf32, #tpu.memory_space<vmem>>, vector<1x16xf32>,
      %get3A_348 = vector.shape_cast %get3A_347 : vector<1x16xf32> to vector<16xf32>
      %mul3A_349 = arith.mulf %get3A_21, %get3A_348 : vector<16xf32>
      %get3A_350 = arith.index_cast %scan3A_18 : i32 to index
      %get3A_351 = arith.constant 320 : index
      %get3A_352 = tpu.vector_load %arg13[%get3A_350, %get3A_351] {strides = array<i32>} : memref<64x768xf32, #tpu.memory_space<vmem>>, vector<1x16xf32>,
      %get3A_353 = vector.shape_cast %get3A_352 : vector<1x16xf32> to vector<16xf32>
      %mul3A_354 = arith.mulf %get3A_25, %get3A_353 : vector<16xf32>
      %add3A_355 = arith.addf %mul3A_349, %mul3A_354 : vector<16xf32>
      %swap3A_356 = arith.index_cast %scan3A_18 : i32 to index
      %swap3A_357 = arith.constant 320 : index
      %swap3A_358 = tpu.vector_load %arg12[%swap3A_356, %swap3A_357] {strides = array<i32>} : memref<64x768xf32, #tpu.memory_space<vmem>>, vector<1x16xf32>,
      %swap3A_359 = vector.shape_cast %swap3A_358 : vector<1x16xf32> to vector<16xf32>
      %swap3A_360 = vector.shape_cast %add3A_355 : vector<16xf32> to vector<1x16xf32>
      tpu.vector_store %arg12[%swap3A_356, %swap3A_357], %swap3A_360 {strides = array<i32>} : memref<64x768xf32, #tpu.memory_space<vmem>>, vector<1x16xf32>,
      %get3A_361 = arith.index_cast %scan3A_18 : i32 to index
      %get3A_362 = arith.constant 336 : index
      %get3A_363 = tpu.vector_load %arg12[%get3A_361, %get3A_362] {strides = array<i32>} : memref<64x768xf32, #tpu.memory_space<vmem>>, vector<1x16xf32>,
      %get3A_364 = vector.shape_cast %get3A_363 : vector<1x16xf32> to vector<16xf32>
      %mul3A_365 = arith.mulf %get3A_21, %get3A_364 : vector<16xf32>
      %get3A_366 = arith.index_cast %scan3A_18 : i32 to index
      %get3A_367 = arith.constant 336 : index
      %get3A_368 = tpu.vector_load %arg13[%get3A_366, %get3A_367] {strides = array<i32>} : memref<64x768xf32, #tpu.memory_space<vmem>>, vector<1x16xf32>,
      %get3A_369 = vector.shape_cast %get3A_368 : vector<1x16xf32> to vector<16xf32>
      %mul3A_370 = arith.mulf %get3A_25, %get3A_369 : vector<16xf32>
      %add3A_371 = arith.addf %mul3A_365, %mul3A_370 : vector<16xf32>
      %swap3A_372 = arith.index_cast %scan3A_18 : i32 to index
      %swap3A_373 = arith.constant 336 : index
      %swap3A_374 = tpu.vector_load %arg12[%swap3A_372, %swap3A_373] {strides = array<i32>} : memref<64x768xf32, #tpu.memory_space<vmem>>, vector<1x16xf32>,
      %swap3A_375 = vector.shape_cast %swap3A_374 : vector<1x16xf32> to vector<16xf32>
      %swap3A_376 = vector.shape_cast %add3A_371 : vector<16xf32> to vector<1x16xf32>
      tpu.vector_store %arg12[%swap3A_372, %swap3A_373], %swap3A_376 {strides = array<i32>} : memref<64x768xf32, #tpu.memory_space<vmem>>, vector<1x16xf32>,
      %get3A_377 = arith.index_cast %scan3A_18 : i32 to index
      %get3A_378 = arith.constant 352 : index
      %get3A_379 = tpu.vector_load %arg12[%get3A_377, %get3A_378] {strides = array<i32>} : memref<64x768xf32, #tpu.memory_space<vmem>>, vector<1x16xf32>,
      %get3A_380 = vector.shape_cast %get3A_379 : vector<1x16xf32> to vector<16xf32>
      %mul3A_381 = arith.mulf %get3A_21, %get3A_380 : vector<16xf32>
      %get3A_382 = arith.index_cast %scan3A_18 : i32 to index
      %get3A_383 = arith.constant 352 : index
      %get3A_384 = tpu.vector_load %arg13[%get3A_382, %get3A_383] {strides = array<i32>} : memref<64x768xf32, #tpu.memory_space<vmem>>, vector<1x16xf32>,
      %get3A_385 = vector.shape_cast %get3A_384 : vector<1x16xf32> to vector<16xf32>
      %mul3A_386 = arith.mulf %get3A_25, %get3A_385 : vector<16xf32>
      %add3A_387 = arith.addf %mul3A_381, %mul3A_386 : vector<16xf32>
      %swap3A_388 = arith.index_cast %scan3A_18 : i32 to index
      %swap3A_389 = arith.constant 352 : index
      %swap3A_390 = tpu.vector_load %arg12[%swap3A_388, %swap3A_389] {strides = array<i32>} : memref<64x768xf32, #tpu.memory_space<vmem>>, vector<1x16xf32>,
      %swap3A_391 = vector.shape_cast %swap3A_390 : vector<1x16xf32> to vector<16xf32>
      %swap3A_392 = vector.shape_cast %add3A_387 : vector<16xf32> to vector<1x16xf32>
      tpu.vector_store %arg12[%swap3A_388, %swap3A_389], %swap3A_392 {strides = array<i32>} : memref<64x768xf32, #tpu.memory_space<vmem>>, vector<1x16xf32>,
      %get3A_393 = arith.index_cast %scan3A_18 : i32 to index
      %get3A_394 = arith.constant 368 : index
      %get3A_395 = tpu.vector_load %arg12[%get3A_393, %get3A_394] {strides = array<i32>} : memref<64x768xf32, #tpu.memory_space<vmem>>, vector<1x16xf32>,
      %get3A_396 = vector.shape_cast %get3A_395 : vector<1x16xf32> to vector<16xf32>
      %mul3A_397 = arith.mulf %get3A_21, %get3A_396 : vector<16xf32>
      %get3A_398 = arith.index_cast %scan3A_18 : i32 to index
      %get3A_399 = arith.constant 368 : index
      %get3A_400 = tpu.vector_load %arg13[%get3A_398, %get3A_399] {strides = array<i32>} : memref<64x768xf32, #tpu.memory_space<vmem>>, vector<1x16xf32>,
      %get3A_401 = vector.shape_cast %get3A_400 : vector<1x16xf32> to vector<16xf32>
      %mul3A_402 = arith.mulf %get3A_25, %get3A_401 : vector<16xf32>
      %add3A_403 = arith.addf %mul3A_397, %mul3A_402 : vector<16xf32>
      %swap3A_404 = arith.index_cast %scan3A_18 : i32 to index
      %swap3A_405 = arith.constant 368 : index
      %swap3A_406 = tpu.vector_load %arg12[%swap3A_404, %swap3A_405] {strides = array<i32>} : memref<64x768xf32, #tpu.memory_space<vmem>>, vector<1x16xf32>,
      %swap3A_407 = vector.shape_cast %swap3A_406 : vector<1x16xf32> to vector<16xf32>
      %swap3A_408 = vector.shape_cast %add3A_403 : vector<16xf32> to vector<1x16xf32>
      tpu.vector_store %arg12[%swap3A_404, %swap3A_405], %swap3A_408 {strides = array<i32>} : memref<64x768xf32, #tpu.memory_space<vmem>>, vector<1x16xf32>,
      %get3A_409 = arith.index_cast %scan3A_18 : i32 to index
      %get3A_410 = arith.constant 384 : index
      %get3A_411 = tpu.vector_load %arg12[%get3A_409, %get3A_410] {strides = array<i32>} : memref<64x768xf32, #tpu.memory_space<vmem>>, vector<1x16xf32>,
      %get3A_412 = vector.shape_cast %get3A_411 : vector<1x16xf32> to vector<16xf32>
      %mul3A_413 = arith.mulf %get3A_21, %get3A_412 : vector<16xf32>
      %get3A_414 = arith.index_cast %scan3A_18 : i32 to index
      %get3A_415 = arith.constant 384 : index
      %get3A_416 = tpu.vector_load %arg13[%get3A_414, %get3A_415] {strides = array<i32>} : memref<64x768xf32, #tpu.memory_space<vmem>>, vector<1x16xf32>,
      %get3A_417 = vector.shape_cast %get3A_416 : vector<1x16xf32> to vector<16xf32>
      %mul3A_418 = arith.mulf %get3A_25, %get3A_417 : vector<16xf32>
      %add3A_419 = arith.addf %mul3A_413, %mul3A_418 : vector<16xf32>
      %swap3A_420 = arith.index_cast %scan3A_18 : i32 to index
      %swap3A_421 = arith.constant 384 : index
      %swap3A_422 = tpu.vector_load %arg12[%swap3A_420, %swap3A_421] {strides = array<i32>} : memref<64x768xf32, #tpu.memory_space<vmem>>, vector<1x16xf32>,
      %swap3A_423 = vector.shape_cast %swap3A_422 : vector<1x16xf32> to vector<16xf32>
      %swap3A_424 = vector.shape_cast %add3A_419 : vector<16xf32> to vector<1x16xf32>
      tpu.vector_store %arg12[%swap3A_420, %swap3A_421], %swap3A_424 {strides = array<i32>} : memref<64x768xf32, #tpu.memory_space<vmem>>, vector<1x16xf32>,
      %get3A_425 = arith.index_cast %scan3A_18 : i32 to index
      %get3A_426 = arith.constant 400 : index
      %get3A_427 = tpu.vector_load %arg12[%get3A_425, %get3A_426] {strides = array<i32>} : memref<64x768xf32, #tpu.memory_space<vmem>>, vector<1x16xf32>,
      %get3A_428 = vector.shape_cast %get3A_427 : vector<1x16xf32> to vector<16xf32>
      %mul3A_429 = arith.mulf %get3A_21, %get3A_428 : vector<16xf32>
      %get3A_430 = arith.index_cast %scan3A_18 : i32 to index
      %get3A_431 = arith.constant 400 : index
      %get3A_432 = tpu.vector_load %arg13[%get3A_430, %get3A_431] {strides = array<i32>} : memref<64x768xf32, #tpu.memory_space<vmem>>, vector<1x16xf32>,
      %get3A_433 = vector.shape_cast %get3A_432 : vector<1x16xf32> to vector<16xf32>
      %mul3A_434 = arith.mulf %get3A_25, %get3A_433 : vector<16xf32>
      %add3A_435 = arith.addf %mul3A_429, %mul3A_434 : vector<16xf32>
      %swap3A_436 = arith.index_cast %scan3A_18 : i32 to index
      %swap3A_437 = arith.constant 400 : index
      %swap3A_438 = tpu.vector_load %arg12[%swap3A_436, %swap3A_437] {strides = array<i32>} : memref<64x768xf32, #tpu.memory_space<vmem>>, vector<1x16xf32>,
      %swap3A_439 = vector.shape_cast %swap3A_438 : vector<1x16xf32> to vector<16xf32>
      %swap3A_440 = vector.shape_cast %add3A_435 : vector<16xf32> to vector<1x16xf32>
      tpu.vector_store %arg12[%swap3A_436, %swap3A_437], %swap3A_440 {strides = array<i32>} : memref<64x768xf32, #tpu.memory_space<vmem>>, vector<1x16xf32>,
      %get3A_441 = arith.index_cast %scan3A_18 : i32 to index
      %get3A_442 = arith.constant 416 : index
      %get3A_443 = tpu.vector_load %arg12[%get3A_441, %get3A_442] {strides = array<i32>} : memref<64x768xf32, #tpu.memory_space<vmem>>, vector<1x16xf32>,
      %get3A_444 = vector.shape_cast %get3A_443 : vector<1x16xf32> to vector<16xf32>
      %mul3A_445 = arith.mulf %get3A_21, %get3A_444 : vector<16xf32>
      %get3A_446 = arith.index_cast %scan3A_18 : i32 to index
      %get3A_447 = arith.constant 416 : index
      %get3A_448 = tpu.vector_load %arg13[%get3A_446, %get3A_447] {strides = array<i32>} : memref<64x768xf32, #tpu.memory_space<vmem>>, vector<1x16xf32>,
      %get3A_449 = vector.shape_cast %get3A_448 : vector<1x16xf32> to vector<16xf32>
      %mul3A_450 = arith.mulf %get3A_25, %get3A_449 : vector<16xf32>
      %add3A_451 = arith.addf %mul3A_445, %mul3A_450 : vector<16xf32>
      %swap3A_452 = arith.index_cast %scan3A_18 : i32 to index
      %swap3A_453 = arith.constant 416 : index
      %swap3A_454 = tpu.vector_load %arg12[%swap3A_452, %swap3A_453] {strides = array<i32>} : memref<64x768xf32, #tpu.memory_space<vmem>>, vector<1x16xf32>,
      %swap3A_455 = vector.shape_cast %swap3A_454 : vector<1x16xf32> to vector<16xf32>
      %swap3A_456 = vector.shape_cast %add3A_451 : vector<16xf32> to vector<1x16xf32>
      tpu.vector_store %arg12[%swap3A_452, %swap3A_453], %swap3A_456 {strides = array<i32>} : memref<64x768xf32, #tpu.memory_space<vmem>>, vector<1x16xf32>,
      %get3A_457 = arith.index_cast %scan3A_18 : i32 to index
      %get3A_458 = arith.constant 432 : index
      %get3A_459 = tpu.vector_load %arg12[%get3A_457, %get3A_458] {strides = array<i32>} : memref<64x768xf32, #tpu.memory_space<vmem>>, vector<1x16xf32>,
      %get3A_460 = vector.shape_cast %get3A_459 : vector<1x16xf32> to vector<16xf32>
      %mul3A_461 = arith.mulf %get3A_21, %get3A_460 : vector<16xf32>
      %get3A_462 = arith.index_cast %scan3A_18 : i32 to index
      %get3A_463 = arith.constant 432 : index
      %get3A_464 = tpu.vector_load %arg13[%get3A_462, %get3A_463] {strides = array<i32>} : memref<64x768xf32, #tpu.memory_space<vmem>>, vector<1x16xf32>,
      %get3A_465 = vector.shape_cast %get3A_464 : vector<1x16xf32> to vector<16xf32>
      %mul3A_466 = arith.mulf %get3A_25, %get3A_465 : vector<16xf32>
      %add3A_467 = arith.addf %mul3A_461, %mul3A_466 : vector<16xf32>
      %swap3A_468 = arith.index_cast %scan3A_18 : i32 to index
      %swap3A_469 = arith.constant 432 : index
      %swap3A_470 = tpu.vector_load %arg12[%swap3A_468, %swap3A_469] {strides = array<i32>} : memref<64x768xf32, #tpu.memory_space<vmem>>, vector<1x16xf32>,
      %swap3A_471 = vector.shape_cast %swap3A_470 : vector<1x16xf32> to vector<16xf32>
      %swap3A_472 = vector.shape_cast %add3A_467 : vector<16xf32> to vector<1x16xf32>
      tpu.vector_store %arg12[%swap3A_468, %swap3A_469], %swap3A_472 {strides = array<i32>} : memref<64x768xf32, #tpu.memory_space<vmem>>, vector<1x16xf32>,
      %get3A_473 = arith.index_cast %scan3A_18 : i32 to index
      %get3A_474 = arith.constant 448 : index
      %get3A_475 = tpu.vector_load %arg12[%get3A_473, %get3A_474] {strides = array<i32>} : memref<64x768xf32, #tpu.memory_space<vmem>>, vector<1x16xf32>,
      %get3A_476 = vector.shape_cast %get3A_475 : vector<1x16xf32> to vector<16xf32>
      %mul3A_477 = arith.mulf %get3A_21, %get3A_476 : vector<16xf32>
      %get3A_478 = arith.index_cast %scan3A_18 : i32 to index
      %get3A_479 = arith.constant 448 : index
      %get3A_480 = tpu.vector_load %arg13[%get3A_478, %get3A_479] {strides = array<i32>} : memref<64x768xf32, #tpu.memory_space<vmem>>, vector<1x16xf32>,
      %get3A_481 = vector.shape_cast %get3A_480 : vector<1x16xf32> to vector<16xf32>
      %mul3A_482 = arith.mulf %get3A_25, %get3A_481 : vector<16xf32>
      %add3A_483 = arith.addf %mul3A_477, %mul3A_482 : vector<16xf32>
      %swap3A_484 = arith.index_cast %scan3A_18 : i32 to index
      %swap3A_485 = arith.constant 448 : index
      %swap3A_486 = tpu.vector_load %arg12[%swap3A_484, %swap3A_485] {strides = array<i32>} : memref<64x768xf32, #tpu.memory_space<vmem>>, vector<1x16xf32>,
      %swap3A_487 = vector.shape_cast %swap3A_486 : vector<1x16xf32> to vector<16xf32>
      %swap3A_488 = vector.shape_cast %add3A_483 : vector<16xf32> to vector<1x16xf32>
      tpu.vector_store %arg12[%swap3A_484, %swap3A_485], %swap3A_488 {strides = array<i32>} : memref<64x768xf32, #tpu.memory_space<vmem>>, vector<1x16xf32>,
      %get3A_489 = arith.index_cast %scan3A_18 : i32 to index
      %get3A_490 = arith.constant 464 : index
      %get3A_491 = tpu.vector_load %arg12[%get3A_489, %get3A_490] {strides = array<i32>} : memref<64x768xf32, #tpu.memory_space<vmem>>, vector<1x16xf32>,
      %get3A_492 = vector.shape_cast %get3A_491 : vector<1x16xf32> to vector<16xf32>
      %mul3A_493 = arith.mulf %get3A_21, %get3A_492 : vector<16xf32>
      %get3A_494 = arith.index_cast %scan3A_18 : i32 to index
      %get3A_495 = arith.constant 464 : index
      %get3A_496 = tpu.vector_load %arg13[%get3A_494, %get3A_495] {strides = array<i32>} : memref<64x768xf32, #tpu.memory_space<vmem>>, vector<1x16xf32>,
      %get3A_497 = vector.shape_cast %get3A_496 : vector<1x16xf32> to vector<16xf32>
      %mul3A_498 = arith.mulf %get3A_25, %get3A_497 : vector<16xf32>
      %add3A_499 = arith.addf %mul3A_493, %mul3A_498 : vector<16xf32>
      %swap3A_500 = arith.index_cast %scan3A_18 : i32 to index
      %swap3A_501 = arith.constant 464 : index
      %swap3A_502 = tpu.vector_load %arg12[%swap3A_500, %swap3A_501] {strides = array<i32>} : memref<64x768xf32, #tpu.memory_space<vmem>>, vector<1x16xf32>,
      %swap3A_503 = vector.shape_cast %swap3A_502 : vector<1x16xf32> to vector<16xf32>
      %swap3A_504 = vector.shape_cast %add3A_499 : vector<16xf32> to vector<1x16xf32>
      tpu.vector_store %arg12[%swap3A_500, %swap3A_501], %swap3A_504 {strides = array<i32>} : memref<64x768xf32, #tpu.memory_space<vmem>>, vector<1x16xf32>,
      %get3A_505 = arith.index_cast %scan3A_18 : i32 to index
      %get3A_506 = arith.constant 480 : index
      %get3A_507 = tpu.vector_load %arg12[%get3A_505, %get3A_506] {strides = array<i32>} : memref<64x768xf32, #tpu.memory_space<vmem>>, vector<1x16xf32>,
      %get3A_508 = vector.shape_cast %get3A_507 : vector<1x16xf32> to vector<16xf32>
      %mul3A_509 = arith.mulf %get3A_21, %get3A_508 : vector<16xf32>
      %get3A_510 = arith.index_cast %scan3A_18 : i32 to index
      %get3A_511 = arith.constant 480 : index
      %get3A_512 = tpu.vector_load %arg13[%get3A_510, %get3A_511] {strides = array<i32>} : memref<64x768xf32, #tpu.memory_space<vmem>>, vector<1x16xf32>,
      %get3A_513 = vector.shape_cast %get3A_512 : vector<1x16xf32> to vector<16xf32>
      %mul3A_514 = arith.mulf %get3A_25, %get3A_513 : vector<16xf32>
      %add3A_515 = arith.addf %mul3A_509, %mul3A_514 : vector<16xf32>
      %swap3A_516 = arith.index_cast %scan3A_18 : i32 to index
      %swap3A_517 = arith.constant 480 : index
      %swap3A_518 = tpu.vector_load %arg12[%swap3A_516, %swap3A_517] {strides = array<i32>} : memref<64x768xf32, #tpu.memory_space<vmem>>, vector<1x16xf32>,
      %swap3A_519 = vector.shape_cast %swap3A_518 : vector<1x16xf32> to vector<16xf32>
      %swap3A_520 = vector.shape_cast %add3A_515 : vector<16xf32> to vector<1x16xf32>
      tpu.vector_store %arg12[%swap3A_516, %swap3A_517], %swap3A_520 {strides = array<i32>} : memref<64x768xf32, #tpu.memory_space<vmem>>, vector<1x16xf32>,
      %get3A_521 = arith.index_cast %scan3A_18 : i32 to index
      %get3A_522 = arith.constant 496 : index
      %get3A_523 = tpu.vector_load %arg12[%get3A_521, %get3A_522] {strides = array<i32>} : memref<64x768xf32, #tpu.memory_space<vmem>>, vector<1x16xf32>,
      %get3A_524 = vector.shape_cast %get3A_523 : vector<1x16xf32> to vector<16xf32>
      %mul3A_525 = arith.mulf %get3A_21, %get3A_524 : vector<16xf32>
      %get3A_526 = arith.index_cast %scan3A_18 : i32 to index
      %get3A_527 = arith.constant 496 : index
      %get3A_528 = tpu.vector_load %arg13[%get3A_526, %get3A_527] {strides = array<i32>} : memref<64x768xf32, #tpu.memory_space<vmem>>, vector<1x16xf32>,
      %get3A_529 = vector.shape_cast %get3A_528 : vector<1x16xf32> to vector<16xf32>
      %mul3A_530 = arith.mulf %get3A_25, %get3A_529 : vector<16xf32>
      %add3A_531 = arith.addf %mul3A_525, %mul3A_530 : vector<16xf32>
      %swap3A_532 = arith.index_cast %scan3A_18 : i32 to index
      %swap3A_533 = arith.constant 496 : index
      %swap3A_534 = tpu.vector_load %arg12[%swap3A_532, %swap3A_533] {strides = array<i32>} : memref<64x768xf32, #tpu.memory_space<vmem>>, vector<1x16xf32>,
      %swap3A_535 = vector.shape_cast %swap3A_534 : vector<1x16xf32> to vector<16xf32>
      %swap3A_536 = vector.shape_cast %add3A_531 : vector<16xf32> to vector<1x16xf32>
      tpu.vector_store %arg12[%swap3A_532, %swap3A_533], %swap3A_536 {strides = array<i32>} : memref<64x768xf32, #tpu.memory_space<vmem>>, vector<1x16xf32>,
      %get3A_537 = arith.index_cast %scan3A_18 : i32 to index
      %get3A_538 = arith.constant 512 : index
      %get3A_539 = tpu.vector_load %arg12[%get3A_537, %get3A_538] {strides = array<i32>} : memref<64x768xf32, #tpu.memory_space<vmem>>, vector<1x16xf32>,
      %get3A_540 = vector.shape_cast %get3A_539 : vector<1x16xf32> to vector<16xf32>
      %mul3A_541 = arith.mulf %get3A_21, %get3A_540 : vector<16xf32>
      %get3A_542 = arith.index_cast %scan3A_18 : i32 to index
      %get3A_543 = arith.constant 512 : index
      %get3A_544 = tpu.vector_load %arg13[%get3A_542, %get3A_543] {strides = array<i32>} : memref<64x768xf32, #tpu.memory_space<vmem>>, vector<1x16xf32>,
      %get3A_545 = vector.shape_cast %get3A_544 : vector<1x16xf32> to vector<16xf32>
      %mul3A_546 = arith.mulf %get3A_25, %get3A_545 : vector<16xf32>
      %add3A_547 = arith.addf %mul3A_541, %mul3A_546 : vector<16xf32>
      %swap3A_548 = arith.index_cast %scan3A_18 : i32 to index
      %swap3A_549 = arith.constant 512 : index
      %swap3A_550 = tpu.vector_load %arg12[%swap3A_548, %swap3A_549] {strides = array<i32>} : memref<64x768xf32, #tpu.memory_space<vmem>>, vector<1x16xf32>,
      %swap3A_551 = vector.shape_cast %swap3A_550 : vector<1x16xf32> to vector<16xf32>
      %swap3A_552 = vector.shape_cast %add3A_547 : vector<16xf32> to vector<1x16xf32>
      tpu.vector_store %arg12[%swap3A_548, %swap3A_549], %swap3A_552 {strides = array<i32>} : memref<64x768xf32, #tpu.memory_space<vmem>>, vector<1x16xf32>,
      %get3A_553 = arith.index_cast %scan3A_18 : i32 to index
      %get3A_554 = arith.constant 528 : index
      %get3A_555 = tpu.vector_load %arg12[%get3A_553, %get3A_554] {strides = array<i32>} : memref<64x768xf32, #tpu.memory_space<vmem>>, vector<1x16xf32>,
      %get3A_556 = vector.shape_cast %get3A_555 : vector<1x16xf32> to vector<16xf32>
      %mul3A_557 = arith.mulf %get3A_21, %get3A_556 : vector<16xf32>
      %get3A_558 = arith.index_cast %scan3A_18 : i32 to index
      %get3A_559 = arith.constant 528 : index
      %get3A_560 = tpu.vector_load %arg13[%get3A_558, %get3A_559] {strides = array<i32>} : memref<64x768xf32, #tpu.memory_space<vmem>>, vector<1x16xf32>,
      %get3A_561 = vector.shape_cast %get3A_560 : vector<1x16xf32> to vector<16xf32>
      %mul3A_562 = arith.mulf %get3A_25, %get3A_561 : vector<16xf32>
      %add3A_563 = arith.addf %mul3A_557, %mul3A_562 : vector<16xf32>
      %swap3A_564 = arith.index_cast %scan3A_18 : i32 to index
      %swap3A_565 = arith.constant 528 : index
      %swap3A_566 = tpu.vector_load %arg12[%swap3A_564, %swap3A_565] {strides = array<i32>} : memref<64x768xf32, #tpu.memory_space<vmem>>, vector<1x16xf32>,
      %swap3A_567 = vector.shape_cast %swap3A_566 : vector<1x16xf32> to vector<16xf32>
      %swap3A_568 = vector.shape_cast %add3A_563 : vector<16xf32> to vector<1x16xf32>
      tpu.vector_store %arg12[%swap3A_564, %swap3A_565], %swap3A_568 {strides = array<i32>} : memref<64x768xf32, #tpu.memory_space<vmem>>, vector<1x16xf32>,
      %get3A_569 = arith.index_cast %scan3A_18 : i32 to index
      %get3A_570 = arith.constant 544 : index
      %get3A_571 = tpu.vector_load %arg12[%get3A_569, %get3A_570] {strides = array<i32>} : memref<64x768xf32, #tpu.memory_space<vmem>>, vector<1x16xf32>,
      %get3A_572 = vector.shape_cast %get3A_571 : vector<1x16xf32> to vector<16xf32>
      %mul3A_573 = arith.mulf %get3A_21, %get3A_572 : vector<16xf32>
      %get3A_574 = arith.index_cast %scan3A_18 : i32 to index
      %get3A_575 = arith.constant 544 : index
      %get3A_576 = tpu.vector_load %arg13[%get3A_574, %get3A_575] {strides = array<i32>} : memref<64x768xf32, #tpu.memory_space<vmem>>, vector<1x16xf32>,
      %get3A_577 = vector.shape_cast %get3A_576 : vector<1x16xf32> to vector<16xf32>
      %mul3A_578 = arith.mulf %get3A_25, %get3A_577 : vector<16xf32>
      %add3A_579 = arith.addf %mul3A_573, %mul3A_578 : vector<16xf32>
      %swap3A_580 = arith.index_cast %scan3A_18 : i32 to index
      %swap3A_581 = arith.constant 544 : index
      %swap3A_582 = tpu.vector_load %arg12[%swap3A_580, %swap3A_581] {strides = array<i32>} : memref<64x768xf32, #tpu.memory_space<vmem>>, vector<1x16xf32>,
      %swap3A_583 = vector.shape_cast %swap3A_582 : vector<1x16xf32> to vector<16xf32>
      %swap3A_584 = vector.shape_cast %add3A_579 : vector<16xf32> to vector<1x16xf32>
      tpu.vector_store %arg12[%swap3A_580, %swap3A_581], %swap3A_584 {strides = array<i32>} : memref<64x768xf32, #tpu.memory_space<vmem>>, vector<1x16xf32>,
      %get3A_585 = arith.index_cast %scan3A_18 : i32 to index
      %get3A_586 = arith.constant 560 : index
      %get3A_587 = tpu.vector_load %arg12[%get3A_585, %get3A_586] {strides = array<i32>} : memref<64x768xf32, #tpu.memory_space<vmem>>, vector<1x16xf32>,
      %get3A_588 = vector.shape_cast %get3A_587 : vector<1x16xf32> to vector<16xf32>
      %mul3A_589 = arith.mulf %get3A_21, %get3A_588 : vector<16xf32>
      %get3A_590 = arith.index_cast %scan3A_18 : i32 to index
      %get3A_591 = arith.constant 560 : index
      %get3A_592 = tpu.vector_load %arg13[%get3A_590, %get3A_591] {strides = array<i32>} : memref<64x768xf32, #tpu.memory_space<vmem>>, vector<1x16xf32>,
      %get3A_593 = vector.shape_cast %get3A_592 : vector<1x16xf32> to vector<16xf32>
      %mul3A_594 = arith.mulf %get3A_25, %get3A_593 : vector<16xf32>
      %add3A_595 = arith.addf %mul3A_589, %mul3A_594 : vector<16xf32>
      %swap3A_596 = arith.index_cast %scan3A_18 : i32 to index
      %swap3A_597 = arith.constant 560 : index
      %swap3A_598 = tpu.vector_load %arg12[%swap3A_596, %swap3A_597] {strides = array<i32>} : memref<64x768xf32, #tpu.memory_space<vmem>>, vector<1x16xf32>,
      %swap3A_599 = vector.shape_cast %swap3A_598 : vector<1x16xf32> to vector<16xf32>
      %swap3A_600 = vector.shape_cast %add3A_595 : vector<16xf32> to vector<1x16xf32>
      tpu.vector_store %arg12[%swap3A_596, %swap3A_597], %swap3A_600 {strides = array<i32>} : memref<64x768xf32, #tpu.memory_space<vmem>>, vector<1x16xf32>,
      %get3A_601 = arith.index_cast %scan3A_18 : i32 to index
      %get3A_602 = arith.constant 576 : index
      %get3A_603 = tpu.vector_load %arg12[%get3A_601, %get3A_602] {strides = array<i32>} : memref<64x768xf32, #tpu.memory_space<vmem>>, vector<1x16xf32>,
      %get3A_604 = vector.shape_cast %get3A_603 : vector<1x16xf32> to vector<16xf32>
      %mul3A_605 = arith.mulf %get3A_21, %get3A_604 : vector<16xf32>
      %get3A_606 = arith.index_cast %scan3A_18 : i32 to index
      %get3A_607 = arith.constant 576 : index
      %get3A_608 = tpu.vector_load %arg13[%get3A_606, %get3A_607] {strides = array<i32>} : memref<64x768xf32, #tpu.memory_space<vmem>>, vector<1x16xf32>,
      %get3A_609 = vector.shape_cast %get3A_608 : vector<1x16xf32> to vector<16xf32>
      %mul3A_610 = arith.mulf %get3A_25, %get3A_609 : vector<16xf32>
      %add3A_611 = arith.addf %mul3A_605, %mul3A_610 : vector<16xf32>
      %swap3A_612 = arith.index_cast %scan3A_18 : i32 to index
      %swap3A_613 = arith.constant 576 : index
      %swap3A_614 = tpu.vector_load %arg12[%swap3A_612, %swap3A_613] {strides = array<i32>} : memref<64x768xf32, #tpu.memory_space<vmem>>, vector<1x16xf32>,
      %swap3A_615 = vector.shape_cast %swap3A_614 : vector<1x16xf32> to vector<16xf32>
      %swap3A_616 = vector.shape_cast %add3A_611 : vector<16xf32> to vector<1x16xf32>
      tpu.vector_store %arg12[%swap3A_612, %swap3A_613], %swap3A_616 {strides = array<i32>} : memref<64x768xf32, #tpu.memory_space<vmem>>, vector<1x16xf32>,
      %get3A_617 = arith.index_cast %scan3A_18 : i32 to index
      %get3A_618 = arith.constant 592 : index
      %get3A_619 = tpu.vector_load %arg12[%get3A_617, %get3A_618] {strides = array<i32>} : memref<64x768xf32, #tpu.memory_space<vmem>>, vector<1x16xf32>,
      %get3A_620 = vector.shape_cast %get3A_619 : vector<1x16xf32> to vector<16xf32>
      %mul3A_621 = arith.mulf %get3A_21, %get3A_620 : vector<16xf32>
      %get3A_622 = arith.index_cast %scan3A_18 : i32 to index
      %get3A_623 = arith.constant 592 : index
      %get3A_624 = tpu.vector_load %arg13[%get3A_622, %get3A_623] {strides = array<i32>} : memref<64x768xf32, #tpu.memory_space<vmem>>, vector<1x16xf32>,
      %get3A_625 = vector.shape_cast %get3A_624 : vector<1x16xf32> to vector<16xf32>
      %mul3A_626 = arith.mulf %get3A_25, %get3A_625 : vector<16xf32>
      %add3A_627 = arith.addf %mul3A_621, %mul3A_626 : vector<16xf32>
      %swap3A_628 = arith.index_cast %scan3A_18 : i32 to index
      %swap3A_629 = arith.constant 592 : index
      %swap3A_630 = tpu.vector_load %arg12[%swap3A_628, %swap3A_629] {strides = array<i32>} : memref<64x768xf32, #tpu.memory_space<vmem>>, vector<1x16xf32>,
      %swap3A_631 = vector.shape_cast %swap3A_630 : vector<1x16xf32> to vector<16xf32>
      %swap3A_632 = vector.shape_cast %add3A_627 : vector<16xf32> to vector<1x16xf32>
      tpu.vector_store %arg12[%swap3A_628, %swap3A_629], %swap3A_632 {strides = array<i32>} : memref<64x768xf32, #tpu.memory_space<vmem>>, vector<1x16xf32>,
      %get3A_633 = arith.index_cast %scan3A_18 : i32 to index
      %get3A_634 = arith.constant 608 : index
      %get3A_635 = tpu.vector_load %arg12[%get3A_633, %get3A_634] {strides = array<i32>} : memref<64x768xf32, #tpu.memory_space<vmem>>, vector<1x16xf32>,
      %get3A_636 = vector.shape_cast %get3A_635 : vector<1x16xf32> to vector<16xf32>
      %mul3A_637 = arith.mulf %get3A_21, %get3A_636 : vector<16xf32>
      %get3A_638 = arith.index_cast %scan3A_18 : i32 to index
      %get3A_639 = arith.constant 608 : index
      %get3A_640 = tpu.vector_load %arg13[%get3A_638, %get3A_639] {strides = array<i32>} : memref<64x768xf32, #tpu.memory_space<vmem>>, vector<1x16xf32>,
      %get3A_641 = vector.shape_cast %get3A_640 : vector<1x16xf32> to vector<16xf32>
      %mul3A_642 = arith.mulf %get3A_25, %get3A_641 : vector<16xf32>
      %add3A_643 = arith.addf %mul3A_637, %mul3A_642 : vector<16xf32>
      %swap3A_644 = arith.index_cast %scan3A_18 : i32 to index
      %swap3A_645 = arith.constant 608 : index
      %swap3A_646 = tpu.vector_load %arg12[%swap3A_644, %swap3A_645] {strides = array<i32>} : memref<64x768xf32, #tpu.memory_space<vmem>>, vector<1x16xf32>,
      %swap3A_647 = vector.shape_cast %swap3A_646 : vector<1x16xf32> to vector<16xf32>
      %swap3A_648 = vector.shape_cast %add3A_643 : vector<16xf32> to vector<1x16xf32>
      tpu.vector_store %arg12[%swap3A_644, %swap3A_645], %swap3A_648 {strides = array<i32>} : memref<64x768xf32, #tpu.memory_space<vmem>>, vector<1x16xf32>,
      %get3A_649 = arith.index_cast %scan3A_18 : i32 to index
      %get3A_650 = arith.constant 624 : index
      %get3A_651 = tpu.vector_load %arg12[%get3A_649, %get3A_650] {strides = array<i32>} : memref<64x768xf32, #tpu.memory_space<vmem>>, vector<1x16xf32>,
      %get3A_652 = vector.shape_cast %get3A_651 : vector<1x16xf32> to vector<16xf32>
      %mul3A_653 = arith.mulf %get3A_21, %get3A_652 : vector<16xf32>
      %get3A_654 = arith.index_cast %scan3A_18 : i32 to index
      %get3A_655 = arith.constant 624 : index
      %get3A_656 = tpu.vector_load %arg13[%get3A_654, %get3A_655] {strides = array<i32>} : memref<64x768xf32, #tpu.memory_space<vmem>>, vector<1x16xf32>,
      %get3A_657 = vector.shape_cast %get3A_656 : vector<1x16xf32> to vector<16xf32>
      %mul3A_658 = arith.mulf %get3A_25, %get3A_657 : vector<16xf32>
      %add3A_659 = arith.addf %mul3A_653, %mul3A_658 : vector<16xf32>
      %swap3A_660 = arith.index_cast %scan3A_18 : i32 to index
      %swap3A_661 = arith.constant 624 : index
      %swap3A_662 = tpu.vector_load %arg12[%swap3A_660, %swap3A_661] {strides = array<i32>} : memref<64x768xf32, #tpu.memory_space<vmem>>, vector<1x16xf32>,
      %swap3A_663 = vector.shape_cast %swap3A_662 : vector<1x16xf32> to vector<16xf32>
      %swap3A_664 = vector.shape_cast %add3A_659 : vector<16xf32> to vector<1x16xf32>
      tpu.vector_store %arg12[%swap3A_660, %swap3A_661], %swap3A_664 {strides = array<i32>} : memref<64x768xf32, #tpu.memory_space<vmem>>, vector<1x16xf32>,
      %get3A_665 = arith.index_cast %scan3A_18 : i32 to index
      %get3A_666 = arith.constant 640 : index
      %get3A_667 = tpu.vector_load %arg12[%get3A_665, %get3A_666] {strides = array<i32>} : memref<64x768xf32, #tpu.memory_space<vmem>>, vector<1x16xf32>,
      %get3A_668 = vector.shape_cast %get3A_667 : vector<1x16xf32> to vector<16xf32>
      %mul3A_669 = arith.mulf %get3A_21, %get3A_668 : vector<16xf32>
      %get3A_670 = arith.index_cast %scan3A_18 : i32 to index
      %get3A_671 = arith.constant 640 : index
      %get3A_672 = tpu.vector_load %arg13[%get3A_670, %get3A_671] {strides = array<i32>} : memref<64x768xf32, #tpu.memory_space<vmem>>, vector<1x16xf32>,
      %get3A_673 = vector.shape_cast %get3A_672 : vector<1x16xf32> to vector<16xf32>
      %mul3A_674 = arith.mulf %get3A_25, %get3A_673 : vector<16xf32>
      %add3A_675 = arith.addf %mul3A_669, %mul3A_674 : vector<16xf32>
      %swap3A_676 = arith.index_cast %scan3A_18 : i32 to index
      %swap3A_677 = arith.constant 640 : index
      %swap3A_678 = tpu.vector_load %arg12[%swap3A_676, %swap3A_677] {strides = array<i32>} : memref<64x768xf32, #tpu.memory_space<vmem>>, vector<1x16xf32>,
      %swap3A_679 = vector.shape_cast %swap3A_678 : vector<1x16xf32> to vector<16xf32>
      %swap3A_680 = vector.shape_cast %add3A_675 : vector<16xf32> to vector<1x16xf32>
      tpu.vector_store %arg12[%swap3A_676, %swap3A_677], %swap3A_680 {strides = array<i32>} : memref<64x768xf32, #tpu.memory_space<vmem>>, vector<1x16xf32>,
      %get3A_681 = arith.index_cast %scan3A_18 : i32 to index
      %get3A_682 = arith.constant 656 : index
      %get3A_683 = tpu.vector_load %arg12[%get3A_681, %get3A_682] {strides = array<i32>} : memref<64x768xf32, #tpu.memory_space<vmem>>, vector<1x16xf32>,
      %get3A_684 = vector.shape_cast %get3A_683 : vector<1x16xf32> to vector<16xf32>
      %mul3A_685 = arith.mulf %get3A_21, %get3A_684 : vector<16xf32>
      %get3A_686 = arith.index_cast %scan3A_18 : i32 to index
      %get3A_687 = arith.constant 656 : index
      %get3A_688 = tpu.vector_load %arg13[%get3A_686, %get3A_687] {strides = array<i32>} : memref<64x768xf32, #tpu.memory_space<vmem>>, vector<1x16xf32>,
      %get3A_689 = vector.shape_cast %get3A_688 : vector<1x16xf32> to vector<16xf32>
      %mul3A_690 = arith.mulf %get3A_25, %get3A_689 : vector<16xf32>
      %add3A_691 = arith.addf %mul3A_685, %mul3A_690 : vector<16xf32>
      %swap3A_692 = arith.index_cast %scan3A_18 : i32 to index
      %swap3A_693 = arith.constant 656 : index
      %swap3A_694 = tpu.vector_load %arg12[%swap3A_692, %swap3A_693] {strides = array<i32>} : memref<64x768xf32, #tpu.memory_space<vmem>>, vector<1x16xf32>,
      %swap3A_695 = vector.shape_cast %swap3A_694 : vector<1x16xf32> to vector<16xf32>
      %swap3A_696 = vector.shape_cast %add3A_691 : vector<16xf32> to vector<1x16xf32>
      tpu.vector_store %arg12[%swap3A_692, %swap3A_693], %swap3A_696 {strides = array<i32>} : memref<64x768xf32, #tpu.memory_space<vmem>>, vector<1x16xf32>,
      %get3A_697 = arith.index_cast %scan3A_18 : i32 to index
      %get3A_698 = arith.constant 672 : index
      %get3A_699 = tpu.vector_load %arg12[%get3A_697, %get3A_698] {strides = array<i32>} : memref<64x768xf32, #tpu.memory_space<vmem>>, vector<1x16xf32>,
      %get3A_700 = vector.shape_cast %get3A_699 : vector<1x16xf32> to vector<16xf32>
      %mul3A_701 = arith.mulf %get3A_21, %get3A_700 : vector<16xf32>
      %get3A_702 = arith.index_cast %scan3A_18 : i32 to index
      %get3A_703 = arith.constant 672 : index
      %get3A_704 = tpu.vector_load %arg13[%get3A_702, %get3A_703] {strides = array<i32>} : memref<64x768xf32, #tpu.memory_space<vmem>>, vector<1x16xf32>,
      %get3A_705 = vector.shape_cast %get3A_704 : vector<1x16xf32> to vector<16xf32>
      %mul3A_706 = arith.mulf %get3A_25, %get3A_705 : vector<16xf32>
      %add3A_707 = arith.addf %mul3A_701, %mul3A_706 : vector<16xf32>
      %swap3A_708 = arith.index_cast %scan3A_18 : i32 to index
      %swap3A_709 = arith.constant 672 : index
      %swap3A_710 = tpu.vector_load %arg12[%swap3A_708, %swap3A_709] {strides = array<i32>} : memref<64x768xf32, #tpu.memory_space<vmem>>, vector<1x16xf32>,
      %swap3A_711 = vector.shape_cast %swap3A_710 : vector<1x16xf32> to vector<16xf32>
      %swap3A_712 = vector.shape_cast %add3A_707 : vector<16xf32> to vector<1x16xf32>
      tpu.vector_store %arg12[%swap3A_708, %swap3A_709], %swap3A_712 {strides = array<i32>} : memref<64x768xf32, #tpu.memory_space<vmem>>, vector<1x16xf32>,
      %get3A_713 = arith.index_cast %scan3A_18 : i32 to index
      %get3A_714 = arith.constant 688 : index
      %get3A_715 = tpu.vector_load %arg12[%get3A_713, %get3A_714] {strides = array<i32>} : memref<64x768xf32, #tpu.memory_space<vmem>>, vector<1x16xf32>,
      %get3A_716 = vector.shape_cast %get3A_715 : vector<1x16xf32> to vector<16xf32>
      %mul3A_717 = arith.mulf %get3A_21, %get3A_716 : vector<16xf32>
      %get3A_718 = arith.index_cast %scan3A_18 : i32 to index
      %get3A_719 = arith.constant 688 : index
      %get3A_720 = tpu.vector_load %arg13[%get3A_718, %get3A_719] {strides = array<i32>} : memref<64x768xf32, #tpu.memory_space<vmem>>, vector<1x16xf32>,
      %get3A_721 = vector.shape_cast %get3A_720 : vector<1x16xf32> to vector<16xf32>
      %mul3A_722 = arith.mulf %get3A_25, %get3A_721 : vector<16xf32>
      %add3A_723 = arith.addf %mul3A_717, %mul3A_722 : vector<16xf32>
      %swap3A_724 = arith.index_cast %scan3A_18 : i32 to index
      %swap3A_725 = arith.constant 688 : index
      %swap3A_726 = tpu.vector_load %arg12[%swap3A_724, %swap3A_725] {strides = array<i32>} : memref<64x768xf32, #tpu.memory_space<vmem>>, vector<1x16xf32>,
      %swap3A_727 = vector.shape_cast %swap3A_726 : vector<1x16xf32> to vector<16xf32>
      %swap3A_728 = vector.shape_cast %add3A_723 : vector<16xf32> to vector<1x16xf32>
      tpu.vector_store %arg12[%swap3A_724, %swap3A_725], %swap3A_728 {strides = array<i32>} : memref<64x768xf32, #tpu.memory_space<vmem>>, vector<1x16xf32>,
      %get3A_729 = arith.index_cast %scan3A_18 : i32 to index
      %get3A_730 = arith.constant 704 : index
      %get3A_731 = tpu.vector_load %arg12[%get3A_729, %get3A_730] {strides = array<i32>} : memref<64x768xf32, #tpu.memory_space<vmem>>, vector<1x16xf32>,
      %get3A_732 = vector.shape_cast %get3A_731 : vector<1x16xf32> to vector<16xf32>
      %mul3A_733 = arith.mulf %get3A_21, %get3A_732 : vector<16xf32>
      %get3A_734 = arith.index_cast %scan3A_18 : i32 to index
      %get3A_735 = arith.constant 704 : index
      %get3A_736 = tpu.vector_load %arg13[%get3A_734, %get3A_735] {strides = array<i32>} : memref<64x768xf32, #tpu.memory_space<vmem>>, vector<1x16xf32>,
      %get3A_737 = vector.shape_cast %get3A_736 : vector<1x16xf32> to vector<16xf32>
      %mul3A_738 = arith.mulf %get3A_25, %get3A_737 : vector<16xf32>
      %add3A_739 = arith.addf %mul3A_733, %mul3A_738 : vector<16xf32>
      %swap3A_740 = arith.index_cast %scan3A_18 : i32 to index
      %swap3A_741 = arith.constant 704 : index
      %swap3A_742 = tpu.vector_load %arg12[%swap3A_740, %swap3A_741] {strides = array<i32>} : memref<64x768xf32, #tpu.memory_space<vmem>>, vector<1x16xf32>,
      %swap3A_743 = vector.shape_cast %swap3A_742 : vector<1x16xf32> to vector<16xf32>
      %swap3A_744 = vector.shape_cast %add3A_739 : vector<16xf32> to vector<1x16xf32>
      tpu.vector_store %arg12[%swap3A_740, %swap3A_741], %swap3A_744 {strides = array<i32>} : memref<64x768xf32, #tpu.memory_space<vmem>>, vector<1x16xf32>,
      %get3A_745 = arith.index_cast %scan3A_18 : i32 to index
      %get3A_746 = arith.constant 720 : index
      %get3A_747 = tpu.vector_load %arg12[%get3A_745, %get3A_746] {strides = array<i32>} : memref<64x768xf32, #tpu.memory_space<vmem>>, vector<1x16xf32>,
      %get3A_748 = vector.shape_cast %get3A_747 : vector<1x16xf32> to vector<16xf32>
      %mul3A_749 = arith.mulf %get3A_21, %get3A_748 : vector<16xf32>
      %get3A_750 = arith.index_cast %scan3A_18 : i32 to index
      %get3A_751 = arith.constant 720 : index
      %get3A_752 = tpu.vector_load %arg13[%get3A_750, %get3A_751] {strides = array<i32>} : memref<64x768xf32, #tpu.memory_space<vmem>>, vector<1x16xf32>,
      %get3A_753 = vector.shape_cast %get3A_752 : vector<1x16xf32> to vector<16xf32>
      %mul3A_754 = arith.mulf %get3A_25, %get3A_753 : vector<16xf32>
      %add3A_755 = arith.addf %mul3A_749, %mul3A_754 : vector<16xf32>
      %swap3A_756 = arith.index_cast %scan3A_18 : i32 to index
      %swap3A_757 = arith.constant 720 : index
      %swap3A_758 = tpu.vector_load %arg12[%swap3A_756, %swap3A_757] {strides = array<i32>} : memref<64x768xf32, #tpu.memory_space<vmem>>, vector<1x16xf32>,
      %swap3A_759 = vector.shape_cast %swap3A_758 : vector<1x16xf32> to vector<16xf32>
      %swap3A_760 = vector.shape_cast %add3A_755 : vector<16xf32> to vector<1x16xf32>
      tpu.vector_store %arg12[%swap3A_756, %swap3A_757], %swap3A_760 {strides = array<i32>} : memref<64x768xf32, #tpu.memory_space<vmem>>, vector<1x16xf32>,
      %get3A_761 = arith.index_cast %scan3A_18 : i32 to index
      %get3A_762 = arith.constant 736 : index
      %get3A_763 = tpu.vector_load %arg12[%get3A_761, %get3A_762] {strides = array<i32>} : memref<64x768xf32, #tpu.memory_space<vmem>>, vector<1x16xf32>,
      %get3A_764 = vector.shape_cast %get3A_763 : vector<1x16xf32> to vector<16xf32>
      %mul3A_765 = arith.mulf %get3A_21, %get3A_764 : vector<16xf32>
      %get3A_766 = arith.index_cast %scan3A_18 : i32 to index
      %get3A_767 = arith.constant 736 : index
      %get3A_768 = tpu.vector_load %arg13[%get3A_766, %get3A_767] {strides = array<i32>} : memref<64x768xf32, #tpu.memory_space<vmem>>, vector<1x16xf32>,
      %get3A_769 = vector.shape_cast %get3A_768 : vector<1x16xf32> to vector<16xf32>
      %mul3A_770 = arith.mulf %get3A_25, %get3A_769 : vector<16xf32>
      %add3A_771 = arith.addf %mul3A_765, %mul3A_770 : vector<16xf32>
      %swap3A_772 = arith.index_cast %scan3A_18 : i32 to index
      %swap3A_773 = arith.constant 736 : index
      %swap3A_774 = tpu.vector_load %arg12[%swap3A_772, %swap3A_773] {strides = array<i32>} : memref<64x768xf32, #tpu.memory_space<vmem>>, vector<1x16xf32>,
      %swap3A_775 = vector.shape_cast %swap3A_774 : vector<1x16xf32> to vector<16xf32>
      %swap3A_776 = vector.shape_cast %add3A_771 : vector<16xf32> to vector<1x16xf32>
      tpu.vector_store %arg12[%swap3A_772, %swap3A_773], %swap3A_776 {strides = array<i32>} : memref<64x768xf32, #tpu.memory_space<vmem>>, vector<1x16xf32>,
      %get3A_777 = arith.index_cast %scan3A_18 : i32 to index
      %get3A_778 = arith.constant 752 : index
      %get3A_779 = tpu.vector_load %arg12[%get3A_777, %get3A_778] {strides = array<i32>} : memref<64x768xf32, #tpu.memory_space<vmem>>, vector<1x16xf32>,
      %get3A_780 = vector.shape_cast %get3A_779 : vector<1x16xf32> to vector<16xf32>
      %mul3A_781 = arith.mulf %get3A_21, %get3A_780 : vector<16xf32>
      %get3A_782 = arith.index_cast %scan3A_18 : i32 to index
      %get3A_783 = arith.constant 752 : index
      %get3A_784 = tpu.vector_load %arg13[%get3A_782, %get3A_783] {strides = array<i32>} : memref<64x768xf32, #tpu.memory_space<vmem>>, vector<1x16xf32>,
      %get3A_785 = vector.shape_cast %get3A_784 : vector<1x16xf32> to vector<16xf32>
      %mul3A_786 = arith.mulf %get3A_25, %get3A_785 : vector<16xf32>
      %add3A_787 = arith.addf %mul3A_781, %mul3A_786 : vector<16xf32>
      %swap3A_788 = arith.index_cast %scan3A_18 : i32 to index
      %swap3A_789 = arith.constant 752 : index
      %swap3A_790 = tpu.vector_load %arg12[%swap3A_788, %swap3A_789] {strides = array<i32>} : memref<64x768xf32, #tpu.memory_space<vmem>>, vector<1x16xf32>,
      %swap3A_791 = vector.shape_cast %swap3A_790 : vector<1x16xf32> to vector<16xf32>
      %swap3A_792 = vector.shape_cast %add3A_787 : vector<16xf32> to vector<1x16xf32>
      tpu.vector_store %arg12[%swap3A_788, %swap3A_789], %swap3A_792 {strides = array<i32>} : memref<64x768xf32, #tpu.memory_space<vmem>>, vector<1x16xf32>,
    }
    %scan3A_17 = arith.constant 64 : i32
    "tpu.region"() ({
      %run_scoped3A = tpu.sem_alloc : memref<!tpu.dma_semaphore, #tpu.memory_space<semaphore_mem>>
      %dma_start3A_18 = arith.constant 0 : i32
      %dma_start3A_19 = tpu.memref_slice %arg7[%mul3A_2, %dma_start3A_18] : memref<2048x768xf32, #tpu.memory_space<hbm>> -> memref<64x768xf32, #tpu.memory_space<hbm>>
      %dma_start3A_20 = arith.constant 0 : i32
      %dma_start3A_21 = tpu.memref_slice %arg7[%mul3A_2, %dma_start3A_20] : memref<2048x768xf32, #tpu.memory_space<hbm>> -> memref<64x768xf32, #tpu.memory_space<hbm>>
      tpu.enqueue_dma source(%arg12 : memref<64x768xf32, #tpu.memory_space<vmem>>) target(%dma_start3A_21 : memref<64x768xf32, #tpu.memory_space<hbm>>) target_semaphore(%run_scoped3A : memref<!tpu.dma_semaphore, #tpu.memory_space<semaphore_mem>>)
      %dma_wait3A_22 = arith.constant 0 : i32
      %dma_wait3A_23 = tpu.memref_slice %arg7[%mul3A_2, %dma_wait3A_22] : memref<2048x768xf32, #tpu.memory_space<hbm>> -> memref<64x768xf32, #tpu.memory_space<hbm>>
      %dma_wait3A_24 = arith.constant 0 : i32
      %dma_wait3A_25 = tpu.memref_slice %arg7[%mul3A_2, %dma_wait3A_24] : memref<2048x768xf32, #tpu.memory_space<hbm>> -> memref<64x768xf32, #tpu.memory_space<hbm>>
      tpu.wait_dma2 semaphore(%run_scoped3A : memref<!tpu.dma_semaphore, #tpu.memory_space<semaphore_mem>>) src(%arg12 : memref<64x768xf32, #tpu.memory_space<vmem>>) dst(%dma_wait3A_25 : memref<64x768xf32, #tpu.memory_space<hbm>>)
      tpu.yield
    }) : () -> ()
    return
  }
}

#map = affine_map<(d0, d1) -> (0, 0)>
#map1 = affine_map<(d0, d1) -> (0)>
module attributes {stable_mosaic.version = 14 : i64} {
  func.func @dispatch(%arg0: i32, %arg1: i32, %arg2: memref<2048x768xf32, #tpu.memory_space<hbm>>, %arg3: memref<2048xi32, #tpu.memory_space<hbm>>, %arg4: memref<2048xi32, #tpu.memory_space<hbm>>, %arg5: memref<16384x768xf32, #tpu.memory_space<hbm>>, %arg6: memref<64xi32, #tpu.memory_space<vmem>>, %arg7: memref<64xi32, #tpu.memory_space<vmem>>, %arg8: memref<64x768xf32, #tpu.memory_space<vmem>>, %arg9: memref<!tpu.dma_semaphore, #tpu.memory_space<semaphore_mem>>, %arg10: memref<!tpu.dma_semaphore, #tpu.memory_space<semaphore_mem>>) attributes {dimension_semantics = [#tpu.dimension_semantics<core_parallel>, #tpu.dimension_semantics<subcore_parallel>], iteration_bounds = array<i64: 2, 16>, scalar_prefetch = 0 : i64, scratch_operands = 5 : i64, tpu.core_type = #tpu.core_type<sc_vector_subcore>, window_params = [{transform_indices = #map}, {transform_indices = #map1}, {transform_indices = #map1}, {transform_indices = #map}]} {
    %mul3A = arith.constant 2 : i32
    %mul3A_0 = arith.muli %arg1, %mul3A : i32
    %add3A = arith.addi %mul3A_0, %arg0 : i32
    %mul3A_1 = arith.constant 64 : i32
    %mul3A_2 = arith.muli %add3A, %mul3A_1 : i32
    "tpu.region"() ({
      %run_scoped3A = tpu.sem_alloc : memref<!tpu.dma_semaphore, #tpu.memory_space<semaphore_mem>>
      %dma_start3A_13 = tpu.memref_slice %arg3[%mul3A_2] : memref<2048xi32, #tpu.memory_space<hbm>> -> memref<64xi32, #tpu.memory_space<hbm>>
      %dma_start3A_14 = tpu.memref_slice %arg3[%mul3A_2] : memref<2048xi32, #tpu.memory_space<hbm>> -> memref<64xi32, #tpu.memory_space<hbm>>
      tpu.enqueue_dma source(%dma_start3A_14 : memref<64xi32, #tpu.memory_space<hbm>>) target(%arg6 : memref<64xi32, #tpu.memory_space<vmem>>) target_semaphore(%run_scoped3A : memref<!tpu.dma_semaphore, #tpu.memory_space<semaphore_mem>>)
      %dma_wait3A_15 = tpu.memref_slice %arg3[%mul3A_2] : memref<2048xi32, #tpu.memory_space<hbm>> -> memref<64xi32, #tpu.memory_space<hbm>>
      %dma_wait3A_16 = tpu.memref_slice %arg3[%mul3A_2] : memref<2048xi32, #tpu.memory_space<hbm>> -> memref<64xi32, #tpu.memory_space<hbm>>
      tpu.wait_dma2 semaphore(%run_scoped3A : memref<!tpu.dma_semaphore, #tpu.memory_space<semaphore_mem>>) src(%dma_wait3A_16 : memref<64xi32, #tpu.memory_space<hbm>>) dst(%arg6 : memref<64xi32, #tpu.memory_space<vmem>>)
      tpu.yield
    }) : () -> ()
    "tpu.region"() ({
      %run_scoped3A = tpu.sem_alloc : memref<!tpu.dma_semaphore, #tpu.memory_space<semaphore_mem>>
      %dma_start3A_13 = tpu.memref_slice %arg4[%mul3A_2] : memref<2048xi32, #tpu.memory_space<hbm>> -> memref<64xi32, #tpu.memory_space<hbm>>
      %dma_start3A_14 = tpu.memref_slice %arg4[%mul3A_2] : memref<2048xi32, #tpu.memory_space<hbm>> -> memref<64xi32, #tpu.memory_space<hbm>>
      tpu.enqueue_dma source(%dma_start3A_14 : memref<64xi32, #tpu.memory_space<hbm>>) target(%arg7 : memref<64xi32, #tpu.memory_space<vmem>>) target_semaphore(%run_scoped3A : memref<!tpu.dma_semaphore, #tpu.memory_space<semaphore_mem>>)
      %dma_wait3A_15 = tpu.memref_slice %arg4[%mul3A_2] : memref<2048xi32, #tpu.memory_space<hbm>> -> memref<64xi32, #tpu.memory_space<hbm>>
      %dma_wait3A_16 = tpu.memref_slice %arg4[%mul3A_2] : memref<2048xi32, #tpu.memory_space<hbm>> -> memref<64xi32, #tpu.memory_space<hbm>>
      tpu.wait_dma2 semaphore(%run_scoped3A : memref<!tpu.dma_semaphore, #tpu.memory_space<semaphore_mem>>) src(%dma_wait3A_16 : memref<64xi32, #tpu.memory_space<hbm>>) dst(%arg7 : memref<64xi32, #tpu.memory_space<vmem>>)
      tpu.yield
    }) : () -> ()
    "tpu.region"() ({
      %run_scoped3A = tpu.sem_alloc : memref<!tpu.dma_semaphore, #tpu.memory_space<semaphore_mem>>
      %dma_start3A_13 = arith.constant 0 : i32
      %dma_start3A_14 = tpu.memref_slice %arg2[%mul3A_2, %dma_start3A_13] : memref<2048x768xf32, #tpu.memory_space<hbm>> -> memref<64x768xf32, #tpu.memory_space<hbm>>
      %dma_start3A_15 = arith.constant 0 : i32
      %dma_start3A_16 = tpu.memref_slice %arg2[%mul3A_2, %dma_start3A_15] : memref<2048x768xf32, #tpu.memory_space<hbm>> -> memref<64x768xf32, #tpu.memory_space<hbm>>
      tpu.enqueue_dma source(%dma_start3A_16 : memref<64x768xf32, #tpu.memory_space<hbm>>) target(%arg8 : memref<64x768xf32, #tpu.memory_space<vmem>>) target_semaphore(%run_scoped3A : memref<!tpu.dma_semaphore, #tpu.memory_space<semaphore_mem>>)
      %dma_wait3A_17 = arith.constant 0 : i32
      %dma_wait3A_18 = tpu.memref_slice %arg2[%mul3A_2, %dma_wait3A_17] : memref<2048x768xf32, #tpu.memory_space<hbm>> -> memref<64x768xf32, #tpu.memory_space<hbm>>
      %dma_wait3A_19 = arith.constant 0 : i32
      %dma_wait3A_20 = tpu.memref_slice %arg2[%mul3A_2, %dma_wait3A_19] : memref<2048x768xf32, #tpu.memory_space<hbm>> -> memref<64x768xf32, #tpu.memory_space<hbm>>
      tpu.wait_dma2 semaphore(%run_scoped3A : memref<!tpu.dma_semaphore, #tpu.memory_space<semaphore_mem>>) src(%dma_wait3A_20 : memref<64x768xf32, #tpu.memory_space<hbm>>) dst(%arg8 : memref<64x768xf32, #tpu.memory_space<vmem>>)
      tpu.yield
    }) : () -> ()
    %dma_start3A = arith.constant 0 : i32
    %dma_start3A_3 = arith.constant 0 : i32
    %dma_start3A_4 = tpu.memref_slice %arg5[%dma_start3A, %dma_start3A_3] : memref<16384x768xf32, #tpu.memory_space<hbm>> -> memref<16384x768xf32, #tpu.memory_space<hbm>>
    tpu.enqueue_indirect_dma source(%arg8 : memref<64x768xf32, #tpu.memory_space<vmem>>) target(%dma_start3A_4 : memref<16384x768xf32, #tpu.memory_space<hbm>>) offsets(%arg6 : memref<64xi32, #tpu.memory_space<vmem>>) semaphore(%arg9 : memref<!tpu.dma_semaphore, #tpu.memory_space<semaphore_mem>>)
    %dma_start3A_5 = arith.constant 0 : i32
    %dma_start3A_6 = arith.constant 0 : i32
    %dma_start3A_7 = tpu.memref_slice %arg5[%dma_start3A_5, %dma_start3A_6] : memref<16384x768xf32, #tpu.memory_space<hbm>> -> memref<16384x768xf32, #tpu.memory_space<hbm>>
    tpu.enqueue_indirect_dma source(%arg8 : memref<64x768xf32, #tpu.memory_space<vmem>>) target(%dma_start3A_7 : memref<16384x768xf32, #tpu.memory_space<hbm>>) offsets(%arg7 : memref<64xi32, #tpu.memory_space<vmem>>) semaphore(%arg10 : memref<!tpu.dma_semaphore, #tpu.memory_space<semaphore_mem>>)
    %dma_wait3A = arith.constant 0 : i32
    %dma_wait3A_8 = arith.constant 0 : i32
    %dma_wait3A_9 = tpu.memref_slice %arg5[%dma_wait3A, %dma_wait3A_8] : memref<16384x768xf32, #tpu.memory_space<hbm>> -> memref<16384x768xf32, #tpu.memory_space<hbm>>
    tpu.wait_indirect_dma semaphore(%arg9 : memref<!tpu.dma_semaphore, #tpu.memory_space<semaphore_mem>>) src(%arg8 : memref<64x768xf32, #tpu.memory_space<vmem>>) dst(%dma_wait3A_9 : memref<16384x768xf32, #tpu.memory_space<hbm>>)
    %dma_wait3A_10 = arith.constant 0 : i32
    %dma_wait3A_11 = arith.constant 0 : i32
    %dma_wait3A_12 = tpu.memref_slice %arg5[%dma_wait3A_10, %dma_wait3A_11] : memref<16384x768xf32, #tpu.memory_space<hbm>> -> memref<16384x768xf32, #tpu.memory_space<hbm>>
    tpu.wait_indirect_dma semaphore(%arg10 : memref<!tpu.dma_semaphore, #tpu.memory_space<semaphore_mem>>) src(%arg8 : memref<64x768xf32, #tpu.memory_space<vmem>>) dst(%dma_wait3A_12 : memref<16384x768xf32, #tpu.memory_space<hbm>>)
    return
  }
}

module attributes {stable_mosaic.version = 14 : i64} {
  func.func @_router_body(%arg0: i32, %arg1: memref<512x768xf32, #tpu.memory_space<vmem>>, %arg2: memref<768x8xf32, #tpu.memory_space<vmem>>, %arg3: memref<512x1xi32, #tpu.memory_space<vmem>>, %arg4: memref<512x1xi32, #tpu.memory_space<vmem>>, %arg5: memref<512x16xf32, #tpu.memory_space<vmem>>, %arg6: memref<512x16xf32, #tpu.memory_space<vmem>>, %arg7: memref<8x8xi32, #tpu.memory_space<vmem>>, %arg8: memref<8x8xi32, #tpu.memory_space<vmem>>, %arg9: memref<1x8xf32, #tpu.memory_space<vmem>>) attributes {dimension_semantics = [#tpu.dimension_semantics<arbitrary>], iteration_bounds = array<i64: 4>, scalar_prefetch = 0 : i64, scratch_operands = 1 : i64, tpu.core_type = #tpu.core_type<tc>, window_params = [{transform_indices = @transform_0, window_bounds = array<i64: 512, 768>}, {pipeline_mode = #tpu.pipeline_mode<synchronous>, transform_indices = @transform_1, window_bounds = array<i64: 768, 8>}, {transform_indices = @transform_2, window_bounds = array<i64: 512, 1>}, {transform_indices = @transform_3, window_bounds = array<i64: 512, 1>}, {transform_indices = @transform_4, window_bounds = array<i64: 512, 16>}, {transform_indices = @transform_5, window_bounds = array<i64: 512, 16>}, {pipeline_mode = #tpu.pipeline_mode<synchronous>, transform_indices = @transform_6, window_bounds = array<i64: 8, 8>}, {pipeline_mode = #tpu.pipeline_mode<synchronous>, transform_indices = @transform_7, window_bounds = array<i64: 8, 8>}]} {
    %get3A = arith.constant 0 : index
    %get3A_0 = arith.constant 0 : index
    %get3A_1 = vector.load %arg1[%get3A, %get3A_0] : memref<512x768xf32, #tpu.memory_space<vmem>>, vector<512x768xf32>
    %get3A_2 = arith.constant 0 : index
    %get3A_3 = arith.constant 0 : index
    %get3A_4 = vector.load %arg2[%get3A_2, %get3A_3] : memref<768x8xf32, #tpu.memory_space<vmem>>, vector<768x8xf32>
    %dot_general3A = arith.constant dense<0.000000e+00> : vector<512x8xf32>
    %dot_general3A_5 = tpu.matmul %get3A_1, %get3A_4, %dot_general3A {dimension_numbers = #tpu.dot_dimension_numbers<[1], [0], [0], [1], [0, 0, 1, 1], [], []>, transpose_lhs_hint = false} : vector<512x768xf32>, vector<768x8xf32>, vector<512x8xf32> -> vector<512x8xf32>
    %iota3A = tpu.iota {dimensions = array<i32: 1>} : vector<512x8xi32>
    %reduce_max3A = arith.constant dense<0xFF800000> : vector<512xf32>
    %reduce_max3A_6 = vector.multi_reduction <maximumf>, %dot_general3A_5, %reduce_max3A [1] : vector<512x8xf32> to vector<512xf32>
    %broadcast_in_dim3A = vector.shape_cast %reduce_max3A_6 : vector<512xf32> to vector<512x1xf32>
    %eq3A = vector.broadcast %broadcast_in_dim3A : vector<512x1xf32> to vector<512x8xf32>
    %eq3A_7 = arith.cmpf oeq, %dot_general3A_5, %eq3A : vector<512x8xf32>
    %jit3A = arith.constant 8 : i32
    %broadcast_in_dim3A_8 = vector.broadcast %jit3A : i32 to vector<512x8xi32>
    %select_n3A = arith.select %eq3A_7, %iota3A, %broadcast_in_dim3A_8 : vector<512x8xi1>, vector<512x8xi32>
    %reduce_min3A = arith.constant dense<2147483647> : vector<512xi32>
    %reduce_min3A_9 = vector.multi_reduction <minsi>, %select_n3A, %reduce_min3A [1] : vector<512x8xi32> to vector<512xi32>
    %broadcast_in_dim3A_10 = vector.shape_cast %reduce_min3A_9 : vector<512xi32> to vector<512x1xi32>
    %eq3A_11 = vector.broadcast %broadcast_in_dim3A_10 : vector<512x1xi32> to vector<512x8xi32>
    %eq3A_12 = arith.cmpi eq, %iota3A, %eq3A_11 : vector<512x8xi32>
    %jit3A_13 = arith.constant -1.000000e+30 : f32
    %broadcast_in_dim3A_14 = vector.broadcast %jit3A_13 : f32 to vector<512x8xf32>
    %select_n3A_15 = arith.select %eq3A_12, %broadcast_in_dim3A_14, %dot_general3A_5 : vector<512x8xi1>, vector<512x8xf32>
    %reduce_max3A_16 = arith.constant dense<0xFF800000> : vector<512xf32>
    %reduce_max3A_17 = vector.multi_reduction <maximumf>, %select_n3A_15, %reduce_max3A_16 [1] : vector<512x8xf32> to vector<512xf32>
    %broadcast_in_dim3A_18 = vector.shape_cast %reduce_max3A_17 : vector<512xf32> to vector<512x1xf32>
    %eq3A_19 = vector.broadcast %broadcast_in_dim3A_18 : vector<512x1xf32> to vector<512x8xf32>
    %eq3A_20 = arith.cmpf oeq, %select_n3A_15, %eq3A_19 : vector<512x8xf32>
    %jit3A_21 = arith.constant 8 : i32
    %broadcast_in_dim3A_22 = vector.broadcast %jit3A_21 : i32 to vector<512x8xi32>
    %select_n3A_23 = arith.select %eq3A_20, %iota3A, %broadcast_in_dim3A_22 : vector<512x8xi1>, vector<512x8xi32>
    %reduce_min3A_24 = arith.constant dense<2147483647> : vector<512xi32>
    %reduce_min3A_25 = vector.multi_reduction <minsi>, %select_n3A_23, %reduce_min3A_24 [1] : vector<512x8xi32> to vector<512xi32>
    %broadcast_in_dim3A_26 = vector.shape_cast %reduce_min3A_25 : vector<512xi32> to vector<512x1xi32>
    %sub3A = arith.subf %broadcast_in_dim3A_18, %broadcast_in_dim3A : vector<512x1xf32>
    %exp3A = math.exp %sub3A : vector<512x1xf32>
    %add3A = arith.constant 1.000000e+00 : f32
    %add3A_27 = vector.broadcast %add3A : f32 to vector<512x1xf32>
    %add3A_28 = arith.addf %add3A_27, %exp3A : vector<512x1xf32>
    %eq3A_29 = arith.constant 0 : i32
    %eq3A_30 = arith.cmpi eq, %arg0, %eq3A_29 : i32
    %convert_element_type3A = arith.extui %eq3A_30 : i1 to i32
    %cond3A = arith.constant 0 : i32
    %cond3A_31 = arith.cmpi ne, %convert_element_type3A, %cond3A : i32
    scf.if %cond3A_31 {
      %broadcast_in_dim3A_112 = arith.constant 0.000000e+00 : f32
      %broadcast_in_dim3A_113 = vector.broadcast %broadcast_in_dim3A_112 : f32 to vector<1x8xf32>
      %swap3A_114 = arith.constant 0 : index
      %swap3A_115 = arith.constant 0 : index
      %swap3A_116 = vector.load %arg9[%swap3A_114, %swap3A_115] : memref<1x8xf32, #tpu.memory_space<vmem>>, vector<1x8xf32>
      tpu.vector_store %arg9[%swap3A_114, %swap3A_115], %broadcast_in_dim3A_113 {strides = array<i32>} : memref<1x8xf32, #tpu.memory_space<vmem>>, vector<1x8xf32>,
    } else {
    }
    %eq3A_32 = vector.broadcast %broadcast_in_dim3A_10 : vector<512x1xi32> to vector<512x8xi32>
    %eq3A_33 = arith.cmpi eq, %iota3A, %eq3A_32 : vector<512x8xi32>
    %eq3A_34 = vector.broadcast %broadcast_in_dim3A_26 : vector<512x1xi32> to vector<512x8xi32>
    %eq3A_35 = arith.cmpi eq, %iota3A, %eq3A_34 : vector<512x8xi32>
    %or3A = arith.ori %eq3A_33, %eq3A_35 : vector<512x8xi1>
    %jit3A_36 = arith.constant 1.000000e+00 : f32
    %jit3A_37 = arith.constant 0.000000e+00 : f32
    %broadcast_in_dim3A_38 = vector.broadcast %jit3A_36 : f32 to vector<512x8xf32>
    %broadcast_in_dim3A_39 = vector.broadcast %jit3A_37 : f32 to vector<512x8xf32>
    %select_n3A_40 = arith.select %or3A, %broadcast_in_dim3A_38, %broadcast_in_dim3A_39 : vector<512x8xi1>, vector<512x8xf32>
    %iota3A_41 = tpu.iota {dimensions = array<i32: 0>} : vector<512x512xi32>
    %iota3A_42 = tpu.iota {dimensions = array<i32: 1>} : vector<512x512xi32>
    %lt3A = arith.cmpi slt, %iota3A_42, %iota3A_41 : vector<512x512xi32>
    %jit3A_43 = arith.constant 1.000000e+00 : f32
    %jit3A_44 = arith.constant 0.000000e+00 : f32
    %broadcast_in_dim3A_45 = vector.broadcast %jit3A_43 : f32 to vector<512x512xf32>
    %broadcast_in_dim3A_46 = vector.broadcast %jit3A_44 : f32 to vector<512x512xf32>
    %select_n3A_47 = arith.select %lt3A, %broadcast_in_dim3A_45, %broadcast_in_dim3A_46 : vector<512x512xi1>, vector<512x512xf32>
    %dot_general3A_48 = arith.constant dense<0.000000e+00> : vector<512x8xf32>
    %dot_general3A_49 = tpu.matmul %select_n3A_47, %select_n3A_40, %dot_general3A_48 {dimension_numbers = #tpu.dot_dimension_numbers<[1], [0], [0], [1], [0, 0, 1, 1], [], []>, transpose_lhs_hint = false} : vector<512x512xf32>, vector<512x8xf32>, vector<512x8xf32> -> vector<512x8xf32>
    %get3A_50 = arith.constant 0 : index
    %get3A_51 = arith.constant 0 : index
    %get3A_52 = vector.load %arg9[%get3A_50, %get3A_51] : memref<1x8xf32, #tpu.memory_space<vmem>>, vector<1x8xf32>
    %add3A_53 = vector.broadcast %get3A_52 : vector<1x8xf32> to vector<512x8xf32>
    %add3A_54 = arith.addf %dot_general3A_49, %add3A_53 : vector<512x8xf32>
    %eq3A_55 = vector.broadcast %broadcast_in_dim3A_10 : vector<512x1xi32> to vector<512x8xi32>
    %eq3A_56 = arith.cmpi eq, %iota3A, %eq3A_55 : vector<512x8xi32>
    %jit3A_57 = arith.constant 0.000000e+00 : f32
    %broadcast_in_dim3A_58 = vector.broadcast %jit3A_57 : f32 to vector<512x8xf32>
    %select_n3A_59 = arith.select %eq3A_56, %add3A_54, %broadcast_in_dim3A_58 : vector<512x8xi1>, vector<512x8xf32>
    %reduce_sum3A = arith.constant dense<0.000000e+00> : vector<512xf32>
    %reduce_sum3A_60 = vector.multi_reduction <add>, %select_n3A_59, %reduce_sum3A [1] : vector<512x8xf32> to vector<512xf32>
    %broadcast_in_dim3A_61 = vector.shape_cast %reduce_sum3A_60 : vector<512xf32> to vector<512x1xf32>
    %convert_element_type3A_62 = arith.fptosi %broadcast_in_dim3A_61 : vector<512x1xf32> to vector<512x1xi32>
    %eq3A_63 = vector.broadcast %broadcast_in_dim3A_26 : vector<512x1xi32> to vector<512x8xi32>
    %eq3A_64 = arith.cmpi eq, %iota3A, %eq3A_63 : vector<512x8xi32>
    %jit3A_65 = arith.constant 0.000000e+00 : f32
    %broadcast_in_dim3A_66 = vector.broadcast %jit3A_65 : f32 to vector<512x8xf32>
    %select_n3A_67 = arith.select %eq3A_64, %add3A_54, %broadcast_in_dim3A_66 : vector<512x8xi1>, vector<512x8xf32>
    %reduce_sum3A_68 = arith.constant dense<0.000000e+00> : vector<512xf32>
    %reduce_sum3A_69 = vector.multi_reduction <add>, %select_n3A_67, %reduce_sum3A_68 [1] : vector<512x8xf32> to vector<512xf32>
    %broadcast_in_dim3A_70 = vector.shape_cast %reduce_sum3A_69 : vector<512xf32> to vector<512x1xf32>
    %convert_element_type3A_71 = arith.fptosi %broadcast_in_dim3A_70 : vector<512x1xf32> to vector<512x1xi32>
    %mul3A = arith.constant 2048 : i32
    %mul3A_72 = vector.broadcast %mul3A : i32 to vector<512x1xi32>
    %mul3A_73 = arith.muli %broadcast_in_dim3A_10, %mul3A_72 : vector<512x1xi32>
    %add3A_74 = arith.addi %mul3A_73, %convert_element_type3A_62 : vector<512x1xi32>
    %swap3A = arith.constant 0 : index
    %swap3A_75 = arith.constant 0 : index
    %swap3A_76 = vector.load %arg3[%swap3A, %swap3A_75] : memref<512x1xi32, #tpu.memory_space<vmem>>, vector<512x1xi32>
    tpu.vector_store %arg3[%swap3A, %swap3A_75], %add3A_74 {strides = array<i32>} : memref<512x1xi32, #tpu.memory_space<vmem>>, vector<512x1xi32>,
    %mul3A_77 = arith.constant 2048 : i32
    %mul3A_78 = vector.broadcast %mul3A_77 : i32 to vector<512x1xi32>
    %mul3A_79 = arith.muli %broadcast_in_dim3A_26, %mul3A_78 : vector<512x1xi32>
    %add3A_80 = arith.addi %mul3A_79, %convert_element_type3A_71 : vector<512x1xi32>
    %swap3A_81 = arith.constant 0 : index
    %swap3A_82 = arith.constant 0 : index
    %swap3A_83 = vector.load %arg4[%swap3A_81, %swap3A_82] : memref<512x1xi32, #tpu.memory_space<vmem>>, vector<512x1xi32>
    tpu.vector_store %arg4[%swap3A_81, %swap3A_82], %add3A_80 {strides = array<i32>} : memref<512x1xi32, #tpu.memory_space<vmem>>, vector<512x1xi32>,
    %div3A = arith.constant 1.000000e+00 : f32
    %div3A_84 = vector.broadcast %div3A : f32 to vector<512x1xf32>
    %div3A_85 = arith.divf %div3A_84, %add3A_28 : vector<512x1xf32>
    %broadcast_in_dim3A_86 = vector.shape_cast %div3A_85 : vector<512x1xf32> to vector<512x1xf32>
    %broadcast_in_dim3A_87 = vector.broadcast %broadcast_in_dim3A_86 : vector<512x1xf32> to vector<512x16xf32>
    %swap3A_88 = arith.constant 0 : index
    %swap3A_89 = arith.constant 0 : index
    %swap3A_90 = vector.load %arg5[%swap3A_88, %swap3A_89] : memref<512x16xf32, #tpu.memory_space<vmem>>, vector<512x16xf32>
    tpu.vector_store %arg5[%swap3A_88, %swap3A_89], %broadcast_in_dim3A_87 {strides = array<i32>} : memref<512x16xf32, #tpu.memory_space<vmem>>, vector<512x16xf32>,
    %div3A_91 = arith.divf %exp3A, %add3A_28 : vector<512x1xf32>
    %broadcast_in_dim3A_92 = vector.shape_cast %div3A_91 : vector<512x1xf32> to vector<512x1xf32>
    %broadcast_in_dim3A_93 = vector.broadcast %broadcast_in_dim3A_92 : vector<512x1xf32> to vector<512x16xf32>
    %swap3A_94 = arith.constant 0 : index
    %swap3A_95 = arith.constant 0 : index
    %swap3A_96 = vector.load %arg6[%swap3A_94, %swap3A_95] : memref<512x16xf32, #tpu.memory_space<vmem>>, vector<512x16xf32>
    tpu.vector_store %arg6[%swap3A_94, %swap3A_95], %broadcast_in_dim3A_93 {strides = array<i32>} : memref<512x16xf32, #tpu.memory_space<vmem>>, vector<512x16xf32>,
    %get3A_97 = arith.constant 0 : index
    %get3A_98 = arith.constant 0 : index
    %get3A_99 = vector.load %arg9[%get3A_97, %get3A_98] : memref<1x8xf32, #tpu.memory_space<vmem>>, vector<1x8xf32>
    %reduce_sum3A_100 = arith.constant dense<0.000000e+00> : vector<8xf32>
    %reduce_sum3A_101 = vector.multi_reduction <add>, %select_n3A_40, %reduce_sum3A_100 [0] : vector<512x8xf32> to vector<8xf32>
    %broadcast_in_dim3A_102 = vector.shape_cast %reduce_sum3A_101 : vector<8xf32> to vector<1x8xf32>
    %add3A_103 = arith.addf %get3A_99, %broadcast_in_dim3A_102 : vector<1x8xf32>
    %swap3A_104 = arith.constant 0 : index
    %swap3A_105 = arith.constant 0 : index
    %swap3A_106 = vector.load %arg9[%swap3A_104, %swap3A_105] : memref<1x8xf32, #tpu.memory_space<vmem>>, vector<1x8xf32>
    tpu.vector_store %arg9[%swap3A_104, %swap3A_105], %add3A_103 {strides = array<i32>} : memref<1x8xf32, #tpu.memory_space<vmem>>, vector<1x8xf32>,
    %eq3A_107 = arith.constant 3 : i32
    %eq3A_108 = arith.cmpi eq, %arg0, %eq3A_107 : i32
    %convert_element_type3A_109 = arith.extui %eq3A_108 : i1 to i32
    %cond3A_110 = arith.constant 0 : i32
    %cond3A_111 = arith.cmpi ne, %convert_element_type3A_109, %cond3A_110 : i32
    scf.if %cond3A_111 {
      %add3A_112 = arith.constant 2.550000e+02 : f32
      %add3A_113 = vector.broadcast %add3A_112 : f32 to vector<1x8xf32>
      %add3A_114 = arith.addf %add3A_103, %add3A_113 : vector<1x8xf32>
      %mul3A_115 = arith.constant 3.906250e-03 : f32
      %mul3A_116 = vector.broadcast %mul3A_115 : f32 to vector<1x8xf32>
      %mul3A_117 = arith.mulf %add3A_114, %mul3A_116 : vector<1x8xf32>
      %floor3A = math.floor %mul3A_117 : vector<1x8xf32>
      %iota3A_118 = tpu.iota {dimensions = array<i32: 0>} : vector<8x8xi32>
      %convert_element_type3A_119 = arith.sitofp %iota3A_118 : vector<8x8xi32> to vector<8x8xf32>
      %mul3A_120 = arith.constant 2.560000e+02 : f32
      %mul3A_121 = vector.broadcast %mul3A_120 : f32 to vector<8x8xf32>
      %mul3A_122 = arith.mulf %convert_element_type3A_119, %mul3A_121 : vector<8x8xf32>
      %broadcast_in_dim3A_123 = vector.shape_cast %add3A_103 : vector<1x8xf32> to vector<1x8xf32>
      %broadcast_in_dim3A_124 = vector.broadcast %broadcast_in_dim3A_123 : vector<1x8xf32> to vector<8x8xf32>
      %lt3A_125 = arith.cmpf olt, %mul3A_122, %broadcast_in_dim3A_124 : vector<8x8xf32>
      %jit3A_126 = arith.constant 1.000000e+00 : f32
      %jit3A_127 = arith.constant 0.000000e+00 : f32
      %broadcast_in_dim3A_128 = vector.broadcast %jit3A_126 : f32 to vector<8x8xf32>
      %broadcast_in_dim3A_129 = vector.broadcast %jit3A_127 : f32 to vector<8x8xf32>
      %select_n3A_130 = arith.select %lt3A_125, %broadcast_in_dim3A_128, %broadcast_in_dim3A_129 : vector<8x8xi1>, vector<8x8xf32>
      %sub3A_131 = arith.constant 1.000000e+00 : f32
      %sub3A_132 = vector.broadcast %sub3A_131 : f32 to vector<1x8xf32>
      %sub3A_133 = arith.subf %floor3A, %sub3A_132 : vector<1x8xf32>
      %max3A = arith.constant 0.000000e+00 : f32
      %max3A_134 = vector.broadcast %max3A : f32 to vector<1x8xf32>
      %max3A_135 = arith.maximumf %sub3A_133, %max3A_134 : vector<1x8xf32>
      %broadcast_in_dim3A_136 = vector.shape_cast %max3A_135 : vector<1x8xf32> to vector<1x8xf32>
      %broadcast_in_dim3A_137 = vector.broadcast %broadcast_in_dim3A_136 : vector<1x8xf32> to vector<8x8xf32>
      %min3A = arith.minimumf %convert_element_type3A_119, %broadcast_in_dim3A_137 : vector<8x8xf32>
      %iota3A_138 = tpu.iota {dimensions = array<i32: 0>} : vector<8x8xi32>
      %iota3A_139 = tpu.iota {dimensions = array<i32: 1>} : vector<8x8xi32>
      %eq3A_140 = arith.cmpi eq, %iota3A_138, %iota3A_139 : vector<8x8xi32>
      %jit3A_141 = arith.constant 1.000000e+00 : f32
      %jit3A_142 = arith.constant 0.000000e+00 : f32
      %broadcast_in_dim3A_143 = vector.broadcast %jit3A_141 : f32 to vector<8x8xf32>
      %broadcast_in_dim3A_144 = vector.broadcast %jit3A_142 : f32 to vector<8x8xf32>
      %select_n3A_145 = arith.select %eq3A_140, %broadcast_in_dim3A_143, %broadcast_in_dim3A_144 : vector<8x8xi1>, vector<8x8xf32>
      %dot_general3A_146 = arith.constant dense<0.000000e+00> : vector<8x8xf32>
      %dot_general3A_147 = tpu.matmul %select_n3A_130, %select_n3A_145, %dot_general3A_146 {dimension_numbers = #tpu.dot_dimension_numbers<[0], [0], [1], [1], [0, 1, 1, 1], [], []>, transpose_lhs_hint = false} : vector<8x8xf32>, vector<8x8xf32>, vector<8x8xf32> -> vector<8x8xf32>
      %dot_general3A_148 = arith.constant dense<0.000000e+00> : vector<8x8xf32>
      %dot_general3A_149 = tpu.matmul %min3A, %select_n3A_145, %dot_general3A_148 {dimension_numbers = #tpu.dot_dimension_numbers<[0], [0], [1], [1], [0, 1, 1, 1], [], []>, transpose_lhs_hint = false} : vector<8x8xf32>, vector<8x8xf32>, vector<8x8xf32> -> vector<8x8xf32>
      %convert_element_type3A_150 = arith.fptosi %dot_general3A_147 : vector<8x8xf32> to vector<8x8xi32>
      %swap3A_151 = arith.constant 0 : index
      %swap3A_152 = arith.constant 0 : index
      %swap3A_153 = vector.load %arg7[%swap3A_151, %swap3A_152] : memref<8x8xi32, #tpu.memory_space<vmem>>, vector<8x8xi32>
      tpu.vector_store %arg7[%swap3A_151, %swap3A_152], %convert_element_type3A_150 {strides = array<i32>} : memref<8x8xi32, #tpu.memory_space<vmem>>, vector<8x8xi32>,
      %mul3A_154 = arith.constant 8 : i32
      %mul3A_155 = vector.broadcast %mul3A_154 : i32 to vector<8x8xi32>
      %mul3A_156 = arith.muli %iota3A_138, %mul3A_155 : vector<8x8xi32>
      %convert_element_type3A_157 = arith.sitofp %mul3A_156 : vector<8x8xi32> to vector<8x8xf32>
      %add3A_158 = arith.addf %dot_general3A_149, %convert_element_type3A_157 : vector<8x8xf32>
      %convert_element_type3A_159 = arith.fptosi %add3A_158 : vector<8x8xf32> to vector<8x8xi32>
      %swap3A_160 = arith.constant 0 : index
      %swap3A_161 = arith.constant 0 : index
      %swap3A_162 = vector.load %arg8[%swap3A_160, %swap3A_161] : memref<8x8xi32, #tpu.memory_space<vmem>>, vector<8x8xi32>
      tpu.vector_store %arg8[%swap3A_160, %swap3A_161], %convert_element_type3A_159 {strides = array<i32>} : memref<8x8xi32, #tpu.memory_space<vmem>>, vector<8x8xi32>,
    } else {
    }
    return
  }
  func.func @transform_0(%arg0: i32) -> (i32, i32) {
    %c0_i32 = arith.constant 0 : i32
    %c0_i32_0 = arith.constant 0 : i32
    return %arg0, %c0_i32 : i32, i32
  }
  func.func @transform_1(%arg0: i32) -> (i32, i32) {
    %c0_i32 = arith.constant 0 : i32
    %c0_i32_0 = arith.constant 0 : i32
    %c0_i32_1 = arith.constant 0 : i32
    return %c0_i32, %c0_i32_0 : i32, i32
  }
  func.func @transform_2(%arg0: i32) -> (i32, i32) {
    %c0_i32 = arith.constant 0 : i32
    %c0_i32_0 = arith.constant 0 : i32
    return %arg0, %c0_i32 : i32, i32
  }
  func.func @transform_3(%arg0: i32) -> (i32, i32) {
    %c0_i32 = arith.constant 0 : i32
    %c0_i32_0 = arith.constant 0 : i32
    return %arg0, %c0_i32 : i32, i32
  }
  func.func @transform_4(%arg0: i32) -> (i32, i32) {
    %c0_i32 = arith.constant 0 : i32
    %c0_i32_0 = arith.constant 0 : i32
    return %arg0, %c0_i32 : i32, i32
  }
  func.func @transform_5(%arg0: i32) -> (i32, i32) {
    %c0_i32 = arith.constant 0 : i32
    %c0_i32_0 = arith.constant 0 : i32
    return %arg0, %c0_i32 : i32, i32
  }
  func.func @transform_6(%arg0: i32) -> (i32, i32) {
    %c0_i32 = arith.constant 0 : i32
    %c0_i32_0 = arith.constant 0 : i32
    %c0_i32_1 = arith.constant 0 : i32
    return %c0_i32, %c0_i32_0 : i32, i32
  }
  func.func @transform_7(%arg0: i32) -> (i32, i32) {
    %c0_i32 = arith.constant 0 : i32
    %c0_i32_0 = arith.constant 0 : i32
    %c0_i32_1 = arith.constant 0 : i32
    return %c0_i32, %c0_i32_0 : i32, i32
  }
}

module attributes {stable_mosaic.version = 14 : i64} {
  func.func @_gemm_body(%arg0: i32, %arg1: memref<64xi32, #tpu.memory_space<smem>>, %arg2: memref<64xi32, #tpu.memory_space<smem>>, %arg3: memref<256x768xf32, #tpu.memory_space<vmem>>, %arg4: memref<1x768x1536xf32, #tpu.memory_space<vmem>>, %arg5: memref<1x1x1536xf32, #tpu.memory_space<vmem>>, %arg6: memref<1x1536x768xf32, #tpu.memory_space<vmem>>, %arg7: memref<1x1x768xf32, #tpu.memory_space<vmem>>, %arg8: memref<256x768xf32, #tpu.memory_space<vmem>>) attributes {dimension_semantics = [#tpu.dimension_semantics<arbitrary>], iteration_bounds = array<i64: 64>, scalar_prefetch = 2 : i64, scratch_operands = 0 : i64, tpu.core_type = #tpu.core_type<tc>, window_params = [{transform_indices = @transform_0, window_bounds = array<i64: 256, 768>}, {transform_indices = @transform_1, window_bounds = array<i64: 1, 768, 1536>}, {transform_indices = @transform_2, window_bounds = array<i64: 1, 1, 1536>}, {transform_indices = @transform_3, window_bounds = array<i64: 1, 1536, 768>}, {transform_indices = @transform_4, window_bounds = array<i64: 1, 1, 768>}, {transform_indices = @transform_5, window_bounds = array<i64: 256, 768>}]} {
    %get3A = arith.index_cast %arg0 : i32 to index
    %get3A_0 = memref.load %arg2[%get3A] : memref<64xi32, #tpu.memory_space<smem>>
    %ne3A = arith.constant 0 : i32
    %ne3A_1 = arith.cmpi ne, %get3A_0, %ne3A : i32
    %convert_element_type3A = arith.extui %ne3A_1 : i1 to i32
    %cond3A = arith.constant 0 : i32
    %cond3A_2 = arith.cmpi ne, %convert_element_type3A, %cond3A : i32
    scf.if %cond3A_2 {
      %get3A_3 = arith.constant 0 : index
      %get3A_4 = arith.constant 0 : index
      %get3A_5 = vector.load %arg3[%get3A_3, %get3A_4] : memref<256x768xf32, #tpu.memory_space<vmem>>, vector<256x768xf32>
      %get3A_6 = arith.constant 0 : index
      %get3A_7 = arith.constant 0 : index
      %get3A_8 = arith.constant 0 : index
      %get3A_9 = vector.load %arg4[%get3A_6, %get3A_7, %get3A_8] : memref<1x768x1536xf32, #tpu.memory_space<vmem>>, vector<1x768x1536xf32>
      %get3A_10 = vector.shape_cast %get3A_9 : vector<1x768x1536xf32> to vector<768x1536xf32>
      %dot_general3A = arith.constant dense<0.000000e+00> : vector<256x1536xf32>
      %dot_general3A_11 = tpu.matmul %get3A_5, %get3A_10, %dot_general3A {dimension_numbers = #tpu.dot_dimension_numbers<[1], [0], [0], [1], [0, 0, 1, 1], [], []>, transpose_lhs_hint = false} : vector<256x768xf32>, vector<768x1536xf32>, vector<256x1536xf32> -> vector<256x1536xf32>
      %get3A_12 = arith.constant 0 : index
      %get3A_13 = arith.constant 0 : index
      %get3A_14 = arith.constant 0 : index
      %get3A_15 = vector.load %arg5[%get3A_12, %get3A_13, %get3A_14] : memref<1x1x1536xf32, #tpu.memory_space<vmem>>, vector<1x1x1536xf32>
      %get3A_16 = vector.shape_cast %get3A_15 : vector<1x1x1536xf32> to vector<1x1536xf32>
      %add3A = vector.broadcast %get3A_16 : vector<1x1536xf32> to vector<256x1536xf32>
      %add3A_17 = arith.addf %dot_general3A_11, %add3A : vector<256x1536xf32>
      %mul3A = arith.constant 5.000000e-01 : f32
      %mul3A_18 = vector.broadcast %mul3A : f32 to vector<256x1536xf32>
      %mul3A_19 = arith.mulf %mul3A_18, %add3A_17 : vector<256x1536xf32>
      %mul3A_20 = arith.constant 0.707106769 : f32
      %mul3A_21 = vector.broadcast %mul3A_20 : f32 to vector<256x1536xf32>
      %mul3A_22 = arith.mulf %add3A_17, %mul3A_21 : vector<256x1536xf32>
      %erf3A = math.erf %mul3A_22 : vector<256x1536xf32>
      %add3A_23 = arith.constant 1.000000e+00 : f32
      %add3A_24 = vector.broadcast %add3A_23 : f32 to vector<256x1536xf32>
      %add3A_25 = arith.addf %add3A_24, %erf3A : vector<256x1536xf32>
      %mul3A_26 = arith.mulf %mul3A_19, %add3A_25 : vector<256x1536xf32>
      %get3A_27 = arith.constant 0 : index
      %get3A_28 = arith.constant 0 : index
      %get3A_29 = arith.constant 0 : index
      %get3A_30 = vector.load %arg6[%get3A_27, %get3A_28, %get3A_29] : memref<1x1536x768xf32, #tpu.memory_space<vmem>>, vector<1x1536x768xf32>
      %get3A_31 = vector.shape_cast %get3A_30 : vector<1x1536x768xf32> to vector<1536x768xf32>
      %dot_general3A_32 = arith.constant dense<0.000000e+00> : vector<256x768xf32>
      %dot_general3A_33 = tpu.matmul %mul3A_26, %get3A_31, %dot_general3A_32 {dimension_numbers = #tpu.dot_dimension_numbers<[1], [0], [0], [1], [0, 0, 1, 1], [], []>, transpose_lhs_hint = false} : vector<256x1536xf32>, vector<1536x768xf32>, vector<256x768xf32> -> vector<256x768xf32>
      %get3A_34 = arith.constant 0 : index
      %get3A_35 = arith.constant 0 : index
      %get3A_36 = arith.constant 0 : index
      %get3A_37 = vector.load %arg7[%get3A_34, %get3A_35, %get3A_36] : memref<1x1x768xf32, #tpu.memory_space<vmem>>, vector<1x1x768xf32>
      %get3A_38 = vector.shape_cast %get3A_37 : vector<1x1x768xf32> to vector<1x768xf32>
      %add3A_39 = vector.broadcast %get3A_38 : vector<1x768xf32> to vector<256x768xf32>
      %add3A_40 = arith.addf %dot_general3A_33, %add3A_39 : vector<256x768xf32>
      %swap3A = arith.constant 0 : index
      %swap3A_41 = arith.constant 0 : index
      %swap3A_42 = vector.load %arg8[%swap3A, %swap3A_41] : memref<256x768xf32, #tpu.memory_space<vmem>>, vector<256x768xf32>
      tpu.vector_store %arg8[%swap3A, %swap3A_41], %add3A_40 {strides = array<i32>} : memref<256x768xf32, #tpu.memory_space<vmem>>, vector<256x768xf32>,
    } else {
    }
    return
  }
  func.func @transform_0(%arg0: i32, %arg1: memref<64xi32, #tpu.memory_space<smem>>, %arg2: memref<64xi32, #tpu.memory_space<smem>>) -> (i32, i32) {
    %get3A = arith.index_cast %arg0 : i32 to index
    %get3A_0 = memref.load %arg1[%get3A] : memref<64xi32, #tpu.memory_space<smem>>
    %c0_i32 = arith.constant 0 : i32
    %c0_i32_1 = arith.constant 0 : i32
    return %get3A_0, %c0_i32 : i32, i32
  }
  func.func @transform_1(%arg0: i32, %arg1: memref<64xi32, #tpu.memory_space<smem>>, %arg2: memref<64xi32, #tpu.memory_space<smem>>) -> (i32, i32, i32) {
    %jit3A = arith.constant 8 : i32
    %div3A = arith.divsi %arg0, %jit3A : i32
    %sign3A = arith.constant 0 : i32
    %sign3A_0 = arith.cmpi sgt, %arg0, %sign3A : i32
    %sign3A_1 = arith.extui %sign3A_0 : i1 to i32
    %sign3A_2 = arith.constant 0 : i32
    %sign3A_3 = arith.cmpi slt, %arg0, %sign3A_2 : i32
    %sign3A_4 = arith.extui %sign3A_3 : i1 to i32
    %sign3A_5 = arith.subi %sign3A_1, %sign3A_4 : i32
    %sign3A_6 = arith.constant 0 : i32
    %sign3A_7 = arith.cmpi sgt, %jit3A, %sign3A_6 : i32
    %sign3A_8 = arith.extui %sign3A_7 : i1 to i32
    %sign3A_9 = arith.constant 0 : i32
    %sign3A_10 = arith.cmpi slt, %jit3A, %sign3A_9 : i32
    %sign3A_11 = arith.extui %sign3A_10 : i1 to i32
    %sign3A_12 = arith.subi %sign3A_8, %sign3A_11 : i32
    %ne3A = arith.cmpi ne, %sign3A_5, %sign3A_12 : i32
    %rem3A = arith.remsi %arg0, %jit3A : i32
    %ne3A_13 = arith.constant 0 : i32
    %ne3A_14 = arith.cmpi ne, %rem3A, %ne3A_13 : i32
    %and3A = arith.andi %ne3A, %ne3A_14 : i1
    %sub3A = arith.constant 1 : i32
    %sub3A_15 = arith.subi %div3A, %sub3A : i32
    %select_n3A = arith.select %and3A, %sub3A_15, %div3A : i32
    %c0_i32 = arith.constant 0 : i32
    %c0_i32_16 = arith.constant 0 : i32
    %c0_i32_17 = arith.constant 0 : i32
    return %select_n3A, %c0_i32, %c0_i32_16 : i32, i32, i32
  }
  func.func @transform_2(%arg0: i32, %arg1: memref<64xi32, #tpu.memory_space<smem>>, %arg2: memref<64xi32, #tpu.memory_space<smem>>) -> (i32, i32, i32) {
    %jit3A = arith.constant 8 : i32
    %div3A = arith.divsi %arg0, %jit3A : i32
    %sign3A = arith.constant 0 : i32
    %sign3A_0 = arith.cmpi sgt, %arg0, %sign3A : i32
    %sign3A_1 = arith.extui %sign3A_0 : i1 to i32
    %sign3A_2 = arith.constant 0 : i32
    %sign3A_3 = arith.cmpi slt, %arg0, %sign3A_2 : i32
    %sign3A_4 = arith.extui %sign3A_3 : i1 to i32
    %sign3A_5 = arith.subi %sign3A_1, %sign3A_4 : i32
    %sign3A_6 = arith.constant 0 : i32
    %sign3A_7 = arith.cmpi sgt, %jit3A, %sign3A_6 : i32
    %sign3A_8 = arith.extui %sign3A_7 : i1 to i32
    %sign3A_9 = arith.constant 0 : i32
    %sign3A_10 = arith.cmpi slt, %jit3A, %sign3A_9 : i32
    %sign3A_11 = arith.extui %sign3A_10 : i1 to i32
    %sign3A_12 = arith.subi %sign3A_8, %sign3A_11 : i32
    %ne3A = arith.cmpi ne, %sign3A_5, %sign3A_12 : i32
    %rem3A = arith.remsi %arg0, %jit3A : i32
    %ne3A_13 = arith.constant 0 : i32
    %ne3A_14 = arith.cmpi ne, %rem3A, %ne3A_13 : i32
    %and3A = arith.andi %ne3A, %ne3A_14 : i1
    %sub3A = arith.constant 1 : i32
    %sub3A_15 = arith.subi %div3A, %sub3A : i32
    %select_n3A = arith.select %and3A, %sub3A_15, %div3A : i32
    %c0_i32 = arith.constant 0 : i32
    %c0_i32_16 = arith.constant 0 : i32
    %c0_i32_17 = arith.constant 0 : i32
    return %select_n3A, %c0_i32, %c0_i32_16 : i32, i32, i32
  }
  func.func @transform_3(%arg0: i32, %arg1: memref<64xi32, #tpu.memory_space<smem>>, %arg2: memref<64xi32, #tpu.memory_space<smem>>) -> (i32, i32, i32) {
    %jit3A = arith.constant 8 : i32
    %div3A = arith.divsi %arg0, %jit3A : i32
    %sign3A = arith.constant 0 : i32
    %sign3A_0 = arith.cmpi sgt, %arg0, %sign3A : i32
    %sign3A_1 = arith.extui %sign3A_0 : i1 to i32
    %sign3A_2 = arith.constant 0 : i32
    %sign3A_3 = arith.cmpi slt, %arg0, %sign3A_2 : i32
    %sign3A_4 = arith.extui %sign3A_3 : i1 to i32
    %sign3A_5 = arith.subi %sign3A_1, %sign3A_4 : i32
    %sign3A_6 = arith.constant 0 : i32
    %sign3A_7 = arith.cmpi sgt, %jit3A, %sign3A_6 : i32
    %sign3A_8 = arith.extui %sign3A_7 : i1 to i32
    %sign3A_9 = arith.constant 0 : i32
    %sign3A_10 = arith.cmpi slt, %jit3A, %sign3A_9 : i32
    %sign3A_11 = arith.extui %sign3A_10 : i1 to i32
    %sign3A_12 = arith.subi %sign3A_8, %sign3A_11 : i32
    %ne3A = arith.cmpi ne, %sign3A_5, %sign3A_12 : i32
    %rem3A = arith.remsi %arg0, %jit3A : i32
    %ne3A_13 = arith.constant 0 : i32
    %ne3A_14 = arith.cmpi ne, %rem3A, %ne3A_13 : i32
    %and3A = arith.andi %ne3A, %ne3A_14 : i1
    %sub3A = arith.constant 1 : i32
    %sub3A_15 = arith.subi %div3A, %sub3A : i32
    %select_n3A = arith.select %and3A, %sub3A_15, %div3A : i32
    %c0_i32 = arith.constant 0 : i32
    %c0_i32_16 = arith.constant 0 : i32
    %c0_i32_17 = arith.constant 0 : i32
    return %select_n3A, %c0_i32, %c0_i32_16 : i32, i32, i32
  }
  func.func @transform_4(%arg0: i32, %arg1: memref<64xi32, #tpu.memory_space<smem>>, %arg2: memref<64xi32, #tpu.memory_space<smem>>) -> (i32, i32, i32) {
    %jit3A = arith.constant 8 : i32
    %div3A = arith.divsi %arg0, %jit3A : i32
    %sign3A = arith.constant 0 : i32
    %sign3A_0 = arith.cmpi sgt, %arg0, %sign3A : i32
    %sign3A_1 = arith.extui %sign3A_0 : i1 to i32
    %sign3A_2 = arith.constant 0 : i32
    %sign3A_3 = arith.cmpi slt, %arg0, %sign3A_2 : i32
    %sign3A_4 = arith.extui %sign3A_3 : i1 to i32
    %sign3A_5 = arith.subi %sign3A_1, %sign3A_4 : i32
    %sign3A_6 = arith.constant 0 : i32
    %sign3A_7 = arith.cmpi sgt, %jit3A, %sign3A_6 : i32
    %sign3A_8 = arith.extui %sign3A_7 : i1 to i32
    %sign3A_9 = arith.constant 0 : i32
    %sign3A_10 = arith.cmpi slt, %jit3A, %sign3A_9 : i32
    %sign3A_11 = arith.extui %sign3A_10 : i1 to i32
    %sign3A_12 = arith.subi %sign3A_8, %sign3A_11 : i32
    %ne3A = arith.cmpi ne, %sign3A_5, %sign3A_12 : i32
    %rem3A = arith.remsi %arg0, %jit3A : i32
    %ne3A_13 = arith.constant 0 : i32
    %ne3A_14 = arith.cmpi ne, %rem3A, %ne3A_13 : i32
    %and3A = arith.andi %ne3A, %ne3A_14 : i1
    %sub3A = arith.constant 1 : i32
    %sub3A_15 = arith.subi %div3A, %sub3A : i32
    %select_n3A = arith.select %and3A, %sub3A_15, %div3A : i32
    %c0_i32 = arith.constant 0 : i32
    %c0_i32_16 = arith.constant 0 : i32
    %c0_i32_17 = arith.constant 0 : i32
    return %select_n3A, %c0_i32, %c0_i32_16 : i32, i32, i32
  }
  func.func @transform_5(%arg0: i32, %arg1: memref<64xi32, #tpu.memory_space<smem>>, %arg2: memref<64xi32, #tpu.memory_space<smem>>) -> (i32, i32) {
    %get3A = arith.index_cast %arg0 : i32 to index
    %get3A_0 = memref.load %arg1[%get3A] : memref<64xi32, #tpu.memory_space<smem>>
    %c0_i32 = arith.constant 0 : i32
    %c0_i32_1 = arith.constant 0 : i32
    return %get3A_0, %c0_i32 : i32, i32
  }
}

</mosaic_0001>

<sc_bundles>
// kernel: kernel.6.cloned.1.call-start
scs
__scs_entry_jumppad:
0x0: {  	(pc) =	sbr.rel $0x88, $3  }
0x1: {  	(tag) =	ssettag $0x0;
	lr =	simm.s32 $0x1  }
0x2: {  	[smem:$0x3F9B] =	sst lr;
	_ =	strace $0xD0000000  }
0x3: {  	_ = 	snop  }
0x4: {  	_ = 	snop  }
0x5: {  	_ = 	snop  }
0x6: {  	_ = 	snop  }
0x7: {  	_ = 	snop  }
__scs_overlays_trampoline_lowered:
0x8: {  	[smem:$0x3FAA] =	sst s0  }
0x9: {  	[smem:$0x3FAB] =	sst s1  }
0xa: {  	[smem:$0x3FAC] =	sst s2  }
0xb: {  	[smem:$0x3FAD] =	sst s3  }
0xc: {  	[smem:$0x3FAE] =	sst s4  }
0xd: {  	[smem:$0x3FAF] =	sst s5  }
0xe: {  	[smem:$0x3FB0] =	sst s6  }
0xf: {  	[smem:$0x3FB1] =	sst s7  }
0x10: {  	[smem:$0x3FB2] =	sst s8  }
0x11: {  	[smem:$0x3FB3] =	sst s9;
	s0 =	simm.s32 @!p0 $0x0  }
0x12: {  	s1 =	sld [smem:$0x3F99];
	s0 =	simm.s32 @p0 $0x1  }
0x13: {  	[smem:$0x3FB4] =	sst s0;
	s0 =	simm.s32 @!p1 $0x0  }
0x14: {  	s2 =	sld [smem:$0x3F98];
	s0 =	simm.s32 @p1 $0x1  }
0x15: {  	[smem:$0x3FB5] =	sst s0;
	s0 =	simm.s32 @!p2 $0x0  }
0x16: {  	s3 =	sld [smem:$0x3FDB];
	s0 =	simm.s32 @p2 $0x1  }
0x17: {  	s4 =	simm.s32 $0x1BF5;
	[smem:$0x3FB7] =	sst s0  }
0x18: {  	s0 =	sld [smem:$0x3F9A];
	_ =	swait.ge [sflag:s4], $0x0  }
0x19: {  	s7 =	sld [smem:$0x3F9B]  }
0x1a: {  	s8 =	sadd.s32 $0xFFFFE003, lr  }
0x1b: {  	s9 =	sadd.s32 $0xFFFFFEF7, lr;
	s5 =	simm.s32 $0xFFFFFFFF;
	p2 =	slt.u32 s8, $0xFFFFF086  }
0x1c: {  	p1 =	slt.u32 s9, $0xF7A;
	s5 =	simm.s32 @!p2 $0x0  }
0x1d: {  	s5 =	simm.s32 @p1 $0x1;
	p0 =	seq.s32 s7, s2  }
0x1e: {  	s7 =	smul.u32 @!p0 $0xF7A, s2;
	p2 =	seq.s32 @!p0 s5, $0x0  }
0x1f: {  	s9 =	smul.u32 $0xF7A, s1;
	s8 =	simm.s32 @!p0 $0x1BF5;
	p2 =	por !p2, p0  }
0x20: {  	[sflag:s8] =	ssyncset.s32 @!p0 $0xFFFFF086;
	s6 =	sadd.s32 @!p0 s3, s7;
	s7 =	simm.s32 @!p0 $0x108  }
0x21: {  	s3 =	sadd.s32 s3, s9;
	s6 =	sadd.s32 @!p0 $0x88, s6;
	s7 =	simm.s32 @p2 $0x1082  }
0x22: {  	[simem:s7], [sflag:s8] =	dma.local @!p0 [hbm:s6], $0xF7A  }
0x23: {  	s9 =	sor.u32 $0xD0000000, s2;
	s6 =	simm.s32 $0x108;
	_ =	swait.ge @!p0 [sflag:s8], $0x0  }
0x24: {  	s3 =	sadd.s32 $0x88, s3;
	s6 =	simm.s32 @!p1 $0x1082;
	[sflag:s4] =	ssyncset.s32 $0xFFFFF086  }
0x25: {  	[simem:s6], [sflag:s4] =	dma.local [hbm:s3], $0xF7A  }
0x26: {  	[smem:$0x3F9B] =	sst s1;
	(tag) =	ssettag s2;
	_ =	strace s9  }
0x27: {  	s1 =	sld [smem:$0x3FAB]  }
0x28: {  	s2 =	sld [smem:$0x3FAC]  }
0x29: {  	s4 =	sld [smem:$0x3FAE]  }
0x2a: {  	p0 =	seq.s32 s5, $0x0;
	s5 =	sld [smem:$0x3FAF]  }
0x2b: {  	s6 =	sld [smem:$0x3FB0]  }
0x2c: {  	s7 =	sld [smem:$0x3FB1]  }
0x2d: {  	s3 =	simm.s32 $0x108;
	s8 =	sld [smem:$0x3FB2]  }
0x2e: {  	s3 =	simm.s32 @!p0 $0x1082;
	s9 =	sld [smem:$0x3FB3]  }
0x2f: {  	lr =	sadd.s32 s0, s3;
	s0 =	sld [smem:$0x3FAA]  }
0x30: {  	s3 =	sld [smem:$0x3FAD]  }
0x31: {  	[smem:$0x3FB6] =	sst s10  }
0x32: {  	s10 =	sld [smem:$0x3FB4];
	_ =	sdelay $0x3  }
0x33: {  	p0 =	seq.s32 s10, $0x1;
	s10 =	sld [smem:$0x3FB6];
	_ =	sdelay $0x3  }
0x34: {  	[smem:$0x3FB6] =	sst s10  }
0x35: {  	s10 =	sld [smem:$0x3FB5];
	_ =	sdelay $0x3  }
0x36: {  	p1 =	seq.s32 s10, $0x1;
	s10 =	sld [smem:$0x3FB6];
	_ =	sdelay $0x3  }
0x37: {  	[smem:$0x3FB6] =	sst s10  }
0x38: {  	s10 =	sld [smem:$0x3FB7]  }
0x39: {  	_ = 	snop;
	(pc) =	sbr.ind lr, $3  }
0x3a: {  	_ = 	snop  }
0x3b: {  	_ = 	snop  }
0x3c: {  	p2 =	seq.s32 s10, $0x1;
	s10 =	sld [smem:$0x3FB6]  }
0x3d: {  	_ =	shalt  }
0x3e: {  	_ =	shalt  }
0x3f: {  	_ =	shalt  }
0x40: {  	_ =	shalt  }
0x41: {  	_ =	shalt  }
0x42: {  	_ =	shalt  }
0x43: {  	_ =	shalt  }
0x44: {  	_ =	shalt  }
0x45: {  	_ =	shalt  }
0x46: {  	_ =	shalt  }
0x47: {  	_ =	shalt  }
0x48: {  	_ =	shalt  }
0x49: {  	_ =	shalt  }
0x4a: {  	_ =	shalt  }
0x4b: {  	_ =	shalt  }
0x4c: {  	_ =	shalt  }
0x4d: {  	_ =	shalt  }
0x4e: {  	_ =	shalt  }
0x4f: {  	_ =	shalt  }
0x50: {  	_ =	shalt  }
0x51: {  	_ =	shalt  }
0x52: {  	_ =	shalt  }
0x53: {  	_ =	shalt  }
0x54: {  	_ =	shalt  }
0x55: {  	_ =	shalt  }
0x56: {  	_ =	shalt  }
0x57: {  	_ =	shalt  }
0x58: {  	_ =	shalt  }
0x59: {  	_ =	shalt  }
0x5a: {  	_ =	shalt  }
0x5b: {  	_ =	shalt  }
0x5c: {  	_ =	shalt  }
0x5d: {  	_ =	shalt  }
0x5e: {  	_ =	shalt  }
0x5f: {  	_ =	shalt  }
0x60: {  	_ =	shalt  }
0x61: {  	_ =	shalt  }
0x62: {  	_ =	shalt  }
0x63: {  	_ =	shalt  }
0x64: {  	_ =	shalt  }
0x65: {  	_ =	shalt  }
0x66: {  	_ =	shalt  }
0x67: {  	_ =	shalt  }
0x68: {  	_ =	shalt  }
0x69: {  	_ =	shalt  }
0x6a: {  	_ =	shalt  }
0x6b: {  	_ =	shalt  }
0x6c: {  	_ =	shalt  }
0x6d: {  	_ =	shalt  }
0x6e: {  	_ =	shalt  }
0x6f: {  	_ =	shalt  }
0x70: {  	_ =	shalt  }
0x71: {  	_ =	shalt  }
0x72: {  	_ =	shalt  }
0x73: {  	_ =	shalt  }
0x74: {  	_ =	shalt  }
0x75: {  	_ =	shalt  }
0x76: {  	_ =	shalt  }
0x77: {  	_ =	shalt  }
0x78: {  	_ =	shalt  }
0x79: {  	_ =	shalt  }
0x7a: {  	_ =	shalt  }
0x7b: {  	_ =	shalt  }
0x7c: {  	_ =	shalt  }
0x7d: {  	_ =	shalt  }
0x7e: {  	_ =	shalt  }
0x7f: {  	_ =	shalt  }
0x80: {  	_ =	shalt  }
0x81: {  	_ =	shalt  }
0x82: {  	_ =	shalt  }
0x83: {  	_ =	shalt  }
0x84: {  	_ =	shalt  }
0x85: {  	_ =	shalt  }
0x86: {  	_ =	shalt  }
0x87: {  	_ =	shalt  }
.Lfunc_end0:
.L_simem_size_0:
called_computation_lowered:
.L_overlay_start_0:
0x88: {  	s2 =	sld [smem:$0x3FD9]  }
0x89: {  	s3 =	sld [smem:$0x3FFE];
	_ =	sdelay $0x1  }
0x8a: {  	s1 =	srdreg.scid  }
0x8b: {  	s0 =	sand.u32 $0x1, s1  }
0x8c: {  	s17 =	sshll.u32 s0, $0xA;
	s2 =	sadd.s32 s3, s2  }
0x8d: {  	s2 =	sadd.s32 s2, s17  }
0x8e: {  	[smem:$0x3FC2] =	sst s2  }
0x8f: {  	_ = 	snop  }
0x90: {  	s2 =	sld [smem:$0x3FC9];
	(tm) =	ssettm $0x1  }
0x91: {  	s18 =	sld [smem:$0x3FFB];
	_ =	sdelay $0x3  }
0x92: {  	_ =	strace s18  }
0x93: {  	s3 =	sld [smem:$0x3FFC];
	_ =	sdelay $0x3  }
0x94: {  	_ =	strace s3  }
0x95: {  	s3 =	sld [smem:$0x3FFD];
	_ =	sdelay $0x3  }
0x96: {  	_ =	strace s3  }
0x97: {  	_ =	strace $0x8FFFFFFF  }
0x98: {  	s19 =	sld [smem:$0x3FDB];
	_ =	sdelay $0x1  }
0x99: {  	s4 =	simm.s32 $_scs_section_size  }
0x9a: {  	s5 =	simm.s32 $_size__tile_overlayer_lowered;
	s6 =	simm.s32 $_tile_overlayer_lowered  }
0x9b: {  	s22 =	simm.s32 $0x1BFF;
	s21 =	sshll.u32 s6, $0x1;
	s3 =	sadd.s32 s4, s19  }
0x9c: {  	s7 =	simm.s32 $0x0;
	s20 =	sshll.u32 s5, $0x1;
	s5 =	sadd.s32 s21, s3  }
0x9d: {  	[timem:s7], [sflag:s22] =	dma.local [hbm:s5], s20  }
0x9e: {  	_ =	swait.ge [sflag:s22], s20  }
0x9f: {  	s4 =	ssub.s32 $0x0, s20;
	[sflag:s22] =	ssyncset.done $0x0  }
0xa0: {  	[sflag:s22] =	ssyncadd.s32 s4;
	_ =	sdelay $0x1  }
0xa1: {  	s23 =	simm.s32 $0x1B8B  }
0xa2: {  	_ =	swait.ge [sflag:s23], $0x1  }
0xa3: {  	[sflag:s23] =	ssyncset.done $0x0  }
0xa4: {  	s25 =	simm.s32 $0x1B8E;
	s24 =	sld [smem:$0x3FFE];
	[sflag:s23] =	ssyncadd.s32 $0xFFFFFFFF  }
0xa5: {  	s26 =	simm.s32 $execute0_lowered;
	[smem:$0x3FD2] =	sst s25  }
0xa6: {  	s5 =	sshll.u32 s26, $0x1;
	_ =	strace $0x80000046;
	[dreg:$0x1] =	wrdreg $0xFFFFFFFF  }
0xa7: {  	s28 =	simm.s32 $_size_execute0_lowered;
	s3 =	sadd.s32 s3, s5;
	[dreg:$0x0] =	wrdreg $0x0  }
0xa8: {  	s5 =	sshll.u32 s28, $0x1;
	[dreg:$0x2] =	wrdreg s3  }
0xa9: {  	[dreg:$0x3] =	wrdreg s5  }
0xaa: {  	[dreg:$0x4] =	wrdreg $0xC0  }
0xab: {  	_ =	task [dreg:s7], $0x5FFFF  }
0xac: {  	[dreg:$0x1] =	wrdreg $0xFFFFFFFF  }
0xad: {  	[dreg:$0x0] =	wrdreg $0x60  }
0xae: {  	[dreg:$0x2] =	wrdreg s2  }
0xaf: {  	[dreg:$0x3] =	wrdreg s24  }
0xb0: {  	[dreg:$0x4] =	wrdreg $0x9  }
0xb1: {  	_ =	task.clear_ibuf [dreg:s7], $0x5FFFF;
	_ =	strace $0x90000046  }
0xb2: {  	s29 =	simm.s32 $0x9;
	_ =	strace $0x80000048  }
0xb3: {  	_ =	swait.ge [sflag:s29], $0x1  }
0xb4: {  	[sflag:s29] =	ssyncadd.s32 $0xFFFFFFFF  }
0xb5: {  	_ =	strace $0x90000048  }
0xb6: {  	_ =	sfence  }
0xb7: {  	s30 =	sld [smem:$0x0];
	_ =	sdelay $0x2  }
0xb8: {  	s31 =	sshll.u32 s1, $0xD;
	s1 =	sshrl.u32 s1, $0x2  }
0xb9: {  	s3 =	sand.u32 $0x4000, s31;
	s1 =	sadd.s32 s1, s30  }
0xba: {  	s0 =	sor.u32 s3, s0;
	s1 =	sshll.u32 s1, $0x11  }
0xbb: {  	s0 =	sor.u32 s1, s0  }
0xbc: {  	s0 =	sadd.s32 $0x8F2B, s0  }
0xbd: {  	[sflag:s0] =	ssyncadd.remote.s32 $0x1  }
0xbe: {  	_ =	sfence.sel $0xFFFF  }
0xbf: {  	[dreg:$0x0] =	wrdreg $0xFFFFFFFF;
	(pc) =	sbr.abs _section_cstart, $3  }
0xc0: {  	[dreg:$0x1] =	wrdreg $0xFFFFFFFF  }
0xc1: {  	_ =	task.clear_ibuf [dreg:s7], $0x2FFFF;
	_ =	strace $0x9FFFFFFF  }
0xc2: {  	(tm) =	ssettm $0x7FFFFFFF  }
0xc3: {  	_ =	shalt  }
tec
execute0_lowered:
.L_overlay_start_1:
0x0: {  	(tag) =	ssettag $0x1  }
0x1: {  	s0 =	rddreg [dreg:$0x0]  }
0x2: {  	s1 =	rddreg [dreg:$0x1];
	s2 =	srdreg.scid  }
0x3: {  	s3 =	stileid.u32;
	s26 =	simm.s32 $0x80;
	s9 =	simm.s32 $0x2  }
0x4: {  	s12 =	simm.s32 $0x1900;
	s13 =	simm.s32 $0x2100;
	s14 =	simm.s32 $0x2900  }
0x5: {  	s15 =	simm.s32 $0x3100;
	s16 =	simm.s32 $0x3900;
	s17 =	simm.s32 $0x4100  }
0x6: {  	s18 =	simm.s32 $0x4900;
	s19 =	simm.s32 $0x5100;
	s20 =	simm.s32 $0x5900  }
0x7: {  	s21 =	simm.s32 $0x6100;
	s22 =	simm.s32 $0x6900;
	s23 =	simm.s32 $0x7100  }
0x8: {  	s24 =	simm.s32 $0x7900;
	s28 =	simm.s32 $0x9100;
	s29 =	simm.s32 $0x9900  }
0x9: {  	s30 =	simm.s32 $0xA100;
	s31 =	simm.s32 $0xA900;
	s4 =	sand.u32 $0x1, s2  }
0xa: {  	s2 =	simm.s32 $0x0;
	s3 =	sshll.u32 s3, $0x4;
	s5 =	sshll.u32 s4, $0x3  }
0xb: {  	[smem:$0x7FF] =	sst s2;
	s4 =	ssub.s32 $0x2, s4;
	s5 =	sor.u32 s5, s3  }
0xc: {  	_ =	strace $0x80000047;
	s3 =	sadd.s32 $0x10E00, s1;
	s8 =	sshrl.u32 s4, $0x1  }
0xd: {  	[dreg:$0x6] =	wrdreg s26;
	s26 =	simm.s32 $0x8900;
	s6 =	sadd.s32 s5, s1  }
0xe: {  	s5 =	smul.u32 $0x300, s5;
	s25 =	ssub.s32 s4, s8;
	s7 =	sadd.s32 $0x10A00, s6  }
0xf: {  	s4 =	sadd.s32 $0x10F00, s1;
	s6 =	sadd.s32 $0x10C00, s6;
	[dreg:$0x3] =	wrdreg s7  }
0x10: {  	v2 =	vlaneseq.u32;
	s8 =	simm.s32 $0xB900;
	[dreg:$0x4] =	wrdreg s6;
	s0 =	sadd.s32 s0, s5  }
0x11: {  	vm0 =	vmmov $0xffff;
	v1 =	vshrl.u32 v2, $0x3;
	s5 =	sadd.s32 $0x11000, s1;
	s6 =	smax.u32 s25, $0x1;
	s7 =	simm.s32 $0x3  }
0x12: {  	v0 =	vand.u32 $0x7, v2;
	v2 =	vor.u32 $0x8, v2;
	v1 =	vmul.u32 $0x8, v1;
	s1 =	simm.s32 $0x100;
	s25 =	simm.s32 $0x8100;
	[dreg:$0x5] =	wrdreg s0  }
.LBB2_1:
0x13: {  	s10 =	rddreg [dreg:$0x3]  }
0x14: {  	[tilespmem:s2], [sflag:$0x3] =	stream.linear.gather [hbm4b:s10+s2], $0x40, $0x38;
	[tilespmem:$0xC100] =	vst v63  }
0x15: {  	_ =	swait.ge [sflag:s7], $0x40  }
0x16: {  	s0 =	rddreg [dreg:$0x4];
	[sflag:s7] =	ssyncset.done $0x0  }
0x17: {  	s11 =	rddreg [dreg:$0x6];
	[sflag:s7] =	ssyncadd.s32 $0xFFFFFFC0  }
0x18: {  	[tilespmem:s11], [sflag:$0x3] =	stream.linear.gather [hbm4b:s0+s2], $0x40, $0x38;
	[tilespmem:$0xC100] =	vst v63  }
0x19: {  	_ =	swait.ge [sflag:s7], $0x40  }
0x1a: {  	[sflag:s7] =	ssyncset.done $0x0  }
0x1b: {  	s0 =	rddreg [dreg:$0x5];
	[sflag:s7] =	ssyncadd.s32 $0xFFFFFFC0  }
0x1c: {  	[tilespmem:s1], [sflag:$0x3] =	stream.linear.gather [hbm4b:s0+s2], $0xC000, $0x38;
	[tilespmem:$0xC100] =	vst v63  }
0x1d: {  	_ =	swait.ge [sflag:s7], $0xC000  }
0x1e: {  	[sflag:s7] =	ssyncset.done $0x0  }
0x1f: {  	[sflag:s7] =	ssyncadd.s32 $0xFFFF4000  }
0x20: {  	v3 =	vld [tilespmem:$0x0];
	_ =	sdelay $0x4  }
0x21: {  	v4 =	vshrl.u32 v3, $0x3  }
0x22: {  	v4 =	vmul.u32 $0x30, v4  }
0x23: {  	v3 =	vand.u32 $0x7, v3  }
0x24: {  	v3 =	vor.u32 v3, v4  }
0x25: {  	v4 =	vperm.xlane v3, v0;
	_ =	sdelay $0x1  }
0x26: {  	v4 =	vadd.s32 v1, v4;
	_ =	sdelay $0x3  }
0x27: {  	v3 =	vperm.xlane v3, v2  }
0x28: {  	[hbm4b:s3+s2] =	stream.indirect_vreg.scatter [tilespmem:s1], [sflag:$0x1], $0x80, v4, vm0, $0xb8;
	[tilespmem:$0xC100] =	vst v63  }
0x29: {  	s10 =	simm.s32 $0x900;
	v3 =	vadd.s32 v1, v3  }
0x2a: {  	[hbm4b:s4+s2] =	stream.indirect_vreg.scatter [tilespmem:s10], [sflag:$0x1], $0x80, v4, vm0, $0xb8;
	[tilespmem:$0xC100] =	vst v63  }
0x2b: {  	s11 =	simm.s32 $0x1100  }
0x2c: {  	[hbm4b:s5+s2] =	stream.indirect_vreg.scatter [tilespmem:s11], [sflag:$0x1], $0x80, v4, vm0, $0xb8;
	[tilespmem:$0xC100] =	vst v63  }
0x2d: {  	_ = 	snop  }
0x2e: {  	[hbm4b:s3+s2] =	stream.indirect_vreg.scatter [tilespmem:s12], [sflag:$0x1], $0x80, v3, vm0, $0xb8;
	[tilespmem:$0xC100] =	vst v63  }
0x2f: {  	_ = 	snop  }
0x30: {  	[hbm4b:s4+s2] =	stream.indirect_vreg.scatter [tilespmem:s13], [sflag:$0x1], $0x80, v3, vm0, $0xb8;
	[tilespmem:$0xC100] =	vst v63  }
0x31: {  	_ = 	snop  }
0x32: {  	[hbm4b:s5+s2] =	stream.indirect_vreg.scatter [tilespmem:s14], [sflag:$0x1], $0x80, v3, vm0, $0xb8;
	[tilespmem:$0xC100] =	vst v63  }
0x33: {  	v3 =	vld [tilespmem:$0x10];
	_ =	sdelay $0x4  }
0x34: {  	v57 =	vshrl.u32 v3, $0x3  }
0x35: {  	v4 =	vmul.u32 $0x30, v57  }
0x36: {  	v3 =	vand.u32 $0x7, v3  }
0x37: {  	v3 =	vor.u32 v3, v4  }
0x38: {  	v4 =	vperm.xlane v3, v0;
	_ =	sdelay $0x1  }
0x39: {  	v4 =	vadd.s32 v1, v4;
	_ =	sdelay $0x3  }
0x3a: {  	v3 =	vperm.xlane v3, v2  }
0x3b: {  	[hbm4b:s3+s2] =	stream.indirect_vreg.scatter [tilespmem:s15], [sflag:$0x1], $0x80, v4, vm0, $0xb8;
	[tilespmem:$0xC100] =	vst v63  }
0x3c: {  	v3 =	vadd.s32 v1, v3  }
0x3d: {  	[hbm4b:s4+s2] =	stream.indirect_vreg.scatter [tilespmem:s16], [sflag:$0x1], $0x80, v4, vm0, $0xb8;
	[tilespmem:$0xC100] =	vst v63  }
0x3e: {  	_ = 	snop  }
0x3f: {  	[hbm4b:s5+s2] =	stream.indirect_vreg.scatter [tilespmem:s17], [sflag:$0x1], $0x80, v4, vm0, $0xb8;
	[tilespmem:$0xC100] =	vst v63  }
0x40: {  	_ = 	snop  }
0x41: {  	[hbm4b:s3+s2] =	stream.indirect_vreg.scatter [tilespmem:s18], [sflag:$0x1], $0x80, v3, vm0, $0xb8;
	[tilespmem:$0xC100] =	vst v63  }
0x42: {  	_ = 	snop  }
0x43: {  	[hbm4b:s4+s2] =	stream.indirect_vreg.scatter [tilespmem:s19], [sflag:$0x1], $0x80, v3, vm0, $0xb8;
	[tilespmem:$0xC100] =	vst v63  }
0x44: {  	_ = 	snop  }
0x45: {  	[hbm4b:s5+s2] =	stream.indirect_vreg.scatter [tilespmem:s20], [sflag:$0x1], $0x80, v3, vm0, $0xb8;
	[tilespmem:$0xC100] =	vst v63  }
0x46: {  	v3 =	vld [tilespmem:$0x20];
	_ =	sdelay $0x4  }
0x47: {  	v58 =	vshrl.u32 v3, $0x3  }
0x48: {  	v4 =	vmul.u32 $0x30, v58  }
0x49: {  	v3 =	vand.u32 $0x7, v3  }
0x4a: {  	v3 =	vor.u32 v3, v4  }
0x4b: {  	v4 =	vperm.xlane v3, v0;
	_ =	sdelay $0x1  }
0x4c: {  	v4 =	vadd.s32 v1, v4;
	_ =	sdelay $0x3  }
0x4d: {  	v3 =	vperm.xlane v3, v2  }
0x4e: {  	[hbm4b:s3+s2] =	stream.indirect_vreg.scatter [tilespmem:s21], [sflag:$0x1], $0x80, v4, vm0, $0xb8;
	[tilespmem:$0xC100] =	vst v63  }
0x4f: {  	v3 =	vadd.s32 v1, v3  }
0x50: {  	[hbm4b:s4+s2] =	stream.indirect_vreg.scatter [tilespmem:s22], [sflag:$0x1], $0x80, v4, vm0, $0xb8;
	[tilespmem:$0xC100] =	vst v63  }
0x51: {  	_ = 	snop  }
0x52: {  	[hbm4b:s5+s2] =	stream.indirect_vreg.scatter [tilespmem:s23], [sflag:$0x1], $0x80, v4, vm0, $0xb8;
	[tilespmem:$0xC100] =	vst v63  }
0x53: {  	_ = 	snop  }
0x54: {  	[hbm4b:s3+s2] =	stream.indirect_vreg.scatter [tilespmem:s24], [sflag:$0x1], $0x80, v3, vm0, $0xb8;
	[tilespmem:$0xC100] =	vst v63  }
0x55: {  	_ = 	snop  }
0x56: {  	[hbm4b:s4+s2] =	stream.indirect_vreg.scatter [tilespmem:s25], [sflag:$0x1], $0x80, v3, vm0, $0xb8;
	[tilespmem:$0xC100] =	vst v63  }
0x57: {  	_ = 	snop  }
0x58: {  	[hbm4b:s5+s2] =	stream.indirect_vreg.scatter [tilespmem:s26], [sflag:$0x1], $0x80, v3, vm0, $0xb8;
	[tilespmem:$0xC100] =	vst v63  }
0x59: {  	v3 =	vld [tilespmem:$0x30];
	_ =	sdelay $0x4  }
0x5a: {  	v59 =	vshrl.u32 v3, $0x3  }
0x5b: {  	v4 =	vmul.u32 $0x30, v59  }
0x5c: {  	v3 =	vand.u32 $0x7, v3  }
0x5d: {  	v3 =	vor.u32 v3, v4  }
0x5e: {  	v4 =	vperm.xlane v3, v0;
	_ =	sdelay $0x1  }
0x5f: {  	v4 =	vadd.s32 v1, v4;
	_ =	sdelay $0x3  }
0x60: {  	v3 =	vperm.xlane v3, v2  }
0x61: {  	[hbm4b:s3+s2] =	stream.indirect_vreg.scatter [tilespmem:s28], [sflag:$0x1], $0x80, v4, vm0, $0xb8;
	[tilespmem:$0xC100] =	vst v63  }
0x62: {  	v3 =	vadd.s32 v1, v3  }
0x63: {  	[hbm4b:s4+s2] =	stream.indirect_vreg.scatter [tilespmem:s29], [sflag:$0x1], $0x80, v4, vm0, $0xb8;
	[tilespmem:$0xC100] =	vst v63  }
0x64: {  	_ = 	snop  }
0x65: {  	[hbm4b:s5+s2] =	stream.indirect_vreg.scatter [tilespmem:s30], [sflag:$0x1], $0x80, v4, vm0, $0xb8;
	[tilespmem:$0xC100] =	vst v63  }
0x66: {  	_ = 	snop  }
0x67: {  	[hbm4b:s3+s2] =	stream.indirect_vreg.scatter [tilespmem:s31], [sflag:$0x1], $0x80, v3, vm0, $0xb8;
	[tilespmem:$0xC100] =	vst v63  }
0x68: {  	s0 =	simm.s32 $0xB100  }
0x69: {  	[hbm4b:s4+s2] =	stream.indirect_vreg.scatter [tilespmem:s0], [sflag:$0x1], $0x80, v3, vm0, $0xb8;
	[tilespmem:$0xC100] =	vst v63  }
0x6a: {  	_ = 	snop  }
0x6b: {  	[hbm4b:s5+s2] =	stream.indirect_vreg.scatter [tilespmem:s8], [sflag:$0x1], $0x80, v3, vm0, $0xb8;
	[tilespmem:$0xC100] =	vst v63  }
0x6c: {  	v3 =	vld [tilespmem:$0x80];
	_ =	sdelay $0x4  }
0x6d: {  	v60 =	vshrl.u32 v3, $0x3  }
0x6e: {  	v4 =	vmul.u32 $0x30, v60  }
0x6f: {  	v3 =	vand.u32 $0x7, v3  }
0x70: {  	v3 =	vor.u32 v3, v4  }
0x71: {  	v4 =	vperm.xlane v3, v0;
	_ =	sdelay $0x1  }
0x72: {  	v4 =	vadd.s32 v1, v4;
	_ =	sdelay $0x3  }
0x73: {  	v3 =	vperm.xlane v3, v2  }
0x74: {  	[hbm4b:s3+s2] =	stream.indirect_vreg.scatter [tilespmem:s1], [sflag:$0x2], $0x80, v4, vm0, $0xb8;
	[tilespmem:$0xC100] =	vst v63  }
0x75: {  	v3 =	vadd.s32 v1, v3  }
0x76: {  	[hbm4b:s4+s2] =	stream.indirect_vreg.scatter [tilespmem:s10], [sflag:$0x2], $0x80, v4, vm0, $0xb8;
	[tilespmem:$0xC100] =	vst v63  }
0x77: {  	_ = 	snop  }
0x78: {  	[hbm4b:s5+s2] =	stream.indirect_vreg.scatter [tilespmem:s11], [sflag:$0x2], $0x80, v4, vm0, $0xb8;
	[tilespmem:$0xC100] =	vst v63  }
0x79: {  	_ = 	snop  }
0x7a: {  	[hbm4b:s3+s2] =	stream.indirect_vreg.scatter [tilespmem:s12], [sflag:$0x2], $0x80, v3, vm0, $0xb8;
	[tilespmem:$0xC100] =	vst v63  }
0x7b: {  	_ = 	snop  }
0x7c: {  	[hbm4b:s4+s2] =	stream.indirect_vreg.scatter [tilespmem:s13], [sflag:$0x2], $0x80, v3, vm0, $0xb8;
	[tilespmem:$0xC100] =	vst v63  }
0x7d: {  	_ = 	snop  }
0x7e: {  	[hbm4b:s5+s2] =	stream.indirect_vreg.scatter [tilespmem:s14], [sflag:$0x2], $0x80, v3, vm0, $0xb8;
	[tilespmem:$0xC100] =	vst v63  }
0x7f: {  	v3 =	vld [tilespmem:$0x90];
	_ =	sdelay $0x4  }
0x80: {  	v61 =	vshrl.u32 v3, $0x3  }
0x81: {  	v4 =	vmul.u32 $0x30, v61  }
0x82: {  	v3 =	vand.u32 $0x7, v3  }
0x83: {  	v3 =	vor.u32 v3, v4  }
0x84: {  	v4 =	vperm.xlane v3, v0;
	_ =	sdelay $0x1  }
0x85: {  	v4 =	vadd.s32 v1, v4;
	_ =	sdelay $0x3  }
0x86: {  	v3 =	vperm.xlane v3, v2  }
0x87: {  	[hbm4b:s3+s2] =	stream.indirect_vreg.scatter [tilespmem:s15], [sflag:$0x2], $0x80, v4, vm0, $0xb8;
	[tilespmem:$0xC100] =	vst v63  }
0x88: {  	v3 =	vadd.s32 v1, v3  }
0x89: {  	[hbm4b:s4+s2] =	stream.indirect_vreg.scatter [tilespmem:s16], [sflag:$0x2], $0x80, v4, vm0, $0xb8;
	[tilespmem:$0xC100] =	vst v63  }
0x8a: {  	_ = 	snop  }
0x8b: {  	[hbm4b:s5+s2] =	stream.indirect_vreg.scatter [tilespmem:s17], [sflag:$0x2], $0x80, v4, vm0, $0xb8;
	[tilespmem:$0xC100] =	vst v63  }
0x8c: {  	_ = 	snop  }
0x8d: {  	[hbm4b:s3+s2] =	stream.indirect_vreg.scatter [tilespmem:s18], [sflag:$0x2], $0x80, v3, vm0, $0xb8;
	[tilespmem:$0xC100] =	vst v63  }
0x8e: {  	_ = 	snop  }
0x8f: {  	[hbm4b:s4+s2] =	stream.indirect_vreg.scatter [tilespmem:s19], [sflag:$0x2], $0x80, v3, vm0, $0xb8;
	[tilespmem:$0xC100] =	vst v63  }
0x90: {  	_ = 	snop  }
0x91: {  	[hbm4b:s5+s2] =	stream.indirect_vreg.scatter [tilespmem:s20], [sflag:$0x2], $0x80, v3, vm0, $0xb8;
	[tilespmem:$0xC100] =	vst v63  }
0x92: {  	v3 =	vld [tilespmem:$0xA0];
	_ =	sdelay $0x4  }
0x93: {  	v62 =	vshrl.u32 v3, $0x3  }
0x94: {  	v4 =	vmul.u32 $0x30, v62  }
0x95: {  	v3 =	vand.u32 $0x7, v3  }
0x96: {  	v3 =	vor.u32 v3, v4  }
0x97: {  	v4 =	vperm.xlane v3, v0;
	_ =	sdelay $0x1  }
0x98: {  	v4 =	vadd.s32 v1, v4;
	_ =	sdelay $0x3  }
0x99: {  	v3 =	vperm.xlane v3, v2  }
0x9a: {  	[hbm4b:s3+s2] =	stream.indirect_vreg.scatter [tilespmem:s21], [sflag:$0x2], $0x80, v4, vm0, $0xb8;
	[tilespmem:$0xC100] =	vst v63  }
0x9b: {  	v3 =	vadd.s32 v1, v3  }
0x9c: {  	[hbm4b:s4+s2] =	stream.indirect_vreg.scatter [tilespmem:s22], [sflag:$0x2], $0x80, v4, vm0, $0xb8;
	[tilespmem:$0xC100] =	vst v63  }
0x9d: {  	_ = 	snop  }
0x9e: {  	[hbm4b:s5+s2] =	stream.indirect_vreg.scatter [tilespmem:s23], [sflag:$0x2], $0x80, v4, vm0, $0xb8;
	[tilespmem:$0xC100] =	vst v63  }
0x9f: {  	_ = 	snop  }
0xa0: {  	[hbm4b:s3+s2] =	stream.indirect_vreg.scatter [tilespmem:s24], [sflag:$0x2], $0x80, v3, vm0, $0xb8;
	[tilespmem:$0xC100] =	vst v63  }
0xa1: {  	_ = 	snop  }
0xa2: {  	[hbm4b:s4+s2] =	stream.indirect_vreg.scatter [tilespmem:s25], [sflag:$0x2], $0x80, v3, vm0, $0xb8;
	[tilespmem:$0xC100] =	vst v63  }
0xa3: {  	_ = 	snop  }
0xa4: {  	[hbm4b:s5+s2] =	stream.indirect_vreg.scatter [tilespmem:s26], [sflag:$0x2], $0x80, v3, vm0, $0xb8;
	[tilespmem:$0xC100] =	vst v63  }
0xa5: {  	v3 =	vld [tilespmem:$0xB0];
	_ =	sdelay $0x4  }
0xa6: {  	v63 =	vshrl.u32 v3, $0x3  }
0xa7: {  	v4 =	vmul.u32 $0x30, v63  }
0xa8: {  	v3 =	vand.u32 $0x7, v3  }
0xa9: {  	v3 =	vor.u32 v3, v4  }
0xaa: {  	v4 =	vperm.xlane v3, v0;
	_ =	sdelay $0x1  }
0xab: {  	v4 =	vadd.s32 v1, v4;
	_ =	sdelay $0x3  }
0xac: {  	v3 =	vperm.xlane v3, v2  }
0xad: {  	[hbm4b:s3+s2] =	stream.indirect_vreg.scatter [tilespmem:s28], [sflag:$0x2], $0x80, v4, vm0, $0xb8;
	[tilespmem:$0xC100] =	vst v63  }
0xae: {  	v3 =	vadd.s32 v1, v3  }
0xaf: {  	[hbm4b:s4+s2] =	stream.indirect_vreg.scatter [tilespmem:s29], [sflag:$0x2], $0x80, v4, vm0, $0xb8;
	[tilespmem:$0xC100] =	vst v63  }
0xb0: {  	_ = 	snop  }
0xb1: {  	[hbm4b:s5+s2] =	stream.indirect_vreg.scatter [tilespmem:s30], [sflag:$0x2], $0x80, v4, vm0, $0xb8;
	[tilespmem:$0xC100] =	vst v63  }
0xb2: {  	_ = 	snop  }
0xb3: {  	[hbm4b:s3+s2] =	stream.indirect_vreg.scatter [tilespmem:s31], [sflag:$0x2], $0x80, v3, vm0, $0xb8;
	[tilespmem:$0xC100] =	vst v63  }
0xb4: {  	_ = 	snop  }
0xb5: {  	[hbm4b:s4+s2] =	stream.indirect_vreg.scatter [tilespmem:s0], [sflag:$0x2], $0x80, v3, vm0, $0xb8;
	[tilespmem:$0xC100] =	vst v63  }
0xb6: {  	s11 =	simm.s32 $0x1  }
0xb7: {  	[hbm4b:s5+s2] =	stream.indirect_vreg.scatter [tilespmem:s8], [sflag:$0x2], $0x80, v3, vm0, $0xb8;
	[tilespmem:$0xC100] =	vst v63  }
0xb8: {  	p0 =	sne.s32 s6, $0x1;
	_ =	swait.ge [sflag:s11], $0xC000  }
.Ltmp0:
0xb9: {  	[sflag:s11] =	ssyncset.done $0x0;
	(pc) =	sbr.rel @p0 .LBB2_1-.Ltmp0, $4  }
0xba: {  	[sflag:s11] =	ssyncadd.s32 $0xFFFF4000  }
0xbb: {  	_ =	swait.ge [sflag:s9], $0xC000  }
0xbc: {  	[sflag:s9] =	ssyncset.done $0x0  }
0xbd: {  	s6 =	sadd.s32 $0xFFFFFFFF, s6;
	[sflag:s9] =	ssyncadd.s32 $0xFFFF4000  }
0xbe: {  	_ =	sfence.sel $0x180000  }
0xbf: {  	[bflag:$0x0] =	sbarrier.arrive $0xFFFF  }
0xc0: {  	_ =	strace $0x90000047  }
0xc1: {  	s0 =	stileid.u32;
	[bflag:$0x2] =	sbarrier.arrive $0xFFFF  }
0xc2: {  	p0 =	sne.s32 s0, $0x0;
	s0 =	rddreg [dreg:$0x2]  }
0xc3: {  	s0 =	sadd.s32 @!p0 $0x100000, s0  }
0xc4: {  	[sflag:s0] =	ssyncadd.tile.s32 @!p0 $0x1;
	_ =	shalt  }
.Lfunc_end2:
_tile_overlayer_lowered:
.L_overlay_start_2:
0xc5: {  	(tag) =	ssettag $0x2  }
0xc6: {  	s0 =	rddreg [dreg:$0x0];
	s2 =	stileid.u32  }
0xc7: {  	s1 =	rddreg [dreg:$0x1];
	p0 =	sne.s32 s2, $0x0  }
0xc8: {  	s3 =	rddreg [dreg:$0x2];
	[bflag:$0x3] =	sbarrier.arrive $0xFFFF;
	s2 =	simm.s32 @!p0 $0x1C03  }
0xc9: {  	[timem:s3], [sflag:s2] =	dma.local @!p0 [hbm:s0], s1  }
0xca: {  	s0 =	simm.s32 @!p0 $0x3  }
0xcb: {  	_ =	swait.ge @!p0 [sflag:s0], s1  }
0xcc: {  	s1 =	ssub.s32 @!p0 $0x0, s1;
	[sflag:s0] =	ssyncset.done @!p0 $0x0  }
0xcd: {  	[sflag:s0] =	ssyncadd.s32 @!p0 s1  }
0xce: {  	[bflag:$0x3] =	sbarrier.arrive $0xFFFF  }
0xcf: {  	_ =	shalt  }

// kernel: kernel.9.cloned.1.call-start
scs
__scs_entry_jumppad:
0x0: {  	(pc) =	sbr.rel $0x88, $3  }
0x1: {  	(tag) =	ssettag $0x0;
	lr =	simm.s32 $0x1  }
0x2: {  	[smem:$0x3F9B] =	sst lr;
	_ =	strace $0xD0000000  }
0x3: {  	_ = 	snop  }
0x4: {  	_ = 	snop  }
0x5: {  	_ = 	snop  }
0x6: {  	_ = 	snop  }
0x7: {  	_ = 	snop  }
__scs_overlays_trampoline_lowered:
0x8: {  	[smem:$0x3FAA] =	sst s0  }
0x9: {  	[smem:$0x3FAB] =	sst s1  }
0xa: {  	[smem:$0x3FAC] =	sst s2  }
0xb: {  	[smem:$0x3FAD] =	sst s3  }
0xc: {  	[smem:$0x3FAE] =	sst s4  }
0xd: {  	[smem:$0x3FAF] =	sst s5  }
0xe: {  	[smem:$0x3FB0] =	sst s6  }
0xf: {  	[smem:$0x3FB1] =	sst s7  }
0x10: {  	[smem:$0x3FB2] =	sst s8  }
0x11: {  	[smem:$0x3FB3] =	sst s9;
	s0 =	simm.s32 @!p0 $0x0  }
0x12: {  	s1 =	sld [smem:$0x3F99];
	s0 =	simm.s32 @p0 $0x1  }
0x13: {  	[smem:$0x3FB4] =	sst s0;
	s0 =	simm.s32 @!p1 $0x0  }
0x14: {  	s2 =	sld [smem:$0x3F98];
	s0 =	simm.s32 @p1 $0x1  }
0x15: {  	[smem:$0x3FB5] =	sst s0;
	s0 =	simm.s32 @!p2 $0x0  }
0x16: {  	s3 =	sld [smem:$0x3FDB];
	s0 =	simm.s32 @p2 $0x1  }
0x17: {  	s4 =	simm.s32 $0x1BF5;
	[smem:$0x3FB7] =	sst s0  }
0x18: {  	s0 =	sld [smem:$0x3F9A];
	_ =	swait.ge [sflag:s4], $0x0  }
0x19: {  	s7 =	sld [smem:$0x3F9B]  }
0x1a: {  	s8 =	sadd.s32 $0xFFFFE003, lr  }
0x1b: {  	s9 =	sadd.s32 $0xFFFFFEF7, lr;
	s5 =	simm.s32 $0xFFFFFFFF;
	p2 =	slt.u32 s8, $0xFFFFF086  }
0x1c: {  	p1 =	slt.u32 s9, $0xF7A;
	s5 =	simm.s32 @!p2 $0x0  }
0x1d: {  	s5 =	simm.s32 @p1 $0x1;
	p0 =	seq.s32 s7, s2  }
0x1e: {  	s7 =	smul.u32 @!p0 $0xF7A, s2;
	p2 =	seq.s32 @!p0 s5, $0x0  }
0x1f: {  	s9 =	smul.u32 $0xF7A, s1;
	s8 =	simm.s32 @!p0 $0x1BF5;
	p2 =	por !p2, p0  }
0x20: {  	[sflag:s8] =	ssyncset.s32 @!p0 $0xFFFFF086;
	s6 =	sadd.s32 @!p0 s3, s7;
	s7 =	simm.s32 @!p0 $0x108  }
0x21: {  	s3 =	sadd.s32 s3, s9;
	s6 =	sadd.s32 @!p0 $0x88, s6;
	s7 =	simm.s32 @p2 $0x1082  }
0x22: {  	[simem:s7], [sflag:s8] =	dma.local @!p0 [hbm:s6], $0xF7A  }
0x23: {  	s9 =	sor.u32 $0xD0000000, s2;
	s6 =	simm.s32 $0x108;
	_ =	swait.ge @!p0 [sflag:s8], $0x0  }
0x24: {  	s3 =	sadd.s32 $0x88, s3;
	s6 =	simm.s32 @!p1 $0x1082;
	[sflag:s4] =	ssyncset.s32 $0xFFFFF086  }
0x25: {  	[simem:s6], [sflag:s4] =	dma.local [hbm:s3], $0xF7A  }
0x26: {  	[smem:$0x3F9B] =	sst s1;
	(tag) =	ssettag s2;
	_ =	strace s9  }
0x27: {  	s1 =	sld [smem:$0x3FAB]  }
0x28: {  	s2 =	sld [smem:$0x3FAC]  }
0x29: {  	s4 =	sld [smem:$0x3FAE]  }
0x2a: {  	p0 =	seq.s32 s5, $0x0;
	s5 =	sld [smem:$0x3FAF]  }
0x2b: {  	s6 =	sld [smem:$0x3FB0]  }
0x2c: {  	s7 =	sld [smem:$0x3FB1]  }
0x2d: {  	s3 =	simm.s32 $0x108;
	s8 =	sld [smem:$0x3FB2]  }
0x2e: {  	s3 =	simm.s32 @!p0 $0x1082;
	s9 =	sld [smem:$0x3FB3]  }
0x2f: {  	lr =	sadd.s32 s0, s3;
	s0 =	sld [smem:$0x3FAA]  }
0x30: {  	s3 =	sld [smem:$0x3FAD]  }
0x31: {  	[smem:$0x3FB6] =	sst s10  }
0x32: {  	s10 =	sld [smem:$0x3FB4];
	_ =	sdelay $0x3  }
0x33: {  	p0 =	seq.s32 s10, $0x1;
	s10 =	sld [smem:$0x3FB6];
	_ =	sdelay $0x3  }
0x34: {  	[smem:$0x3FB6] =	sst s10  }
0x35: {  	s10 =	sld [smem:$0x3FB5];
	_ =	sdelay $0x3  }
0x36: {  	p1 =	seq.s32 s10, $0x1;
	s10 =	sld [smem:$0x3FB6];
	_ =	sdelay $0x3  }
0x37: {  	[smem:$0x3FB6] =	sst s10  }
0x38: {  	s10 =	sld [smem:$0x3FB7]  }
0x39: {  	_ = 	snop;
	(pc) =	sbr.ind lr, $3  }
0x3a: {  	_ = 	snop  }
0x3b: {  	_ = 	snop  }
0x3c: {  	p2 =	seq.s32 s10, $0x1;
	s10 =	sld [smem:$0x3FB6]  }
0x3d: {  	_ =	shalt  }
0x3e: {  	_ =	shalt  }
0x3f: {  	_ =	shalt  }
0x40: {  	_ =	shalt  }
0x41: {  	_ =	shalt  }
0x42: {  	_ =	shalt  }
0x43: {  	_ =	shalt  }
0x44: {  	_ =	shalt  }
0x45: {  	_ =	shalt  }
0x46: {  	_ =	shalt  }
0x47: {  	_ =	shalt  }
0x48: {  	_ =	shalt  }
0x49: {  	_ =	shalt  }
0x4a: {  	_ =	shalt  }
0x4b: {  	_ =	shalt  }
0x4c: {  	_ =	shalt  }
0x4d: {  	_ =	shalt  }
0x4e: {  	_ =	shalt  }
0x4f: {  	_ =	shalt  }
0x50: {  	_ =	shalt  }
0x51: {  	_ =	shalt  }
0x52: {  	_ =	shalt  }
0x53: {  	_ =	shalt  }
0x54: {  	_ =	shalt  }
0x55: {  	_ =	shalt  }
0x56: {  	_ =	shalt  }
0x57: {  	_ =	shalt  }
0x58: {  	_ =	shalt  }
0x59: {  	_ =	shalt  }
0x5a: {  	_ =	shalt  }
0x5b: {  	_ =	shalt  }
0x5c: {  	_ =	shalt  }
0x5d: {  	_ =	shalt  }
0x5e: {  	_ =	shalt  }
0x5f: {  	_ =	shalt  }
0x60: {  	_ =	shalt  }
0x61: {  	_ =	shalt  }
0x62: {  	_ =	shalt  }
0x63: {  	_ =	shalt  }
0x64: {  	_ =	shalt  }
0x65: {  	_ =	shalt  }
0x66: {  	_ =	shalt  }
0x67: {  	_ =	shalt  }
0x68: {  	_ =	shalt  }
0x69: {  	_ =	shalt  }
0x6a: {  	_ =	shalt  }
0x6b: {  	_ =	shalt  }
0x6c: {  	_ =	shalt  }
0x6d: {  	_ =	shalt  }
0x6e: {  	_ =	shalt  }
0x6f: {  	_ =	shalt  }
0x70: {  	_ =	shalt  }
0x71: {  	_ =	shalt  }
0x72: {  	_ =	shalt  }
0x73: {  	_ =	shalt  }
0x74: {  	_ =	shalt  }
0x75: {  	_ =	shalt  }
0x76: {  	_ =	shalt  }
0x77: {  	_ =	shalt  }
0x78: {  	_ =	shalt  }
0x79: {  	_ =	shalt  }
0x7a: {  	_ =	shalt  }
0x7b: {  	_ =	shalt  }
0x7c: {  	_ =	shalt  }
0x7d: {  	_ =	shalt  }
0x7e: {  	_ =	shalt  }
0x7f: {  	_ =	shalt  }
0x80: {  	_ =	shalt  }
0x81: {  	_ =	shalt  }
0x82: {  	_ =	shalt  }
0x83: {  	_ =	shalt  }
0x84: {  	_ =	shalt  }
0x85: {  	_ =	shalt  }
0x86: {  	_ =	shalt  }
0x87: {  	_ =	shalt  }
.Lfunc_end0:
.L_simem_size_0:
called_computation.1_lowered:
.L_overlay_start_0:
0x88: {  	s2 =	sld [smem:$0x3FD9]  }
0x89: {  	s3 =	sld [smem:$0x3FFE];
	_ =	sdelay $0x1  }
0x8a: {  	s1 =	srdreg.scid  }
0x8b: {  	s0 =	sand.u32 $0x1, s1  }
0x8c: {  	s17 =	sshll.u32 s0, $0xA;
	s2 =	sadd.s32 s3, s2  }
0x8d: {  	s2 =	sadd.s32 s2, s17  }
0x8e: {  	[smem:$0x3FC2] =	sst s2  }
0x8f: {  	_ = 	snop  }
0x90: {  	s2 =	sld [smem:$0x3FD0];
	(tm) =	ssettm $0x1  }
0x91: {  	s18 =	sld [smem:$0x3FFB];
	_ =	sdelay $0x3  }
0x92: {  	_ =	strace s18  }
0x93: {  	s3 =	sld [smem:$0x3FFC];
	_ =	sdelay $0x3  }
0x94: {  	_ =	strace s3  }
0x95: {  	s3 =	sld [smem:$0x3FFD];
	_ =	sdelay $0x3  }
0x96: {  	_ =	strace s3  }
0x97: {  	_ =	strace $0x8FFFFFFF  }
0x98: {  	s19 =	sld [smem:$0x3FDB];
	_ =	sdelay $0x1  }
0x99: {  	s4 =	simm.s32 $_scs_section_size  }
0x9a: {  	s5 =	simm.s32 $_size__tile_overlayer_lowered;
	s6 =	simm.s32 $_tile_overlayer_lowered  }
0x9b: {  	s22 =	simm.s32 $0x1BFF;
	s21 =	sshll.u32 s6, $0x1;
	s3 =	sadd.s32 s4, s19  }
0x9c: {  	s7 =	simm.s32 $0x0;
	s20 =	sshll.u32 s5, $0x1;
	s5 =	sadd.s32 s21, s3  }
0x9d: {  	[timem:s7], [sflag:s22] =	dma.local [hbm:s5], s20  }
0x9e: {  	_ =	swait.ge [sflag:s22], s20  }
0x9f: {  	s4 =	ssub.s32 $0x0, s20;
	[sflag:s22] =	ssyncset.done $0x0  }
0xa0: {  	[sflag:s22] =	ssyncadd.s32 s4;
	_ =	sdelay $0x1  }
0xa1: {  	s23 =	simm.s32 $0x1B8B  }
0xa2: {  	_ =	swait.ge [sflag:s23], $0x1  }
0xa3: {  	[sflag:s23] =	ssyncset.done $0x0  }
0xa4: {  	s25 =	simm.s32 $0x1B8E;
	s24 =	sld [smem:$0x3FFE];
	[sflag:s23] =	ssyncadd.s32 $0xFFFFFFFF  }
0xa5: {  	s26 =	simm.s32 $execute0_lowered;
	[smem:$0x3FD2] =	sst s25  }
0xa6: {  	s5 =	sshll.u32 s26, $0x1;
	_ =	strace $0x80000049;
	[dreg:$0x1] =	wrdreg $0xFFFFFFFF  }
0xa7: {  	s28 =	simm.s32 $_size_execute0_lowered;
	s3 =	sadd.s32 s3, s5;
	[dreg:$0x0] =	wrdreg $0x0  }
0xa8: {  	s5 =	sshll.u32 s28, $0x1;
	[dreg:$0x2] =	wrdreg s3  }
0xa9: {  	[dreg:$0x3] =	wrdreg s5  }
0xaa: {  	[dreg:$0x4] =	wrdreg $0xC0  }
0xab: {  	_ =	task [dreg:s7], $0x5FFFF  }
0xac: {  	[dreg:$0x1] =	wrdreg $0xFFFFFFFF  }
0xad: {  	[dreg:$0x0] =	wrdreg $0x60  }
0xae: {  	[dreg:$0x2] =	wrdreg s24  }
0xaf: {  	[dreg:$0x3] =	wrdreg s2  }
0xb0: {  	[dreg:$0x4] =	wrdreg $0x9  }
0xb1: {  	_ =	task.clear_ibuf [dreg:s7], $0x5FFFF;
	_ =	strace $0x90000049  }
0xb2: {  	s29 =	simm.s32 $0x9;
	_ =	strace $0x8000004B  }
0xb3: {  	_ =	swait.ge [sflag:s29], $0x1  }
0xb4: {  	[sflag:s29] =	ssyncadd.s32 $0xFFFFFFFF  }
0xb5: {  	_ =	strace $0x9000004B  }
0xb6: {  	_ =	sfence  }
0xb7: {  	s30 =	sld [smem:$0x0];
	_ =	sdelay $0x2  }
0xb8: {  	s31 =	sshll.u32 s1, $0xD;
	s1 =	sshrl.u32 s1, $0x2  }
0xb9: {  	s3 =	sand.u32 $0x4000, s31;
	s1 =	sadd.s32 s1, s30  }
0xba: {  	s0 =	sor.u32 s3, s0;
	s1 =	sshll.u32 s1, $0x11  }
0xbb: {  	s0 =	sor.u32 s1, s0  }
0xbc: {  	s0 =	sadd.s32 $0x8F2B, s0  }
0xbd: {  	[sflag:s0] =	ssyncadd.remote.s32 $0x1  }
0xbe: {  	_ =	sfence.sel $0xFFFF  }
0xbf: {  	[dreg:$0x0] =	wrdreg $0xFFFFFFFF;
	(pc) =	sbr.abs _section_cstart, $3  }
0xc0: {  	[dreg:$0x1] =	wrdreg $0xFFFFFFFF  }
0xc1: {  	_ =	task.clear_ibuf [dreg:s7], $0x2FFFF;
	_ =	strace $0x9FFFFFFF  }
0xc2: {  	(tm) =	ssettm $0x7FFFFFFF  }
0xc3: {  	_ =	shalt  }
tec
execute0_lowered:
.L_overlay_start_1:
0x0: {  	(tag) =	ssettag $0x1  }
0x1: {  	s0 =	rddreg [dreg:$0x0]  }
0x2: {  	s1 =	rddreg [dreg:$0x1];
	s3 =	srdreg.scid  }
0x3: {  	s2 =	simm.s32 $0x0;
	s5 =	stileid.u32;
	s12 =	simm.s32 $0x3  }
0x4: {  	s14 =	simm.s32 $0x4100;
	s15 =	simm.s32 $0x17900;
	s16 =	simm.s32 $0x18100  }
0x5: {  	s17 =	simm.s32 $0x18900;
	s18 =	simm.s32 $0x19100;
	s19 =	simm.s32 $0x19900  }
0x6: {  	s20 =	simm.s32 $0x1A100;
	s21 =	simm.s32 $0x1A900;
	s22 =	simm.s32 $0x1B100  }
0x7: {  	s23 =	simm.s32 $0x1B900;
	s24 =	simm.s32 $0x1;
	s25 =	simm.s32 $0x2  }
0x8: {  	s26 =	simm.s32 $0x0;
	s4 =	sand.u32 $0x1, s3;
	[smem:$0x7FF] =	sst s2  }
0x9: {  	s5 =	sshll.u32 s5, $0x7;
	s3 =	sadd.s32 $0x190E00, s0;
	s6 =	sshll.u32 s4, $0x6  }
0xa: {  	s9 =	sadd.s32 $0x191000, s0;
	s4 =	ssub.s32 $0x2, s4;
	s5 =	sor.u32 s6, s5  }
0xb: {  	_ =	strace $0x8000004A;
	s31 =	sshrl.u32 s4, $0x1;
	s6 =	sshrl.u32 s5, $0x3  }
0xc: {  	s5 =	sshll.u32 s5, $0x4;
	s11 =	ssub.s32 s4, s31;
	s7 =	sadd.s32 s6, s0  }
0xd: {  	v2 =	vlaneseq.u32;
	s8 =	sadd.s32 s5, s0;
	s10 =	smul.u32 $0x300, s6;
	s11 =	smax.u32 s11, $0x1  }
0xe: {  	vm0 =	vmmov $0xffff;
	v1 =	vshrl.u32 v2, $0x3;
	s4 =	sadd.s32 $0x10A00, s7;
	s5 =	sadd.s32 $0x10C00, s7;
	s6 =	sadd.s32 $0xA00, s8  }
0xf: {  	v0 =	vand.u32 $0x7, v2;
	v2 =	vor.u32 $0x8, v2;
	v1 =	vmul.u32 $0x8, v1;
	s7 =	sadd.s32 $0x8A00, s8;
	s8 =	sadd.s32 $0x190F00, s0;
	s10 =	sadd.s32 s1, s10  }
.LBB2_1:
0x10: {  	[tilespmem:s2], [sflag:$0x3] =	stream.linear.gather [hbm4b:s4+s2], $0x40, $0x38;
	[tilespmem:$0x1C100] =	vst v63  }
0x11: {  	_ =	swait.ge [sflag:s12], $0x40  }
0x12: {  	[sflag:s12] =	ssyncset.done $0x0  }
0x13: {  	s0 =	simm.s32 $0x80;
	[sflag:s12] =	ssyncadd.s32 $0xFFFFFFC0  }
0x14: {  	[tilespmem:s0], [sflag:$0x3] =	stream.linear.gather [hbm4b:s5+s2], $0x40, $0x38;
	[tilespmem:$0x1C100] =	vst v63  }
0x15: {  	_ =	swait.ge [sflag:s12], $0x40  }
0x16: {  	[sflag:s12] =	ssyncset.done $0x0  }
0x17: {  	s28 =	simm.s32 $0x100;
	[sflag:s12] =	ssyncadd.s32 $0xFFFFFFC0  }
0x18: {  	[tilespmem:s28], [sflag:$0x3] =	stream.linear.gather [hbm4b:s6+s2], $0x2000, $0x38;
	[tilespmem:$0x1C100] =	vst v63  }
0x19: {  	_ =	swait.ge [sflag:s12], $0x2000  }
0x1a: {  	[sflag:s12] =	ssyncset.done $0x0  }
0x1b: {  	s29 =	simm.s32 $0x2100;
	[sflag:s12] =	ssyncadd.s32 $0xFFFFE000  }
0x1c: {  	[tilespmem:s29], [sflag:$0x3] =	stream.linear.gather [hbm4b:s7+s2], $0x2000, $0x38;
	[tilespmem:$0x1C100] =	vst v63  }
0x1d: {  	_ =	swait.ge [sflag:s12], $0x2000  }
0x1e: {  	[sflag:s12] =	ssyncset.done $0x0  }
0x1f: {  	[sflag:s12] =	ssyncadd.s32 $0xFFFFE000  }
0x20: {  	v3 =	vld [tilespmem:$0x0];
	_ =	sdelay $0x4  }
0x21: {  	v4 =	vshrl.u32 v3, $0x3  }
0x22: {  	v4 =	vmul.u32 $0x30, v4  }
0x23: {  	v3 =	vand.u32 $0x7, v3  }
0x24: {  	v3 =	vor.u32 v3, v4  }
0x25: {  	v4 =	vperm.xlane v3, v0;
	_ =	sdelay $0x1  }
0x26: {  	v4 =	vadd.s32 v1, v4;
	_ =	sdelay $0x3  }
0x27: {  	v3 =	vperm.xlane v3, v2  }
0x28: {  	[tilespmem:s14], [sflag:$0x1] =	stream.indirect_vreg.gather [hbm4b:s3+s2], $0x80, v4, vm0, $0xb8;
	[tilespmem:$0x1C100] =	vst v63  }
0x29: {  	s13 =	simm.s32 $0x4900;
	v3 =	vadd.s32 v1, v3  }
0x2a: {  	[tilespmem:s13], [sflag:$0x1] =	stream.indirect_vreg.gather [hbm4b:s8+s2], $0x80, v4, vm0, $0xb8;
	[tilespmem:$0x1C100] =	vst v63  }
0x2b: {  	s1 =	simm.s32 $0x5100  }
0x2c: {  	[tilespmem:s1], [sflag:$0x1] =	stream.indirect_vreg.gather [hbm4b:s9+s2], $0x80, v4, vm0, $0xb8;
	[tilespmem:$0x1C100] =	vst v63  }
0x2d: {  	s13 =	simm.s32 $0x5900  }
0x2e: {  	[tilespmem:s13], [sflag:$0x1] =	stream.indirect_vreg.gather [hbm4b:s3+s2], $0x80, v3, vm0, $0xb8;
	[tilespmem:$0x1C100] =	vst v63  }
0x2f: {  	s1 =	simm.s32 $0x6100  }
0x30: {  	[tilespmem:s1], [sflag:$0x1] =	stream.indirect_vreg.gather [hbm4b:s8+s2], $0x80, v3, vm0, $0xb8;
	[tilespmem:$0x1C100] =	vst v63  }
0x31: {  	s13 =	simm.s32 $0x6900  }
0x32: {  	[tilespmem:s13], [sflag:$0x1] =	stream.indirect_vreg.gather [hbm4b:s9+s2], $0x80, v3, vm0, $0xb8;
	[tilespmem:$0x1C100] =	vst v63  }
0x33: {  	v3 =	vld [tilespmem:$0x10];
	_ =	sdelay $0x4  }
0x34: {  	v4 =	vshrl.u32 v3, $0x3  }
0x35: {  	v4 =	vmul.u32 $0x30, v4  }
0x36: {  	v3 =	vand.u32 $0x7, v3  }
0x37: {  	v3 =	vor.u32 v3, v4  }
0x38: {  	v4 =	vperm.xlane v3, v0;
	_ =	sdelay $0x1  }
0x39: {  	v4 =	vadd.s32 v1, v4;
	_ =	sdelay $0x3  }
0x3a: {  	s1 =	simm.s32 $0x7100;
	v3 =	vperm.xlane v3, v2  }
0x3b: {  	[tilespmem:s1], [sflag:$0x1] =	stream.indirect_vreg.gather [hbm4b:s3+s2], $0x80, v4, vm0, $0xb8;
	[tilespmem:$0x1C100] =	vst v63  }
0x3c: {  	s13 =	simm.s32 $0x7900;
	v3 =	vadd.s32 v1, v3  }
0x3d: {  	[tilespmem:s13], [sflag:$0x1] =	stream.indirect_vreg.gather [hbm4b:s8+s2], $0x80, v4, vm0, $0xb8;
	[tilespmem:$0x1C100] =	vst v63  }
0x3e: {  	s1 =	simm.s32 $0x8100  }
0x3f: {  	[tilespmem:s1], [sflag:$0x1] =	stream.indirect_vreg.gather [hbm4b:s9+s2], $0x80, v4, vm0, $0xb8;
	[tilespmem:$0x1C100] =	vst v63  }
0x40: {  	s13 =	simm.s32 $0x8900  }
0x41: {  	[tilespmem:s13], [sflag:$0x1] =	stream.indirect_vreg.gather [hbm4b:s3+s2], $0x80, v3, vm0, $0xb8;
	[tilespmem:$0x1C100] =	vst v63  }
0x42: {  	s1 =	simm.s32 $0x9100  }
0x43: {  	[tilespmem:s1], [sflag:$0x1] =	stream.indirect_vreg.gather [hbm4b:s8+s2], $0x80, v3, vm0, $0xb8;
	[tilespmem:$0x1C100] =	vst v63  }
0x44: {  	s13 =	simm.s32 $0x9900  }
0x45: {  	[tilespmem:s13], [sflag:$0x1] =	stream.indirect_vreg.gather [hbm4b:s9+s2], $0x80, v3, vm0, $0xb8;
	[tilespmem:$0x1C100] =	vst v63  }
0x46: {  	v3 =	vld [tilespmem:$0x20];
	_ =	sdelay $0x4  }
0x47: {  	v4 =	vshrl.u32 v3, $0x3  }
0x48: {  	v4 =	vmul.u32 $0x30, v4  }
0x49: {  	v3 =	vand.u32 $0x7, v3  }
0x4a: {  	v3 =	vor.u32 v3, v4  }
0x4b: {  	v4 =	vperm.xlane v3, v0;
	_ =	sdelay $0x1  }
0x4c: {  	v4 =	vadd.s32 v1, v4;
	_ =	sdelay $0x3  }
0x4d: {  	s1 =	simm.s32 $0xA100;
	v3 =	vperm.xlane v3, v2  }
0x4e: {  	[tilespmem:s1], [sflag:$0x1] =	stream.indirect_vreg.gather [hbm4b:s3+s2], $0x80, v4, vm0, $0xb8;
	[tilespmem:$0x1C100] =	vst v63  }
0x4f: {  	s13 =	simm.s32 $0xA900;
	v3 =	vadd.s32 v1, v3  }
0x50: {  	[tilespmem:s13], [sflag:$0x1] =	stream.indirect_vreg.gather [hbm4b:s8+s2], $0x80, v4, vm0, $0xb8;
	[tilespmem:$0x1C100] =	vst v63  }
0x51: {  	s1 =	simm.s32 $0xB100  }
0x52: {  	[tilespmem:s1], [sflag:$0x1] =	stream.indirect_vreg.gather [hbm4b:s9+s2], $0x80, v4, vm0, $0xb8;
	[tilespmem:$0x1C100] =	vst v63  }
0x53: {  	s13 =	simm.s32 $0xB900  }
0x54: {  	[tilespmem:s13], [sflag:$0x1] =	stream.indirect_vreg.gather [hbm4b:s3+s2], $0x80, v3, vm0, $0xb8;
	[tilespmem:$0x1C100] =	vst v63  }
0x55: {  	s1 =	simm.s32 $0xC100  }
0x56: {  	[tilespmem:s1], [sflag:$0x1] =	stream.indirect_vreg.gather [hbm4b:s8+s2], $0x80, v3, vm0, $0xb8;
	[tilespmem:$0x1C100] =	vst v63  }
0x57: {  	s13 =	simm.s32 $0xC900  }
0x58: {  	[tilespmem:s13], [sflag:$0x1] =	stream.indirect_vreg.gather [hbm4b:s9+s2], $0x80, v3, vm0, $0xb8;
	[tilespmem:$0x1C100] =	vst v63  }
0x59: {  	v3 =	vld [tilespmem:$0x30];
	_ =	sdelay $0x4  }
0x5a: {  	v4 =	vshrl.u32 v3, $0x3  }
0x5b: {  	v4 =	vmul.u32 $0x30, v4  }
0x5c: {  	v3 =	vand.u32 $0x7, v3  }
0x5d: {  	v3 =	vor.u32 v3, v4  }
0x5e: {  	v4 =	vperm.xlane v3, v0;
	_ =	sdelay $0x1  }
0x5f: {  	v4 =	vadd.s32 v1, v4;
	_ =	sdelay $0x3  }
0x60: {  	s1 =	simm.s32 $0xD100;
	v3 =	vperm.xlane v3, v2  }
0x61: {  	[tilespmem:s1], [sflag:$0x1] =	stream.indirect_vreg.gather [hbm4b:s3+s2], $0x80, v4, vm0, $0xb8;
	[tilespmem:$0x1C100] =	vst v63  }
0x62: {  	s13 =	simm.s32 $0xD900;
	v3 =	vadd.s32 v1, v3  }
0x63: {  	[tilespmem:s13], [sflag:$0x1] =	stream.indirect_vreg.gather [hbm4b:s8+s2], $0x80, v4, vm0, $0xb8;
	[tilespmem:$0x1C100] =	vst v63  }
0x64: {  	s1 =	simm.s32 $0xE100  }
0x65: {  	[tilespmem:s1], [sflag:$0x1] =	stream.indirect_vreg.gather [hbm4b:s9+s2], $0x80, v4, vm0, $0xb8;
	[tilespmem:$0x1C100] =	vst v63  }
0x66: {  	s13 =	simm.s32 $0xE900  }
0x67: {  	[tilespmem:s13], [sflag:$0x1] =	stream.indirect_vreg.gather [hbm4b:s3+s2], $0x80, v3, vm0, $0xb8;
	[tilespmem:$0x1C100] =	vst v63  }
0x68: {  	s1 =	simm.s32 $0xF100  }
0x69: {  	[tilespmem:s1], [sflag:$0x1] =	stream.indirect_vreg.gather [hbm4b:s8+s2], $0x80, v3, vm0, $0xb8;
	[tilespmem:$0x1C100] =	vst v63  }
0x6a: {  	s13 =	simm.s32 $0xF900  }
0x6b: {  	[tilespmem:s13], [sflag:$0x1] =	stream.indirect_vreg.gather [hbm4b:s9+s2], $0x80, v3, vm0, $0xb8;
	[tilespmem:$0x1C100] =	vst v63  }
0x6c: {  	v3 =	vld [tilespmem:$0x80];
	_ =	sdelay $0x4  }
0x6d: {  	v4 =	vshrl.u32 v3, $0x3  }
0x6e: {  	v4 =	vmul.u32 $0x30, v4  }
0x6f: {  	v3 =	vand.u32 $0x7, v3  }
0x70: {  	v3 =	vor.u32 v3, v4  }
0x71: {  	v4 =	vperm.xlane v3, v0;
	_ =	sdelay $0x1  }
0x72: {  	v4 =	vadd.s32 v1, v4;
	_ =	sdelay $0x3  }
0x73: {  	s1 =	simm.s32 $0x10100;
	v3 =	vperm.xlane v3, v2  }
0x74: {  	[tilespmem:s1], [sflag:$0x2] =	stream.indirect_vreg.gather [hbm4b:s3+s2], $0x80, v4, vm0, $0xb8;
	[tilespmem:$0x1C100] =	vst v63  }
0x75: {  	s13 =	simm.s32 $0x10900;
	v3 =	vadd.s32 v1, v3  }
0x76: {  	[tilespmem:s13], [sflag:$0x2] =	stream.indirect_vreg.gather [hbm4b:s8+s2], $0x80, v4, vm0, $0xb8;
	[tilespmem:$0x1C100] =	vst v63  }
0x77: {  	s1 =	simm.s32 $0x11100  }
0x78: {  	[tilespmem:s1], [sflag:$0x2] =	stream.indirect_vreg.gather [hbm4b:s9+s2], $0x80, v4, vm0, $0xb8;
	[tilespmem:$0x1C100] =	vst v63  }
0x79: {  	s13 =	simm.s32 $0x11900  }
0x7a: {  	[tilespmem:s13], [sflag:$0x2] =	stream.indirect_vreg.gather [hbm4b:s3+s2], $0x80, v3, vm0, $0xb8;
	[tilespmem:$0x1C100] =	vst v63  }
0x7b: {  	s1 =	simm.s32 $0x12100  }
0x7c: {  	[tilespmem:s1], [sflag:$0x2] =	stream.indirect_vreg.gather [hbm4b:s8+s2], $0x80, v3, vm0, $0xb8;
	[tilespmem:$0x1C100] =	vst v63  }
0x7d: {  	s13 =	simm.s32 $0x12900  }
0x7e: {  	[tilespmem:s13], [sflag:$0x2] =	stream.indirect_vreg.gather [hbm4b:s9+s2], $0x80, v3, vm0, $0xb8;
	[tilespmem:$0x1C100] =	vst v63  }
0x7f: {  	v3 =	vld [tilespmem:$0x90];
	_ =	sdelay $0x4  }
0x80: {  	v4 =	vshrl.u32 v3, $0x3  }
0x81: {  	v4 =	vmul.u32 $0x30, v4  }
0x82: {  	v3 =	vand.u32 $0x7, v3  }
0x83: {  	v3 =	vor.u32 v3, v4  }
0x84: {  	v4 =	vperm.xlane v3, v0;
	_ =	sdelay $0x1  }
0x85: {  	v4 =	vadd.s32 v1, v4;
	_ =	sdelay $0x3  }
0x86: {  	s1 =	simm.s32 $0x13100;
	v3 =	vperm.xlane v3, v2  }
0x87: {  	[tilespmem:s1], [sflag:$0x2] =	stream.indirect_vreg.gather [hbm4b:s3+s2], $0x80, v4, vm0, $0xb8;
	[tilespmem:$0x1C100] =	vst v63  }
0x88: {  	s13 =	simm.s32 $0x13900;
	v3 =	vadd.s32 v1, v3  }
0x89: {  	[tilespmem:s13], [sflag:$0x2] =	stream.indirect_vreg.gather [hbm4b:s8+s2], $0x80, v4, vm0, $0xb8;
	[tilespmem:$0x1C100] =	vst v63  }
0x8a: {  	s1 =	simm.s32 $0x14100  }
0x8b: {  	[tilespmem:s1], [sflag:$0x2] =	stream.indirect_vreg.gather [hbm4b:s9+s2], $0x80, v4, vm0, $0xb8;
	[tilespmem:$0x1C100] =	vst v63  }
0x8c: {  	s13 =	simm.s32 $0x14900  }
0x8d: {  	[tilespmem:s13], [sflag:$0x2] =	stream.indirect_vreg.gather [hbm4b:s3+s2], $0x80, v3, vm0, $0xb8;
	[tilespmem:$0x1C100] =	vst v63  }
0x8e: {  	s1 =	simm.s32 $0x15100  }
0x8f: {  	[tilespmem:s1], [sflag:$0x2] =	stream.indirect_vreg.gather [hbm4b:s8+s2], $0x80, v3, vm0, $0xb8;
	[tilespmem:$0x1C100] =	vst v63  }
0x90: {  	s13 =	simm.s32 $0x15900  }
0x91: {  	[tilespmem:s13], [sflag:$0x2] =	stream.indirect_vreg.gather [hbm4b:s9+s2], $0x80, v3, vm0, $0xb8;
	[tilespmem:$0x1C100] =	vst v63  }
0x92: {  	v3 =	vld [tilespmem:$0xA0];
	_ =	sdelay $0x4  }
0x93: {  	v4 =	vshrl.u32 v3, $0x3  }
0x94: {  	v4 =	vmul.u32 $0x30, v4  }
0x95: {  	v3 =	vand.u32 $0x7, v3  }
0x96: {  	v3 =	vor.u32 v3, v4  }
0x97: {  	v4 =	vperm.xlane v3, v0;
	_ =	sdelay $0x1  }
0x98: {  	v4 =	vadd.s32 v1, v4;
	_ =	sdelay $0x3  }
0x99: {  	s1 =	simm.s32 $0x16100;
	v3 =	vperm.xlane v3, v2  }
0x9a: {  	[tilespmem:s1], [sflag:$0x2] =	stream.indirect_vreg.gather [hbm4b:s3+s2], $0x80, v4, vm0, $0xb8;
	[tilespmem:$0x1C100] =	vst v63  }
0x9b: {  	s13 =	simm.s32 $0x16900;
	v3 =	vadd.s32 v1, v3  }
0x9c: {  	[tilespmem:s13], [sflag:$0x2] =	stream.indirect_vreg.gather [hbm4b:s8+s2], $0x80, v4, vm0, $0xb8;
	[tilespmem:$0x1C100] =	vst v63  }
0x9d: {  	s1 =	simm.s32 $0x17100  }
0x9e: {  	[tilespmem:s1], [sflag:$0x2] =	stream.indirect_vreg.gather [hbm4b:s9+s2], $0x80, v4, vm0, $0xb8;
	[tilespmem:$0x1C100] =	vst v63  }
0x9f: {  	_ = 	snop  }
0xa0: {  	[tilespmem:s15], [sflag:$0x2] =	stream.indirect_vreg.gather [hbm4b:s3+s2], $0x80, v3, vm0, $0xb8;
	[tilespmem:$0x1C100] =	vst v63  }
0xa1: {  	_ = 	snop  }
0xa2: {  	[tilespmem:s16], [sflag:$0x2] =	stream.indirect_vreg.gather [hbm4b:s8+s2], $0x80, v3, vm0, $0xb8;
	[tilespmem:$0x1C100] =	vst v63  }
0xa3: {  	_ = 	snop  }
0xa4: {  	[tilespmem:s17], [sflag:$0x2] =	stream.indirect_vreg.gather [hbm4b:s9+s2], $0x80, v3, vm0, $0xb8;
	[tilespmem:$0x1C100] =	vst v63  }
0xa5: {  	v3 =	vld [tilespmem:$0xB0];
	_ =	sdelay $0x4  }
0xa6: {  	v4 =	vshrl.u32 v3, $0x3  }
0xa7: {  	v4 =	vmul.u32 $0x30, v4  }
0xa8: {  	v3 =	vand.u32 $0x7, v3  }
0xa9: {  	v3 =	vor.u32 v3, v4  }
0xaa: {  	v4 =	vperm.xlane v3, v0;
	_ =	sdelay $0x1  }
0xab: {  	v4 =	vadd.s32 v1, v4;
	_ =	sdelay $0x3  }
0xac: {  	v3 =	vperm.xlane v3, v2  }
0xad: {  	[tilespmem:s18], [sflag:$0x2] =	stream.indirect_vreg.gather [hbm4b:s3+s2], $0x80, v4, vm0, $0xb8;
	[tilespmem:$0x1C100] =	vst v63  }
0xae: {  	v3 =	vadd.s32 v1, v3  }
0xaf: {  	[tilespmem:s19], [sflag:$0x2] =	stream.indirect_vreg.gather [hbm4b:s8+s2], $0x80, v4, vm0, $0xb8;
	[tilespmem:$0x1C100] =	vst v63  }
0xb0: {  	_ = 	snop  }
0xb1: {  	[tilespmem:s20], [sflag:$0x2] =	stream.indirect_vreg.gather [hbm4b:s9+s2], $0x80, v4, vm0, $0xb8;
	[tilespmem:$0x1C100] =	vst v63  }
0xb2: {  	_ = 	snop  }
0xb3: {  	[tilespmem:s21], [sflag:$0x2] =	stream.indirect_vreg.gather [hbm4b:s3+s2], $0x80, v3, vm0, $0xb8;
	[tilespmem:$0x1C100] =	vst v63  }
0xb4: {  	_ = 	snop  }
0xb5: {  	[tilespmem:s22], [sflag:$0x2] =	stream.indirect_vreg.gather [hbm4b:s8+s2], $0x80, v3, vm0, $0xb8;
	[tilespmem:$0x1C100] =	vst v63  }
0xb6: {  	_ = 	snop  }
0xb7: {  	[tilespmem:s23], [sflag:$0x2] =	stream.indirect_vreg.gather [hbm4b:s9+s2], $0x80, v3, vm0, $0xb8;
	[tilespmem:$0x1C100] =	vst v63  }
0xb8: {  	_ =	swait.ge [sflag:s24], $0xC000  }
0xb9: {  	[sflag:s24] =	ssyncset.done $0x0  }
0xba: {  	s13 =	simm.s32 $0x0;
	[sflag:s24] =	ssyncadd.s32 $0xFFFF4000  }
0xbb: {  	s0 =	smul.u32 $0x1800, s13;
	_ =	swait.ge [sflag:s25], $0xC000  }
0xbc: {  	s30 =	sand.u32 $0x380, s2;
	[sflag:s25] =	ssyncset.done $0x0  }
0xbd: {  	s0 =	sor.u32 s30, s0;
	[sflag:s25] =	ssyncadd.s32 $0xFFFF4000  }
0xbe: {  	v4 =	vld [tilespmem:s0+$0x4110]  }
0xbf: {  	v3 =	vld [tilespmem:s0+$0x10110]  }
0xc0: {  	v6 =	vld [tilespmem:s0+$0x4120]  }
0xc1: {  	v5 =	vld [tilespmem:s0+$0x10120]  }
0xc2: {  	v10 =	vld [tilespmem:s0+$0x4130]  }
0xc3: {  	v9 =	vld [tilespmem:s0+$0x10130]  }
0xc4: {  	v12 =	vld [tilespmem:s0+$0x4140]  }
0xc5: {  	v11 =	vld [tilespmem:s0+$0x10140]  }
0xc6: {  	v13 =	vld [tilespmem:s0+$0x4160]  }
0xc7: {  	v14 =	vld [tilespmem:s0+$0x4170]  }
0xc8: {  	v15 =	vld [tilespmem:s0+$0x4500]  }
0xc9: {  	v16 =	vld [tilespmem:s0+$0x4510]  }
0xca: {  	v17 =	vld [tilespmem:s0+$0x4520]  }
0xcb: {  	v18 =	vld [tilespmem:s0+$0x4530]  }
0xcc: {  	v19 =	vld [tilespmem:s0+$0x4540]  }
0xcd: {  	v20 =	vld [tilespmem:s0+$0x4550]  }
0xce: {  	v21 =	vld [tilespmem:s0+$0x4560]  }
0xcf: {  	v22 =	vld [tilespmem:s0+$0x4570]  }
0xd0: {  	v23 =	vld [tilespmem:s0+$0x4900]  }
0xd1: {  	v24 =	vld [tilespmem:s0+$0x4910]  }
0xd2: {  	v25 =	vld [tilespmem:s0+$0x4920]  }
0xd3: {  	v26 =	vld [tilespmem:s0+$0x4930]  }
0xd4: {  	v27 =	vld [tilespmem:s0+$0x4940]  }
0xd5: {  	v28 =	vld [tilespmem:s0+$0x4950]  }
0xd6: {  	v29 =	vld [tilespmem:s0+$0x4960]  }
0xd7: {  	v30 =	vld [tilespmem:s0+$0x4970]  }
0xd8: {  	v31 =	vld [tilespmem:s0+$0x4D00]  }
0xd9: {  	v32 =	vld [tilespmem:s0+$0x4D10]  }
0xda: {  	v33 =	vld [tilespmem:s0+$0x4D20]  }
0xdb: {  	v34 =	vld [tilespmem:s0+$0x4D30]  }
0xdc: {  	v35 =	vld [tilespmem:s0+$0x4D40]  }
0xdd: {  	v36 =	vld [tilespmem:s0+$0x4D50]  }
0xde: {  	v37 =	vld [tilespmem:s0+$0x4D60]  }
0xdf: {  	v38 =	vld [tilespmem:s0+$0x4D70]  }
0xe0: {  	v39 =	vld [tilespmem:s0+$0x5100]  }
0xe1: {  	v40 =	vld [tilespmem:s0+$0x5110]  }
0xe2: {  	v41 =	vld [tilespmem:s0+$0x5120]  }
0xe3: {  	v42 =	vld [tilespmem:s0+$0x5130]  }
0xe4: {  	v43 =	vld [tilespmem:s0+$0x5140]  }
0xe5: {  	v44 =	vld [tilespmem:s0+$0x5150]  }
0xe6: {  	v45 =	vld [tilespmem:s0+$0x5160]  }
0xe7: {  	v46 =	vld [tilespmem:s0+$0x5500]  }
0xe8: {  	v47 =	vld [tilespmem:s0+$0x5510]  }
0xe9: {  	v48 =	vld [tilespmem:s0+$0x11510]  }
0xea: {  	v49 =	vld [tilespmem:s0+$0x11530]  }
0xeb: {  	v50 =	vld [tilespmem:s0+$0x5530]  }
0xec: {  	v51 =	vld [tilespmem:s0+$0x5520]  }
0xed: {  	v7 =	vld [tilespmem:s28+$0x0]  }
0xee: {  	v8 =	vld [tilespmem:s29+$0x0]  }
0xef: {  	v52 =	vld [tilespmem:s0+$0x11520]  }
0xf0: {  	v53 =	vld [tilespmem:s0+$0x11500]  }
0xf1: {  	v54 =	vld [tilespmem:s0+$0x5170]  }
0xf2: {  	v55 =	vld [tilespmem:s0+$0x11170];
	v50 =	vmul.f32 v50, v7  }
0xf3: {  	v56 =	vld [tilespmem:s0+$0x11160];
	v49 =	vmul.f32 v49, v8;
	v51 =	vmul.f32 v51, v7  }
0xf4: {  	v57 =	vld [tilespmem:s0+$0x11150];
	v52 =	vmul.f32 v52, v8;
	v47 =	vmul.f32 v47, v7  }
0xf5: {  	v61 =	vld [tilespmem:s0+$0x11100];
	v48 =	vmul.f32 v48, v8;
	v46 =	vmul.f32 v46, v7  }
0xf6: {  	v58 =	vld [tilespmem:s0+$0x11140];
	v62 =	vmul.f32 v53, v8;
	v63 =	vmul.f32 v54, v7;
	v49 =	vadd.f32 v49, v50  }
0xf7: {  	v53 =	vld [tilespmem:s0+$0x11130];
	v59 =	vmul.f32 v55, v8;
	v45 =	vmul.f32 v45, v7;
	v51 =	vadd.f32 v52, v51  }
0xf8: {  	v60 =	vmul.f32 v56, v8;
	v44 =	vmul.f32 v44, v7;
	v56 =	vld [tilespmem:s0+$0x10D60];
	v47 =	vadd.f32 v48, v47;
	[tilespmem:s0+$0x5530] =	vst v49  }
0xf9: {  	v43 =	vmul.f32 v43, v7;
	v39 =	vmul.f32 v39, v7;
	v55 =	vld [tilespmem:s0+$0x10970];
	v46 =	vadd.f32 v62, v46;
	[tilespmem:s0+$0x5520] =	vst v51  }
0xfa: {  	v61 =	vmul.f32 v61, v8;
	v12 =	vmul.f32 v12, v7;
	v48 =	vld [tilespmem:s0+$0x11120];
	v52 =	vadd.f32 v59, v63;
	[tilespmem:s0+$0x5510] =	vst v47  }
0xfb: {  	v11 =	vmul.f32 v11, v8;
	v63 =	vmul.f32 v58, v8;
	v45 =	vadd.f32 v60, v45;
	v58 =	vld [tilespmem:s0+$0x10D50];
	[tilespmem:s0+$0x5500] =	vst v46  }
0xfc: {  	v42 =	vmul.f32 v42, v7;
	v62 =	vmul.f32 v57, v8;
	v59 =	vld [tilespmem:s0+$0x10D40];
	v39 =	vadd.f32 v61, v39;
	[tilespmem:s0+$0x5170] =	vst v52  }
0xfd: {  	v41 =	vmul.f32 v41, v7;
	v40 =	vmul.f32 v40, v7;
	v60 =	vld [tilespmem:s0+$0x10D30];
	v11 =	vadd.f32 v11, v12;
	[tilespmem:s0+$0x5160] =	vst v45  }
0xfe: {  	v38 =	vmul.f32 v38, v7;
	v61 =	vld [tilespmem:s0+$0x10910];
	v44 =	vadd.f32 v62, v44;
	[tilespmem:s0+$0x5100] =	vst v39;
	v57 =	vmul.f32 v53, v8  }
0xff: {  	v37 =	vmul.f32 v37, v7;
	v49 =	vld [tilespmem:s0+$0x11110];
	v43 =	vadd.f32 v63, v43;
	[tilespmem:s0+$0x4140] =	vst v11;
	v46 =	vmul.f32 v56, v8  }
0x100: {  	v36 =	vmul.f32 v36, v7;
	v47 =	vld [tilespmem:s0+$0x10D70];
	[tilespmem:s0+$0x5150] =	vst v44;
	v48 =	vmul.f32 v48, v8;
	v42 =	vadd.f32 v57, v42  }
0x101: {  	v35 =	vmul.f32 v35, v7;
	v62 =	vld [tilespmem:s0+$0x10D20];
	[tilespmem:s0+$0x5140] =	vst v43;
	v54 =	vmul.f32 v58, v8;
	v37 =	vadd.f32 v46, v37  }
0x102: {  	v34 =	vmul.f32 v34, v7;
	v63 =	vld [tilespmem:s0+$0x10D10];
	v45 =	vmul.f32 v59, v8;
	v41 =	vadd.f32 v48, v41;
	[tilespmem:s0+$0x5130] =	vst v42  }
0x103: {  	v33 =	vmul.f32 v33, v7;
	v56 =	vld [tilespmem:s0+$0x10960];
	v44 =	vmul.f32 v60, v8;
	v36 =	vadd.f32 v54, v36;
	[tilespmem:s0+$0x4D60] =	vst v37  }
0x104: {  	v32 =	vmul.f32 v32, v7;
	v53 =	vld [tilespmem:s0+$0x10D00];
	v49 =	vmul.f32 v49, v8;
	v35 =	vadd.f32 v45, v35;
	[tilespmem:s0+$0x5120] =	vst v41  }
0x105: {  	v6 =	vmul.f32 v6, v7;
	v12 =	vld [tilespmem:s0+$0x5560];
	v47 =	vmul.f32 v47, v8;
	v34 =	vadd.f32 v44, v34;
	[tilespmem:s0+$0x4D50] =	vst v36  }
0x106: {  	v5 =	vmul.f32 v5, v8;
	v58 =	vld [tilespmem:s0+$0x10940];
	v43 =	vmul.f32 v62, v8;
	v40 =	vadd.f32 v49, v40;
	[tilespmem:s0+$0x4D40] =	vst v35  }
0x107: {  	v29 =	vmul.f32 v29, v7;
	v59 =	vld [tilespmem:s0+$0x10930];
	v42 =	vmul.f32 v63, v8;
	v38 =	vadd.f32 v47, v38;
	[tilespmem:s0+$0x4D30] =	vst v34  }
0x108: {  	v5 =	vadd.f32 v5, v6;
	v6 =	vld [tilespmem:s0+$0x4100];
	v39 =	vmul.f32 v56, v8;
	v33 =	vadd.f32 v43, v33;
	[tilespmem:s0+$0x5110] =	vst v40  }
0x109: {  	v31 =	vmul.f32 v31, v7;
	v60 =	vld [tilespmem:s0+$0x10920];
	v41 =	vmul.f32 v53, v8;
	v32 =	vadd.f32 v42, v32;
	[tilespmem:s0+$0x4D70] =	vst v38  }
0x10a: {  	v24 =	vmul.f32 v24, v7;
	v57 =	vld [tilespmem:s0+$0x10950];
	v34 =	vmul.f32 v61, v8;
	v29 =	vadd.f32 v39, v29;
	[tilespmem:s0+$0x4D20] =	vst v33  }
0x10b: {  	v27 =	vmul.f32 v27, v7;
	v62 =	vld [tilespmem:s0+$0x10900];
	v37 =	vmul.f32 v58, v8;
	v31 =	vadd.f32 v41, v31;
	[tilespmem:s0+$0x4D10] =	vst v32  }
0x10c: {  	v26 =	vmul.f32 v26, v7;
	v63 =	vld [tilespmem:s0+$0x10570];
	v36 =	vmul.f32 v59, v8;
	v24 =	vadd.f32 v34, v24;
	[tilespmem:s0+$0x4960] =	vst v29  }
0x10d: {  	v30 =	vmul.f32 v30, v7;
	v40 =	vmul.f32 v55, v8;
	v27 =	vadd.f32 v37, v27;
	v29 =	vld [tilespmem:s0+$0x10540];
	[tilespmem:s0+$0x4D00] =	vst v31  }
0x10e: {  	v25 =	vmul.f32 v25, v7;
	v35 =	vmul.f32 v60, v8;
	v26 =	vadd.f32 v36, v26;
	v31 =	vld [tilespmem:s0+$0x10560];
	[tilespmem:s0+$0x4910] =	vst v24  }
0x10f: {  	v28 =	vmul.f32 v28, v7;
	v38 =	vmul.f32 v57, v8;
	v30 =	vadd.f32 v40, v30;
	v24 =	vld [tilespmem:s0+$0x10170];
	[tilespmem:s0+$0x4940] =	vst v27  }
0x110: {  	v23 =	vmul.f32 v23, v7;
	v33 =	vmul.f32 v62, v8;
	v25 =	vadd.f32 v35, v25;
	v27 =	vld [tilespmem:s0+$0x10520];
	[tilespmem:s0+$0x4930] =	vst v26  }
0x111: {  	v22 =	vmul.f32 v22, v7;
	v32 =	vmul.f32 v63, v8;
	v28 =	vadd.f32 v38, v28;
	[tilespmem:s0+$0x4970] =	vst v30;
	v30 =	vld [tilespmem:s0+$0x10550]  }
0x112: {  	v19 =	vmul.f32 v19, v7;
	v23 =	vadd.f32 v33, v23;
	[tilespmem:s0+$0x4920] =	vst v25;
	v25 =	vld [tilespmem:s0+$0x10500];
	v29 =	vmul.f32 v29, v8  }
0x113: {  	v21 =	vmul.f32 v21, v7;
	v22 =	vadd.f32 v32, v22;
	[tilespmem:s0+$0x4950] =	vst v28;
	v28 =	vld [tilespmem:s0+$0x10530];
	v31 =	vmul.f32 v31, v8  }
0x114: {  	v14 =	vmul.f32 v14, v7;
	[tilespmem:s0+$0x4900] =	vst v23;
	v23 =	vld [tilespmem:s0+$0x10160];
	v24 =	vmul.f32 v24, v8;
	v19 =	vadd.f32 v29, v19  }
0x115: {  	v17 =	vmul.f32 v17, v7;
	v26 =	vld [tilespmem:s0+$0x10510];
	[tilespmem:s0+$0x4570] =	vst v22;
	v27 =	vmul.f32 v27, v8;
	v21 =	vadd.f32 v31, v21  }
0x116: {  	v20 =	vmul.f32 v20, v7;
	v22 =	vld [tilespmem:s0+$0x4150];
	v30 =	vmul.f32 v30, v8;
	v14 =	vadd.f32 v24, v14;
	[tilespmem:s0+$0x4540] =	vst v19  }
0x117: {  	v15 =	vmul.f32 v15, v7;
	v25 =	vmul.f32 v25, v8;
	v17 =	vadd.f32 v27, v17;
	v19 =	vld [tilespmem:s0+$0x11550];
	[tilespmem:s0+$0x4560] =	vst v21  }
0x118: {  	v18 =	vmul.f32 v18, v7;
	v28 =	vmul.f32 v28, v8;
	v20 =	vadd.f32 v30, v20;
	v21 =	vld [tilespmem:s0+$0x10150];
	[tilespmem:s0+$0x4170] =	vst v14  }
0x119: {  	v13 =	vmul.f32 v13, v7;
	v23 =	vmul.f32 v23, v8;
	v15 =	vadd.f32 v25, v15;
	[tilespmem:s0+$0x4520] =	vst v17;
	v17 =	vld [tilespmem:s0+$0x5540]  }
0x11a: {  	v16 =	vmul.f32 v16, v7;
	v26 =	vmul.f32 v26, v8;
	v18 =	vadd.f32 v28, v18;
	[tilespmem:s0+$0x4550] =	vst v20;
	v20 =	vld [tilespmem:s0+$0x11540]  }
0x11b: {  	v10 =	vmul.f32 v10, v7;
	v9 =	vmul.f32 v9, v8;
	v13 =	vadd.f32 v23, v13;
	[tilespmem:s0+$0x4500] =	vst v15;
	v15 =	vld [tilespmem:s0+$0x5550]  }
0x11c: {  	v4 =	vmul.f32 v4, v7;
	v3 =	vmul.f32 v3, v8;
	v16 =	vadd.f32 v26, v16;
	[tilespmem:s0+$0x4530] =	vst v18;
	v18 =	vld [tilespmem:s0+$0x11560]  }
0x11d: {  	v9 =	vadd.f32 v9, v10;
	v10 =	vmul.f32 v22, v7;
	v14 =	vld [tilespmem:s0+$0x5570];
	[tilespmem:s0+$0x4160] =	vst v13;
	v13 =	vmul.f32 v21, v8  }
0x11e: {  	v3 =	vadd.f32 v3, v4;
	[tilespmem:s0+$0x4510] =	vst v16;
	v16 =	vld [tilespmem:s0+$0x11570]  }
0x11f: {  	s30 =	simm.s32 $0x0;
	[tilespmem:s0+$0x4130] =	vst v9;
	v9 =	vld [tilespmem:s0+$0x10100];
	v11 =	vmul.f32 v17, v7;
	v17 =	vmul.f32 v20, v8;
	v4 =	vadd.f32 v13, v10  }
0x120: {  	s31 =	simm.s32 $0x80;
	s30 =	smul.u32 $0x1800, s30;
	[tilespmem:s0+$0x4120] =	vst v5;
	v5 =	vmul.f32 v15, v7;
	v10 =	vmul.f32 v19, v8  }
0x121: {  	s1 =	sand.u32 $0x380, s31;
	v11 =	vadd.f32 v17, v11;
	[tilespmem:s0+$0x4150] =	vst v4;
	v4 =	vmul.f32 v12, v7;
	v12 =	vmul.f32 v18, v8  }
0x122: {  	s30 =	sor.u32 s1, s30;
	[tilespmem:s0+$0x4110] =	vst v3;
	v5 =	vadd.f32 v10, v5  }
0x123: {  	v3 =	vld [tilespmem:s30+$0x4110];
	v10 =	vmul.f32 v14, v7;
	[tilespmem:s0+$0x5540] =	vst v11;
	v11 =	vmul.f32 v16, v8;
	v12 =	vadd.f32 v12, v4  }
0x124: {  	v7 =	vmul.f32 v6, v7;
	v8 =	vmul.f32 v9, v8;
	v4 =	vld [tilespmem:s30+$0x10110];
	[tilespmem:s0+$0x5550] =	vst v5  }
0x125: {  	v9 =	vadd.f32 v11, v10;
	v6 =	vld [tilespmem:s30+$0x4120];
	[tilespmem:s0+$0x5560] =	vst v12  }
0x126: {  	v7 =	vadd.f32 v8, v7;
	v5 =	vld [tilespmem:s30+$0x10120]  }
0x127: {  	v8 =	vld [tilespmem:s30+$0x4130];
	[tilespmem:s0+$0x5570] =	vst v9  }
0x128: {  	v18 =	vld [tilespmem:s30+$0x4530];
	[tilespmem:s0+$0x4100] =	vst v7  }
0x129: {  	v7 =	vld [tilespmem:s30+$0x10130]  }
0x12a: {  	v10 =	vld [tilespmem:s30+$0x4140]  }
0x12b: {  	v9 =	vld [tilespmem:s30+$0x10140]  }
0x12c: {  	v12 =	vld [tilespmem:s30+$0x4150]  }
0x12d: {  	v11 =	vld [tilespmem:s30+$0x10150]  }
0x12e: {  	v13 =	vld [tilespmem:s30+$0x4160]  }
0x12f: {  	v14 =	vld [tilespmem:s30+$0x4170]  }
0x130: {  	v15 =	vld [tilespmem:s30+$0x4500]  }
0x131: {  	v16 =	vld [tilespmem:s30+$0x4510]  }
0x132: {  	v17 =	vld [tilespmem:s30+$0x4520]  }
0x133: {  	v19 =	vld [tilespmem:s30+$0x4540]  }
0x134: {  	v20 =	vld [tilespmem:s30+$0x4550]  }
0x135: {  	v21 =	vld [tilespmem:s30+$0x4560]  }
0x136: {  	v22 =	vld [tilespmem:s30+$0x4570]  }
0x137: {  	v23 =	vld [tilespmem:s30+$0x4900]  }
0x138: {  	v24 =	vld [tilespmem:s30+$0x4910]  }
0x139: {  	v25 =	vld [tilespmem:s30+$0x4920]  }
0x13a: {  	v26 =	vld [tilespmem:s30+$0x4930]  }
0x13b: {  	v27 =	vld [tilespmem:s30+$0x4940]  }
0x13c: {  	v28 =	vld [tilespmem:s30+$0x4950]  }
0x13d: {  	v29 =	vld [tilespmem:s30+$0x4960]  }
0x13e: {  	v30 =	vld [tilespmem:s30+$0x4970]  }
0x13f: {  	v31 =	vld [tilespmem:s30+$0x4D00]  }
0x140: {  	v34 =	vld [tilespmem:s30+$0x4D10]  }
0x141: {  	v35 =	vld [tilespmem:s30+$0x4D20]  }
0x142: {  	v36 =	vld [tilespmem:s30+$0x4D30]  }
0x143: {  	v37 =	vld [tilespmem:s30+$0x4D40]  }
0x144: {  	v38 =	vld [tilespmem:s30+$0x4D50]  }
0x145: {  	v39 =	vld [tilespmem:s30+$0x4D60]  }
0x146: {  	v40 =	vld [tilespmem:s30+$0x4D70]  }
0x147: {  	v41 =	vld [tilespmem:s30+$0x5100]  }
0x148: {  	v42 =	vld [tilespmem:s30+$0x5110]  }
0x149: {  	v43 =	vld [tilespmem:s30+$0x5120]  }
0x14a: {  	v44 =	vld [tilespmem:s30+$0x5130]  }
0x14b: {  	v45 =	vld [tilespmem:s30+$0x5140]  }
0x14c: {  	v46 =	vld [tilespmem:s30+$0x5150]  }
0x14d: {  	v47 =	vld [tilespmem:s30+$0x5160]  }
0x14e: {  	v48 =	vld [tilespmem:s30+$0x5500]  }
0x14f: {  	v50 =	vld [tilespmem:s30+$0x5510]  }
0x150: {  	v49 =	vld [tilespmem:s30+$0x11510]  }
0x151: {  	s0 =	simm.s32 $0x2;
	v51 =	vld [tilespmem:s30+$0x11530]  }
.LBB2_2:
0x152: {  	p0 =	sne.s32 s0, $0x3F;
	v52 =	vld [tilespmem:s30+$0x5530]  }
0x153: {  	s28 =	sadd.s32 $0x80, s28;
	v53 =	vld [tilespmem:s30+$0x5520]  }
0x154: {  	s29 =	sadd.s32 $0x80, s29;
	v33 =	vld [tilespmem:s28+$0x0]  }
0x155: {  	v32 =	vld [tilespmem:s29+$0x0]  }
0x156: {  	v54 =	vld [tilespmem:s30+$0x11520]  }
0x157: {  	v55 =	vld [tilespmem:s30+$0x11500]  }
0x158: {  	v56 =	vld [tilespmem:s30+$0x5170]  }
0x159: {  	v57 =	vld [tilespmem:s30+$0x11170];
	v50 =	vmul.f32 v50, v33;
	v53 =	vmul.f32 v53, v33  }
0x15a: {  	v52 =	vmul.f32 v52, v33;
	v58 =	vld [tilespmem:s30+$0x11160];
	v51 =	vmul.f32 v51, v32  }
0x15b: {  	v49 =	vmul.f32 v49, v32;
	v59 =	vld [tilespmem:s30+$0x11150];
	v54 =	vmul.f32 v54, v32  }
0x15c: {  	v48 =	vmul.f32 v48, v33;
	v60 =	vld [tilespmem:s30+$0x11140];
	v55 =	vmul.f32 v55, v32;
	v51 =	vadd.f32 v51, v52  }
0x15d: {  	v49 =	vadd.f32 v49, v50;
	v52 =	vld [tilespmem:s30+$0x11130];
	v56 =	vmul.f32 v56, v33;
	v50 =	vadd.f32 v54, v53  }
0x15e: {  	v47 =	vmul.f32 v47, v33;
	v53 =	vld [tilespmem:s30+$0x11120];
	v54 =	vmul.f32 v57, v32;
	v48 =	vadd.f32 v55, v48;
	[tilespmem:s30+$0x5530] =	vst v51  }
0x15f: {  	v46 =	vmul.f32 v46, v33;
	v51 =	vld [tilespmem:s30+$0x11110];
	v55 =	vmul.f32 v58, v32;
	[tilespmem:s30+$0x5520] =	vst v50  }
0x160: {  	v45 =	vmul.f32 v45, v33;
	v50 =	vld [tilespmem:s30+$0x11100];
	v57 =	vmul.f32 v59, v32;
	v54 =	vadd.f32 v54, v56;
	[tilespmem:s30+$0x5510] =	vst v49  }
0x161: {  	v44 =	vmul.f32 v44, v33;
	v49 =	vld [tilespmem:s30+$0x10D70];
	v56 =	vmul.f32 v60, v32;
	v47 =	vadd.f32 v55, v47;
	[tilespmem:s30+$0x5500] =	vst v48  }
0x162: {  	v43 =	vmul.f32 v43, v33;
	v48 =	vld [tilespmem:s30+$0x10D60];
	v52 =	vmul.f32 v52, v32;
	v46 =	vadd.f32 v57, v46;
	[tilespmem:s30+$0x5170] =	vst v54  }
0x163: {  	v42 =	vmul.f32 v42, v33;
	v54 =	vld [tilespmem:s30+$0x10D50];
	v53 =	vmul.f32 v53, v32;
	v45 =	vadd.f32 v56, v45;
	[tilespmem:s30+$0x5160] =	vst v47  }
0x164: {  	v41 =	vmul.f32 v41, v33;
	v47 =	vld [tilespmem:s30+$0x10D40];
	v51 =	vmul.f32 v51, v32;
	v44 =	vadd.f32 v52, v44;
	[tilespmem:s30+$0x5150] =	vst v46  }
0x165: {  	v40 =	vmul.f32 v40, v33;
	v46 =	vld [tilespmem:s30+$0x10D30];
	v50 =	vmul.f32 v50, v32;
	v43 =	vadd.f32 v53, v43;
	[tilespmem:s30+$0x5140] =	vst v45  }
0x166: {  	v39 =	vmul.f32 v39, v33;
	v45 =	vld [tilespmem:s30+$0x10D20];
	v49 =	vmul.f32 v49, v32;
	v42 =	vadd.f32 v51, v42;
	[tilespmem:s30+$0x5130] =	vst v44  }
0x167: {  	v38 =	vmul.f32 v38, v33;
	v44 =	vld [tilespmem:s30+$0x10D10];
	v48 =	vmul.f32 v48, v32;
	v41 =	vadd.f32 v50, v41;
	[tilespmem:s30+$0x5120] =	vst v43  }
0x168: {  	v37 =	vmul.f32 v37, v33;
	v43 =	vld [tilespmem:s30+$0x10D00];
	v50 =	vmul.f32 v54, v32;
	v40 =	vadd.f32 v49, v40;
	[tilespmem:s30+$0x5110] =	vst v42  }
0x169: {  	v36 =	vmul.f32 v36, v33;
	v42 =	vld [tilespmem:s30+$0x10970];
	v47 =	vmul.f32 v47, v32;
	v39 =	vadd.f32 v48, v39;
	[tilespmem:s30+$0x5100] =	vst v41  }
0x16a: {  	v35 =	vmul.f32 v35, v33;
	v41 =	vld [tilespmem:s30+$0x10960];
	v46 =	vmul.f32 v46, v32;
	v38 =	vadd.f32 v50, v38;
	[tilespmem:s30+$0x4D70] =	vst v40  }
0x16b: {  	v34 =	vmul.f32 v34, v33;
	v40 =	vld [tilespmem:s30+$0x10950];
	v45 =	vmul.f32 v45, v32;
	v37 =	vadd.f32 v47, v37;
	[tilespmem:s30+$0x4D60] =	vst v39  }
0x16c: {  	v31 =	vmul.f32 v31, v33;
	v39 =	vld [tilespmem:s30+$0x10940];
	v44 =	vmul.f32 v44, v32;
	v36 =	vadd.f32 v46, v36;
	[tilespmem:s30+$0x4D50] =	vst v38  }
0x16d: {  	v30 =	vmul.f32 v30, v33;
	v38 =	vld [tilespmem:s30+$0x10930];
	v43 =	vmul.f32 v43, v32;
	v35 =	vadd.f32 v45, v35;
	[tilespmem:s30+$0x4D40] =	vst v37  }
0x16e: {  	v29 =	vmul.f32 v29, v33;
	v37 =	vld [tilespmem:s30+$0x10920];
	v42 =	vmul.f32 v42, v32;
	v34 =	vadd.f32 v44, v34;
	[tilespmem:s30+$0x4D30] =	vst v36  }
0x16f: {  	v28 =	vmul.f32 v28, v33;
	v36 =	vld [tilespmem:s30+$0x10910];
	v41 =	vmul.f32 v41, v32;
	v31 =	vadd.f32 v43, v31;
	[tilespmem:s30+$0x4D20] =	vst v35  }
0x170: {  	v27 =	vmul.f32 v27, v33;
	v35 =	vld [tilespmem:s30+$0x10900];
	v40 =	vmul.f32 v40, v32;
	v30 =	vadd.f32 v42, v30;
	[tilespmem:s30+$0x4D10] =	vst v34  }
0x171: {  	v26 =	vmul.f32 v26, v33;
	v34 =	vld [tilespmem:s30+$0x10570];
	v39 =	vmul.f32 v39, v32;
	v29 =	vadd.f32 v41, v29;
	[tilespmem:s30+$0x4D00] =	vst v31  }
0x172: {  	v25 =	vmul.f32 v25, v33;
	v31 =	vld [tilespmem:s30+$0x10560];
	v38 =	vmul.f32 v38, v32;
	v28 =	vadd.f32 v40, v28;
	[tilespmem:s30+$0x4970] =	vst v30  }
0x173: {  	v24 =	vmul.f32 v24, v33;
	v30 =	vld [tilespmem:s30+$0x10550];
	v37 =	vmul.f32 v37, v32;
	v27 =	vadd.f32 v39, v27;
	[tilespmem:s30+$0x4960] =	vst v29  }
0x174: {  	v23 =	vmul.f32 v23, v33;
	v29 =	vld [tilespmem:s30+$0x10540];
	v36 =	vmul.f32 v36, v32;
	v26 =	vadd.f32 v38, v26;
	[tilespmem:s30+$0x4950] =	vst v28  }
0x175: {  	v22 =	vmul.f32 v22, v33;
	v28 =	vld [tilespmem:s30+$0x10530];
	v35 =	vmul.f32 v35, v32;
	v25 =	vadd.f32 v37, v25;
	[tilespmem:s30+$0x4940] =	vst v27  }
0x176: {  	v21 =	vmul.f32 v21, v33;
	v27 =	vld [tilespmem:s30+$0x10520];
	v34 =	vmul.f32 v34, v32;
	v24 =	vadd.f32 v36, v24;
	[tilespmem:s30+$0x4930] =	vst v26  }
0x177: {  	v20 =	vmul.f32 v20, v33;
	v26 =	vld [tilespmem:s30+$0x10510];
	v31 =	vmul.f32 v31, v32;
	v23 =	vadd.f32 v35, v23;
	[tilespmem:s30+$0x4920] =	vst v25  }
0x178: {  	v19 =	vmul.f32 v19, v33;
	v25 =	vld [tilespmem:s30+$0x10500];
	v30 =	vmul.f32 v30, v32;
	v22 =	vadd.f32 v34, v22;
	[tilespmem:s30+$0x4910] =	vst v24  }
0x179: {  	v18 =	vmul.f32 v18, v33;
	v24 =	vld [tilespmem:s30+$0x10170];
	v29 =	vmul.f32 v29, v32;
	v21 =	vadd.f32 v31, v21;
	[tilespmem:s30+$0x4900] =	vst v23  }
0x17a: {  	v17 =	vmul.f32 v17, v33;
	v23 =	vld [tilespmem:s30+$0x10160];
	v28 =	vmul.f32 v28, v32;
	v20 =	vadd.f32 v30, v20;
	[tilespmem:s30+$0x4570] =	vst v22  }
0x17b: {  	v16 =	vmul.f32 v16, v33;
	v22 =	vmul.f32 v27, v32;
	v19 =	vadd.f32 v29, v19;
	[tilespmem:s30+$0x4560] =	vst v21;
	v21 =	vld [tilespmem:s30+$0x11540]  }
0x17c: {  	v15 =	vmul.f32 v15, v33;
	v26 =	vmul.f32 v26, v32;
	v18 =	vadd.f32 v28, v18;
	[tilespmem:s30+$0x4550] =	vst v20;
	v20 =	vld [tilespmem:s30+$0x11550]  }
0x17d: {  	v14 =	vmul.f32 v14, v33;
	v25 =	vmul.f32 v25, v32;
	v17 =	vadd.f32 v22, v17;
	[tilespmem:s30+$0x4540] =	vst v19;
	v19 =	vld [tilespmem:s30+$0x11560]  }
0x17e: {  	v13 =	vmul.f32 v13, v33;
	v22 =	vmul.f32 v24, v32;
	v16 =	vadd.f32 v26, v16;
	[tilespmem:s30+$0x4530] =	vst v18;
	v18 =	vld [tilespmem:s30+$0x11570]  }
0x17f: {  	v12 =	vmul.f32 v12, v33;
	v23 =	vmul.f32 v23, v32;
	v15 =	vadd.f32 v25, v15;
	[tilespmem:s30+$0x4520] =	vst v17;
	v17 =	vld [tilespmem:s30+$0x5540]  }
0x180: {  	v10 =	vmul.f32 v10, v33;
	v11 =	vmul.f32 v11, v32;
	v14 =	vadd.f32 v22, v14;
	[tilespmem:s30+$0x4510] =	vst v16;
	v16 =	vld [tilespmem:s30+$0x5550]  }
0x181: {  	v8 =	vmul.f32 v8, v33;
	v9 =	vmul.f32 v9, v32;
	v13 =	vadd.f32 v23, v13;
	[tilespmem:s30+$0x4500] =	vst v15;
	v15 =	vld [tilespmem:s30+$0x5560]  }
0x182: {  	v6 =	vmul.f32 v6, v33;
	v7 =	vmul.f32 v7, v32;
	v11 =	vadd.f32 v11, v12;
	[tilespmem:s30+$0x4170] =	vst v14;
	v12 =	vld [tilespmem:s30+$0x5570]  }
0x183: {  	v3 =	vmul.f32 v3, v33;
	v5 =	vmul.f32 v5, v32;
	v9 =	vadd.f32 v9, v10;
	v14 =	vld [tilespmem:s30+$0x4100];
	[tilespmem:s30+$0x4160] =	vst v13  }
0x184: {  	v4 =	vmul.f32 v4, v32;
	v7 =	vadd.f32 v7, v8;
	v10 =	vld [tilespmem:s30+$0x10100];
	[tilespmem:s30+$0x4150] =	vst v11;
	v8 =	vmul.f32 v17, v33  }
0x185: {  	s1 =	sshrl.u32 s0, $0x3;
	v5 =	vadd.f32 v5, v6;
	v6 =	vmul.f32 v21, v32;
	[tilespmem:s30+$0x4140] =	vst v9;
	v9 =	vmul.f32 v16, v33  }
0x186: {  	s31 =	sadd.s32 $0x80, s31;
	s1 =	smul.u32 $0x1800, s1;
	v3 =	vadd.f32 v4, v3;
	v4 =	vmul.f32 v20, v32;
	[tilespmem:s30+$0x4130] =	vst v7;
	v7 =	vmul.f32 v15, v33  }
0x187: {  	s13 =	sand.u32 $0x380, s31;
	[tilespmem:s30+$0x4120] =	vst v5;
	v5 =	vadd.f32 v6, v8;
	v6 =	vmul.f32 v19, v32;
	v8 =	vmul.f32 v12, v33  }
0x188: {  	s1 =	sor.u32 s13, s1;
	v9 =	vadd.f32 v4, v9;
	v12 =	vmul.f32 v18, v32;
	v11 =	vmul.f32 v14, v33;
	[tilespmem:s30+$0x4110] =	vst v3  }
0x189: {  	v3 =	vld [tilespmem:s1+$0x4110];
	v10 =	vmul.f32 v10, v32;
	[tilespmem:s30+$0x5540] =	vst v5;
	v5 =	vadd.f32 v6, v7  }
0x18a: {  	v7 =	vadd.f32 v12, v8;
	v4 =	vld [tilespmem:s1+$0x10110];
	[tilespmem:s30+$0x5550] =	vst v9  }
0x18b: {  	v6 =	vld [tilespmem:s1+$0x4120];
	v9 =	vadd.f32 v10, v11;
	[tilespmem:s30+$0x5560] =	vst v5  }
0x18c: {  	v5 =	vld [tilespmem:s1+$0x10120];
	[tilespmem:s30+$0x5570] =	vst v7  }
0x18d: {  	v8 =	vld [tilespmem:s1+$0x4130];
	[tilespmem:s30+$0x4100] =	vst v9;
	s30 =	smov.u32 s1  }
0x18e: {  	v7 =	vld [tilespmem:s30+$0x10130]  }
0x18f: {  	v10 =	vld [tilespmem:s30+$0x4140]  }
0x190: {  	v9 =	vld [tilespmem:s30+$0x10140]  }
0x191: {  	v12 =	vld [tilespmem:s30+$0x4150]  }
0x192: {  	v11 =	vld [tilespmem:s30+$0x10150]  }
0x193: {  	v13 =	vld [tilespmem:s30+$0x4160]  }
0x194: {  	v14 =	vld [tilespmem:s30+$0x4170]  }
0x195: {  	v15 =	vld [tilespmem:s30+$0x4500]  }
0x196: {  	v16 =	vld [tilespmem:s30+$0x4510]  }
0x197: {  	v17 =	vld [tilespmem:s30+$0x4520]  }
0x198: {  	v18 =	vld [tilespmem:s30+$0x4530]  }
0x199: {  	v19 =	vld [tilespmem:s30+$0x4540]  }
0x19a: {  	v20 =	vld [tilespmem:s30+$0x4550]  }
0x19b: {  	v21 =	vld [tilespmem:s30+$0x4560]  }
0x19c: {  	v22 =	vld [tilespmem:s30+$0x4570]  }
0x19d: {  	v23 =	vld [tilespmem:s30+$0x4900]  }
0x19e: {  	v24 =	vld [tilespmem:s30+$0x4910]  }
0x19f: {  	v25 =	vld [tilespmem:s30+$0x4920]  }
0x1a0: {  	v26 =	vld [tilespmem:s30+$0x4930]  }
0x1a1: {  	v27 =	vld [tilespmem:s30+$0x4940]  }
0x1a2: {  	v28 =	vld [tilespmem:s30+$0x4950]  }
0x1a3: {  	v29 =	vld [tilespmem:s30+$0x4960]  }
0x1a4: {  	v30 =	vld [tilespmem:s30+$0x4970]  }
0x1a5: {  	v31 =	vld [tilespmem:s30+$0x4D00]  }
0x1a6: {  	v34 =	vld [tilespmem:s30+$0x4D10]  }
0x1a7: {  	v35 =	vld [tilespmem:s30+$0x4D20]  }
0x1a8: {  	v36 =	vld [tilespmem:s30+$0x4D30]  }
0x1a9: {  	v37 =	vld [tilespmem:s30+$0x4D40]  }
0x1aa: {  	v38 =	vld [tilespmem:s30+$0x4D50]  }
0x1ab: {  	v39 =	vld [tilespmem:s30+$0x4D60]  }
0x1ac: {  	v40 =	vld [tilespmem:s30+$0x4D70]  }
0x1ad: {  	v41 =	vld [tilespmem:s30+$0x5100]  }
0x1ae: {  	v42 =	vld [tilespmem:s30+$0x5110]  }
0x1af: {  	v43 =	vld [tilespmem:s30+$0x5120]  }
0x1b0: {  	v44 =	vld [tilespmem:s30+$0x5130]  }
0x1b1: {  	v45 =	vld [tilespmem:s30+$0x5140]  }
0x1b2: {  	v46 =	vld [tilespmem:s30+$0x5150]  }
.Ltmp0:
0x1b3: {  	v47 =	vld [tilespmem:s30+$0x5160];
	(pc) =	sbr.rel @p0 .LBB2_2-.Ltmp0, $4  }
0x1b4: {  	v48 =	vld [tilespmem:s30+$0x5500]  }
0x1b5: {  	v50 =	vld [tilespmem:s30+$0x5510]  }
0x1b6: {  	v49 =	vld [tilespmem:s30+$0x11510]  }
0x1b7: {  	s0 =	sadd.s32 $0x1, s0;
	v51 =	vld [tilespmem:s30+$0x11530]  }
0x1b8: {  	v52 =	vld [tilespmem:s30+$0x5530]  }
0x1b9: {  	v53 =	vld [tilespmem:s30+$0x5520];
	s0 =	sadd.s32 $0x80, s28  }
0x1ba: {  	s31 =	sadd.s32 $0x80, s29;
	v32 =	vld [tilespmem:s0+$0x0]  }
0x1bb: {  	v33 =	vld [tilespmem:s31+$0x0]  }
0x1bc: {  	v54 =	vld [tilespmem:s30+$0x11520];
	_ =	sdelay $0x1  }
0x1bd: {  	v55 =	vld [tilespmem:s30+$0x11500]  }
0x1be: {  	v56 =	vld [tilespmem:s30+$0x5170]  }
0x1bf: {  	v58 =	vld [tilespmem:s30+$0x11160];
	v52 =	vmul.f32 v52, v32;
	v51 =	vmul.f32 v51, v33  }
0x1c0: {  	v57 =	vld [tilespmem:s30+$0x11170];
	v53 =	vmul.f32 v53, v32;
	v54 =	vmul.f32 v54, v33  }
0x1c1: {  	v59 =	vld [tilespmem:s30+$0x11150];
	v50 =	vmul.f32 v50, v32;
	v49 =	vmul.f32 v49, v33  }
0x1c2: {  	v60 =	vld [tilespmem:s30+$0x11140];
	v48 =	vmul.f32 v48, v32;
	v62 =	vmul.f32 v55, v33;
	v51 =	vadd.f32 v51, v52  }
0x1c3: {  	v61 =	vld [tilespmem:s30+$0x11120];
	v63 =	vmul.f32 v56, v32;
	v47 =	vmul.f32 v47, v32;
	v53 =	vadd.f32 v54, v53  }
0x1c4: {  	v58 =	vmul.f32 v58, v33;
	v55 =	vld [tilespmem:s30+$0x10560];
	v12 =	vmul.f32 v12, v32;
	v49 =	vadd.f32 v49, v50;
	[tilespmem:s30+$0x5530] =	vst v51  }
0x1c5: {  	v56 =	vld [tilespmem:s30+$0x10550];
	v11 =	vmul.f32 v11, v33;
	v10 =	vmul.f32 v10, v32;
	v48 =	vadd.f32 v62, v48;
	[tilespmem:s30+$0x5520] =	vst v53  }
0x1c6: {  	v9 =	vmul.f32 v9, v33;
	v8 =	vmul.f32 v8, v32;
	v52 =	vld [tilespmem:s30+$0x11130];
	v47 =	vadd.f32 v58, v47;
	[tilespmem:s30+$0x5510] =	vst v49  }
0x1c7: {  	v7 =	vmul.f32 v7, v33;
	v6 =	vmul.f32 v6, v32;
	v50 =	vld [tilespmem:s30+$0x11100];
	v11 =	vadd.f32 v11, v12;
	[tilespmem:s30+$0x5500] =	vst v48  }
0x1c8: {  	v5 =	vmul.f32 v5, v33;
	v3 =	vmul.f32 v3, v32;
	v58 =	vld [tilespmem:s30+$0x10D20];
	v9 =	vadd.f32 v9, v10;
	[tilespmem:s30+$0x5160] =	vst v47  }
0x1c9: {  	v4 =	vmul.f32 v4, v33;
	v62 =	vmul.f32 v59, v33;
	v59 =	vld [tilespmem:s30+$0x10D10];
	v7 =	vadd.f32 v7, v8;
	[tilespmem:s30+$0x4150] =	vst v11  }
0x1ca: {  	v57 =	vmul.f32 v57, v33;
	v54 =	vld [tilespmem:s30+$0x10570];
	v5 =	vadd.f32 v5, v6;
	[tilespmem:s30+$0x4140] =	vst v9  }
0x1cb: {  	v46 =	vmul.f32 v46, v32;
	v3 =	vadd.f32 v4, v3;
	v51 =	vld [tilespmem:s30+$0x11110];
	[tilespmem:s30+$0x4130] =	vst v7  }
0x1cc: {  	v45 =	vmul.f32 v45, v32;
	v49 =	vld [tilespmem:s30+$0x10D70];
	v53 =	vadd.f32 v57, v63;
	v63 =	vmul.f32 v60, v33;
	[tilespmem:s30+$0x4120] =	vst v5  }
0x1cd: {  	v43 =	vmul.f32 v43, v32;
	v48 =	vld [tilespmem:s30+$0x10D60];
	v46 =	vadd.f32 v62, v46;
	v57 =	vmul.f32 v61, v33;
	[tilespmem:s30+$0x4110] =	vst v3  }
0x1ce: {  	v44 =	vmul.f32 v44, v32;
	v47 =	vld [tilespmem:s30+$0x10D40];
	[tilespmem:s30+$0x5170] =	vst v53;
	v45 =	vadd.f32 v63, v45;
	v52 =	vmul.f32 v52, v33  }
0x1cf: {  	v41 =	vmul.f32 v41, v32;
	v60 =	vld [tilespmem:s30+$0x10D00];
	[tilespmem:s30+$0x5150] =	vst v46;
	v43 =	vadd.f32 v57, v43;
	v50 =	vmul.f32 v50, v33  }
0x1d0: {  	v35 =	vmul.f32 v35, v32;
	v61 =	vld [tilespmem:s30+$0x10970];
	[tilespmem:s30+$0x5140] =	vst v45;
	v45 =	vmul.f32 v58, v33;
	v44 =	vadd.f32 v52, v44  }
0x1d1: {  	v42 =	vmul.f32 v42, v32;
	v53 =	vld [tilespmem:s30+$0x10D50];
	[tilespmem:s30+$0x5120] =	vst v43;
	v51 =	vmul.f32 v51, v33;
	v41 =	vadd.f32 v50, v41  }
0x1d2: {  	v40 =	vmul.f32 v40, v32;
	v46 =	vld [tilespmem:s30+$0x10D30];
	v49 =	vmul.f32 v49, v33;
	v35 =	vadd.f32 v45, v35;
	[tilespmem:s30+$0x5130] =	vst v44  }
0x1d3: {  	v39 =	vmul.f32 v39, v32;
	v62 =	vld [tilespmem:s30+$0x10960];
	v48 =	vmul.f32 v48, v33;
	v42 =	vadd.f32 v51, v42;
	[tilespmem:s30+$0x5100] =	vst v41  }
0x1d4: {  	v37 =	vmul.f32 v37, v32;
	v57 =	vld [tilespmem:s30+$0x10540];
	v47 =	vmul.f32 v47, v33;
	v40 =	vadd.f32 v49, v40;
	[tilespmem:s30+$0x4D20] =	vst v35  }
0x1d5: {  	v31 =	vmul.f32 v31, v32;
	v58 =	vld [tilespmem:s30+$0x10530];
	v43 =	vmul.f32 v60, v33;
	v39 =	vadd.f32 v48, v39;
	[tilespmem:s30+$0x5110] =	vst v42  }
0x1d6: {  	v38 =	vmul.f32 v38, v32;
	v50 =	vld [tilespmem:s30+$0x10930];
	v63 =	vmul.f32 v53, v33;
	v37 =	vadd.f32 v47, v37;
	[tilespmem:s30+$0x4D70] =	vst v40  }
0x1d7: {  	v36 =	vmul.f32 v36, v32;
	v60 =	vld [tilespmem:s30+$0x10510];
	v46 =	vmul.f32 v46, v33;
	v31 =	vadd.f32 v43, v31;
	[tilespmem:s30+$0x4D60] =	vst v39  }
0x1d8: {  	v34 =	vmul.f32 v34, v32;
	v52 =	vld [tilespmem:s30+$0x10910];
	v44 =	vmul.f32 v59, v33;
	v38 =	vadd.f32 v63, v38;
	[tilespmem:s30+$0x4D40] =	vst v37  }
0x1d9: {  	v29 =	vmul.f32 v29, v32;
	v45 =	vld [tilespmem:s30+$0x5540];
	v41 =	vmul.f32 v62, v33;
	v36 =	vadd.f32 v46, v36;
	[tilespmem:s30+$0x4D00] =	vst v31  }
0x1da: {  	v21 =	vmul.f32 v21, v32;
	v48 =	vld [tilespmem:s30+$0x10950];
	v62 =	vmul.f32 v55, v33;
	v34 =	vadd.f32 v44, v34;
	[tilespmem:s30+$0x4D50] =	vst v38  }
0x1db: {  	v30 =	vmul.f32 v30, v32;
	v49 =	vld [tilespmem:s30+$0x10940];
	v42 =	vmul.f32 v61, v33;
	v29 =	vadd.f32 v41, v29;
	[tilespmem:s30+$0x4D30] =	vst v36  }
0x1dc: {  	v16 =	vmul.f32 v16, v32;
	v51 =	vld [tilespmem:s30+$0x10920];
	v21 =	vadd.f32 v62, v21;
	v41 =	vmul.f32 v60, v33;
	[tilespmem:s30+$0x4D10] =	vst v34  }
0x1dd: {  	v26 =	vmul.f32 v26, v32;
	v53 =	vld [tilespmem:s30+$0x10900];
	v30 =	vadd.f32 v42, v30;
	[tilespmem:s30+$0x4960] =	vst v29;
	v38 =	vmul.f32 v50, v33  }
0x1de: {  	v24 =	vmul.f32 v24, v32;
	v59 =	vld [tilespmem:s30+$0x10520];
	v36 =	vmul.f32 v52, v33;
	[tilespmem:s30+$0x4560] =	vst v21;
	v16 =	vadd.f32 v41, v16  }
0x1df: {  	v22 =	vmul.f32 v22, v32;
	v43 =	vld [tilespmem:s30+$0x11570];
	v34 =	vmul.f32 v54, v33;
	[tilespmem:s30+$0x4970] =	vst v30;
	v26 =	vadd.f32 v38, v26  }
0x1e0: {  	v28 =	vmul.f32 v28, v32;
	v61 =	vld [tilespmem:s30+$0x10500];
	v40 =	vmul.f32 v48, v33;
	v24 =	vadd.f32 v36, v24;
	[tilespmem:s30+$0x4510] =	vst v16  }
0x1e1: {  	v27 =	vmul.f32 v27, v32;
	v63 =	vld [tilespmem:s30+$0x10170];
	v39 =	vmul.f32 v49, v33;
	v22 =	vadd.f32 v34, v22;
	[tilespmem:s30+$0x4930] =	vst v26  }
0x1e2: {  	v25 =	vmul.f32 v25, v32;
	v46 =	vld [tilespmem:s30+$0x5550];
	v37 =	vmul.f32 v51, v33;
	v28 =	vadd.f32 v40, v28;
	[tilespmem:s30+$0x4910] =	vst v24  }
0x1e3: {  	v23 =	vmul.f32 v23, v32;
	v50 =	vld [tilespmem:s30+$0x10100];
	v35 =	vmul.f32 v53, v33;
	v27 =	vadd.f32 v39, v27;
	[tilespmem:s30+$0x4570] =	vst v22  }
0x1e4: {  	v20 =	vmul.f32 v20, v32;
	v48 =	vld [tilespmem:s30+$0x5560];
	v30 =	vmul.f32 v56, v33;
	v25 =	vadd.f32 v37, v25;
	[tilespmem:s30+$0x4950] =	vst v28  }
0x1e5: {  	v19 =	vmul.f32 v19, v32;
	v51 =	vld [tilespmem:s30+$0x4100];
	v23 =	vadd.f32 v35, v23;
	v35 =	vmul.f32 v57, v33;
	[tilespmem:s30+$0x4940] =	vst v27  }
0x1e6: {  	v18 =	vmul.f32 v18, v32;
	v34 =	vld [tilespmem:s30+$0x10160];
	v37 =	vmul.f32 v58, v33;
	v20 =	vadd.f32 v30, v20;
	[tilespmem:s30+$0x4920] =	vst v25  }
0x1e7: {  	v17 =	vmul.f32 v17, v32;
	v36 =	vld [tilespmem:s30+$0x11540];
	v39 =	vmul.f32 v59, v33;
	[tilespmem:s30+$0x4900] =	vst v23;
	v19 =	vadd.f32 v35, v19  }
0x1e8: {  	v15 =	vmul.f32 v15, v32;
	v38 =	vld [tilespmem:s30+$0x11550];
	v42 =	vmul.f32 v61, v33;
	v18 =	vadd.f32 v37, v18;
	[tilespmem:s30+$0x4550] =	vst v20  }
0x1e9: {  	v14 =	vmul.f32 v14, v32;
	v40 =	vld [tilespmem:s30+$0x11560];
	v44 =	vmul.f32 v63, v33;
	v17 =	vadd.f32 v39, v17;
	[tilespmem:s30+$0x4540] =	vst v19  }
0x1ea: {  	v49 =	vld [tilespmem:s30+$0x5570];
	v15 =	vadd.f32 v42, v15;
	v10 =	vmul.f32 v50, v33;
	v61 =	vmul.f32 v51, v32;
	[tilespmem:s30+$0x4530] =	vst v18  }
0x1eb: {  	v13 =	vmul.f32 v13, v32;
	v14 =	vadd.f32 v44, v14;
	[tilespmem:s30+$0x4520] =	vst v17;
	v47 =	vmul.f32 v34, v33  }
0x1ec: {  	v52 =	vmul.f32 v45, v32;
	[tilespmem:s30+$0x4500] =	vst v15;
	v53 =	vmul.f32 v36, v33;
	v63 =	vadd.f32 v10, v61  }
0x1ed: {  	v54 =	vmul.f32 v46, v32;
	[tilespmem:s30+$0x4170] =	vst v14;
	v55 =	vmul.f32 v38, v33;
	v13 =	vadd.f32 v47, v13  }
0x1ee: {  	v56 =	vmul.f32 v48, v32;
	v58 =	vmul.f32 v40, v33;
	v57 =	vadd.f32 v53, v52;
	[tilespmem:s30+$0x4100] =	vst v63  }
0x1ef: {  	v60 =	vmul.f32 v43, v33;
	v59 =	vmul.f32 v49, v32;
	v3 =	vadd.f32 v55, v54;
	[tilespmem:s30+$0x4160] =	vst v13  }
0x1f0: {  	v62 =	vadd.f32 v58, v56;
	[tilespmem:s30+$0x5540] =	vst v57  }
0x1f1: {  	s26 =	sadd.s32 $0x1, s26;
	[tilespmem:s30+$0x5550] =	vst v3;
	v3 =	vadd.f32 v60, v59  }
0x1f2: {  	p0 =	sne.s32 s26, s11;
	[tilespmem:s30+$0x5560] =	vst v62  }
.Ltmp1:
0x1f3: {  	[tilespmem:s30+$0x5570] =	vst v3;
	(pc) =	sbr.rel @p0 .LBB2_1-.Ltmp1, $4  }
0x1f4: {  	[hbm4b:s10+s2] =	stream.linear.scatter [tilespmem:s14], [sflag:$0x3], $0xC000, $0x38;
	[tilespmem:$0x1C100] =	vst v63  }
0x1f5: {  	_ =	swait.ge [sflag:s12], $0xC000  }
0x1f6: {  	[sflag:s12] =	ssyncset.done $0x0  }
0x1f7: {  	[sflag:s12] =	ssyncadd.s32 $0xFFFF4000  }
0x1f8: {  	_ =	sfence.sel $0x180000  }
0x1f9: {  	[bflag:$0x0] =	sbarrier.arrive $0xFFFF  }
0x1fa: {  	_ =	strace $0x9000004A  }
0x1fb: {  	s0 =	stileid.u32;
	[bflag:$0x2] =	sbarrier.arrive $0xFFFF  }
0x1fc: {  	p0 =	sne.s32 s0, $0x0;
	s0 =	rddreg [dreg:$0x2]  }
0x1fd: {  	s0 =	sadd.s32 @!p0 $0x100000, s0  }
0x1fe: {  	[sflag:s0] =	ssyncadd.tile.s32 @!p0 $0x1;
	_ =	shalt  }
.Lfunc_end2:
_tile_overlayer_lowered:
.L_overlay_start_2:
0x1ff: {  	(tag) =	ssettag $0x2  }
0x200: {  	s0 =	rddreg [dreg:$0x0];
	s2 =	stileid.u32  }
0x201: {  	s1 =	rddreg [dreg:$0x1];
	p0 =	sne.s32 s2, $0x0  }
0x202: {  	s3 =	rddreg [dreg:$0x2];
	[bflag:$0x3] =	sbarrier.arrive $0xFFFF;
	s2 =	simm.s32 @!p0 $0x1C03  }
0x203: {  	[timem:s3], [sflag:s2] =	dma.local @!p0 [hbm:s0], s1  }
0x204: {  	s0 =	simm.s32 @!p0 $0x3  }
0x205: {  	_ =	swait.ge @!p0 [sflag:s0], s1  }
0x206: {  	s1 =	ssub.s32 @!p0 $0x0, s1;
	[sflag:s0] =	ssyncset.done @!p0 $0x0  }
0x207: {  	[sflag:s0] =	ssyncadd.s32 @!p0 s1  }
0x208: {  	[bflag:$0x3] =	sbarrier.arrive $0xFFFF  }
0x209: {  	_ =	shalt  }

</sc_bundles>
